<compile_context>
chip_gen: v7x
topology: tpu7x:2x2x1
jax: 0.10.2.dev20260603
libtpu: 0.0.44.dev20260713+nightly
codegen_flags: <defaults>
</compile_context>

<pallas_src>
import functools

import jax
import jax.numpy as jnp
from jax import lax
from jax.experimental import pallas as pl
from jax.experimental.pallas import tpu as pltpu
from jax.experimental.pallas import tpu_sc as plsc

_GAMMA = 12.0
_D = 128
_NNODES = 10000
_CHUNK = 80

_info = plsc.get_sparse_core_info()
_NC = _info.num_cores
_NS = _info.num_subcores
_NW = _NC * _NS
_L = _info.num_lanes


def _normalize_body(x_ref, o_ref):
    x = x_ref[...]
    n = jnp.sqrt(jnp.sum(x * x, axis=1, keepdims=True))
    o_ref[...] = x / jnp.maximum(n, 1e-12)


def _normalize(x):
    n_rows, d = x.shape
    blk = 1000
    return pl.pallas_call(
        _normalize_body,
        grid=(n_rows // blk,),
        in_specs=[pl.BlockSpec((blk, d), lambda i: (i, 0))],
        out_specs=pl.BlockSpec((blk, d), lambda i: (i, 0)),
        out_shape=jax.ShapeDtypeStruct((n_rows, d), x.dtype),
    )(x)


_W = _D * _L


def _finish_body(p_ref, o_ref):
    x = p_ref[...]
    c = lax.broadcasted_iota(jnp.int32, (_W, _D), 0)
    g = lax.broadcasted_iota(jnp.int32, (_W, _D), 1)
    sel = jnp.where(c // _L == g, 1.0, 0.0).astype(jnp.float32)
    o_ref[...] = _GAMMA - jnp.dot(x, sel,
                                  precision=lax.Precision.HIGHEST,
                                  preferred_element_type=jnp.float32)


def _finish(partial_flat):
    n_rows = partial_flat.shape[0] // _W
    p2 = partial_flat.reshape(n_rows, _W)
    return pl.pallas_call(
        _finish_body,
        out_shape=jax.ShapeDtypeStruct((n_rows, _D), jnp.float32),
    )(p2)


def _make_sc_partial(num_edges):
    per_w = num_edges // _NW
    n_chunks = per_w // _CHUNK
    assert per_w * _NW == num_edges and n_chunks * _CHUNK == per_w
    assert n_chunks % 2 == 1

    mesh = plsc.VectorSubcoreMesh(core_axis_name="c", subcore_axis_name="s")

    buf_types = [
        pltpu.VMEM((_CHUNK, _D), jnp.float32),
        pltpu.VMEM((_CHUNK, _D), jnp.float32),
        pltpu.VMEM((_CHUNK, 2 * _D), jnp.float32),
        pltpu.VMEM((_CHUNK * _L,), jnp.float32),
    ]
    sem_types = [pltpu.SemaphoreType.DMA] * 6

    @functools.partial(
        pl.kernel,
        mesh=mesh,
        out_type=jax.ShapeDtypeStruct((num_edges * _L,), jnp.float32),
        scratch_types=[pltpu.VMEM((per_w,), jnp.int32),
                       pltpu.VMEM((per_w,), jnp.int32)]
        + buf_types + buf_types + sem_types,
    )
    def sc_partial(xn, ei, attr, out, siv, div,
                   hv0, tv0, rv0, ov0,
                   hv1, tv1, rv1, ov1,
                   sh0, st0, sr0, sh1, st1, sr1):
        wid = lax.axis_index("s") * _NC + lax.axis_index("c")
        bufs = ((hv0, tv0, rv0, ov0, sh0, st0, sr0),
                (hv1, tv1, rv1, ov1, sh1, st1, sr1))

        pltpu.sync_copy(ei.at[pl.ds(wid * per_w, per_w)], siv)
        pltpu.sync_copy(ei.at[pl.ds(num_edges + wid * per_w, per_w)], div)

        def issue(jc, b):
            hv, tv, rv, _, sh, st, sr = bufs[b]
            base = wid * per_w + jc * _CHUNK
            off = jc * _CHUNK
            pltpu.async_copy(xn.at[siv.at[pl.ds(off, _CHUNK)]], hv, sh)
            pltpu.async_copy(xn.at[div.at[pl.ds(off, _CHUNK)]], tv, st)
            pltpu.async_copy(attr.at[pl.ds(base, _CHUNK)], rv, sr)

        def wait_bufs(b):
            hv, tv, rv, _, sh, st, sr = bufs[b]
            pltpu.make_async_copy(xn.at[siv.at[pl.ds(0, _CHUNK)]], hv, sh).wait()
            pltpu.make_async_copy(xn.at[div.at[pl.ds(0, _CHUNK)]], tv, st).wait()
            pltpu.make_async_copy(attr.at[pl.ds(0, _CHUNK)], rv, sr).wait()

        def compute(jc, b):
            hv, tv, rv, ov, _, _, _ = bufs[b]

            def edge_body(i4, carry2):
                for u in range(4):
                    e = i4 * 4 + u
                    acc0 = jnp.zeros((_L,), jnp.float32)
                    acc1 = jnp.zeros((_L,), jnp.float32)
                    for jj in range(_D // _L):
                        h = hv[e, pl.ds(jj * _L, _L)]
                        t = tv[e, pl.ds(jj * _L, _L)]
                        rh = rv[e, pl.ds(jj * _L, _L)]
                        rt = rv[e, pl.ds(_D + jj * _L, _L)]
                        term = jnp.abs(h * rh - t * rt)
                        if jj % 2 == 0:
                            acc0 = acc0 + term
                        else:
                            acc1 = acc1 + term
                    ov[pl.ds(e * _L, _L)] = acc0 + acc1
                return carry2

            lax.fori_loop(0, _CHUNK // 4, edge_body, 0)
            base = wid * per_w + jc * _CHUNK
            pltpu.sync_copy(ov, out.at[pl.ds(base * _L, _CHUNK * _L)])

        issue(0, 0)

        def body(k, carry):
            jc = 2 * k
            wait_bufs(0)
            issue(jc + 1, 1)
            compute(jc, 0)
            wait_bufs(1)
            issue(jc + 2, 0)
            compute(jc + 1, 1)
            return carry

        lax.fori_loop(0, (n_chunks - 1) // 2, body, 0)
        wait_bufs(0)
        compute(n_chunks - 1, 0)

    return sc_partial


def kernel(x, edge_index, edge_attr):
    xn = _normalize(x.astype(jnp.float32))
    ei = edge_index.astype(jnp.int32).reshape(-1)
    partial = _make_sc_partial(edge_index.shape[1])(
        xn, ei, edge_attr.astype(jnp.float32))
    return _finish(partial).reshape(-1, 1)

# --- scband reference (transcript-rebuilt; emitter-appended) ---
"""Pipeline reference for scband-pair-re-1872605741816 (READ-ONLY COPY).

The authoritative reference and input builder live on the scoring server;
editing this copy changes nothing except your own understanding.
"""

import jax, jax.numpy as jnp
import numpy as np

GAMMA = 12.0
N_NODES = 10000
D = 128
E = 320000


def setup_inputs(seed: int = 0) -> dict:
    key = jax.random.key(seed)
    k1, k2, k3 = jax.random.split(key, 3)
    x = jax.random.normal(k1, (N_NODES, D), dtype=jnp.float32)
    edge_index = jax.random.randint(k2, (2, E), 0, N_NODES)
    edge_attr = jax.random.normal(k3, (E, 2 * D), dtype=jnp.float32)
    return {"x": x, "edge_index": edge_index, "edge_attr": edge_attr}


def _l2_normalize(v, eps=1e-12):
    # matches torch.nn.functional.normalize(v, p=2, dim=-1)
    n = jnp.linalg.norm(v, ord=2, axis=-1, keepdims=True)
    return v / jnp.maximum(n, eps)


def reference(x, edge_index, edge_attr):
    # PairRE edge_func: per-edge score
    # head = src emb, tail = dst emb, relation = edge emb (dim 2*D)
    head = jnp.take(x, edge_index[0], axis=0)          # [E, D] gather
    tail = jnp.take(x, edge_index[1], axis=0)          # [E, D] gather
    head = head[:, None, :]                            # unsqueeze(1)
    tail = tail[:, None, :]
    relation = edge_attr[:, None, :]
    re_head, re_tail = jnp.split(relation, 2, axis=2)  # th.chunk(relation, 2, dim=2)
    head = _l2_normalize(head)
    tail = _l2_normalize(tail)
    score = head * re_head - tail * re_tail            # [E, 1, D]
    score = GAMMA - jnp.sum(jnp.abs(score), axis=2)    # L1 norm over dim 2 -> [E, 1]
    return score

if __name__ == "__main__":
    import jax
    _d = setup_inputs()
    print(jax.jit(kernel)(*tuple(_d.values())))

</pallas_src>

<mosaic_0001>
#map = affine_map<(d0, d1) -> (0, 0)>
#map1 = affine_map<(d0, d1) -> (0)>
module attributes {stable_mosaic.version = 14 : i64} {
  func.func @sc_partial(%arg0: i32, %arg1: i32, %arg2: memref<10000x128xf32, #tpu.memory_space<hbm>>, %arg3: memref<640000xi32, #tpu.memory_space<hbm>>, %arg4: memref<320000x256xf32, #tpu.memory_space<hbm>>, %arg5: memref<5120000xf32, #tpu.memory_space<hbm>>, %arg6: memref<10000xi32, #tpu.memory_space<vmem>>, %arg7: memref<10000xi32, #tpu.memory_space<vmem>>, %arg8: memref<80x128xf32, #tpu.memory_space<vmem>>, %arg9: memref<80x128xf32, #tpu.memory_space<vmem>>, %arg10: memref<80x256xf32, #tpu.memory_space<vmem>>, %arg11: memref<1280xf32, #tpu.memory_space<vmem>>, %arg12: memref<80x128xf32, #tpu.memory_space<vmem>>, %arg13: memref<80x128xf32, #tpu.memory_space<vmem>>, %arg14: memref<80x256xf32, #tpu.memory_space<vmem>>, %arg15: memref<1280xf32, #tpu.memory_space<vmem>>, %arg16: memref<!tpu.dma_semaphore, #tpu.memory_space<semaphore_mem>>, %arg17: memref<!tpu.dma_semaphore, #tpu.memory_space<semaphore_mem>>, %arg18: memref<!tpu.dma_semaphore, #tpu.memory_space<semaphore_mem>>, %arg19: memref<!tpu.dma_semaphore, #tpu.memory_space<semaphore_mem>>, %arg20: memref<!tpu.dma_semaphore, #tpu.memory_space<semaphore_mem>>, %arg21: memref<!tpu.dma_semaphore, #tpu.memory_space<semaphore_mem>>) attributes {dimension_semantics = [#tpu.dimension_semantics<core_parallel>, #tpu.dimension_semantics<subcore_parallel>], iteration_bounds = array<i64: 2, 16>, scalar_prefetch = 0 : i64, scratch_operands = 16 : i64, tpu.core_type = #tpu.core_type<sc_vector_subcore>, window_params = [{transform_indices = #map}, {transform_indices = #map1}, {transform_indices = #map}, {transform_indices = #map1}]} {
    %mul3A = arith.constant 2 : i32
    %mul3A_0 = arith.muli %arg1, %mul3A : i32
    %add3A = arith.addi %mul3A_0, %arg0 : i32
    %mul3A_1 = arith.constant 10000 : i32
    %mul3A_2 = arith.muli %add3A, %mul3A_1 : i32
    "tpu.region"() ({
      %run_scoped3A = tpu.sem_alloc : memref<!tpu.dma_semaphore, #tpu.memory_space<semaphore_mem>>
      %dma_start3A_56 = tpu.memref_slice %arg3[%mul3A_2] : memref<640000xi32, #tpu.memory_space<hbm>> -> memref<10000xi32, #tpu.memory_space<hbm>>
      %dma_start3A_57 = tpu.memref_slice %arg3[%mul3A_2] : memref<640000xi32, #tpu.memory_space<hbm>> -> memref<10000xi32, #tpu.memory_space<hbm>>
      tpu.enqueue_dma source(%dma_start3A_57 : memref<10000xi32, #tpu.memory_space<hbm>>) target(%arg6 : memref<10000xi32, #tpu.memory_space<vmem>>) target_semaphore(%run_scoped3A : memref<!tpu.dma_semaphore, #tpu.memory_space<semaphore_mem>>)
      %dma_wait3A_58 = tpu.memref_slice %arg3[%mul3A_2] : memref<640000xi32, #tpu.memory_space<hbm>> -> memref<10000xi32, #tpu.memory_space<hbm>>
      %dma_wait3A_59 = tpu.memref_slice %arg3[%mul3A_2] : memref<640000xi32, #tpu.memory_space<hbm>> -> memref<10000xi32, #tpu.memory_space<hbm>>
      tpu.wait_dma2 semaphore(%run_scoped3A : memref<!tpu.dma_semaphore, #tpu.memory_space<semaphore_mem>>) src(%dma_wait3A_59 : memref<10000xi32, #tpu.memory_space<hbm>>) dst(%arg6 : memref<10000xi32, #tpu.memory_space<vmem>>)
      tpu.yield
    }) : () -> ()
    %mul3A_3 = arith.constant 10000 : i32
    %mul3A_4 = arith.muli %add3A, %mul3A_3 : i32
    %add3A_5 = arith.constant 320000 : i32
    %add3A_6 = arith.addi %add3A_5, %mul3A_4 : i32
    "tpu.region"() ({
      %run_scoped3A = tpu.sem_alloc : memref<!tpu.dma_semaphore, #tpu.memory_space<semaphore_mem>>
      %dma_start3A_56 = tpu.memref_slice %arg3[%add3A_6] : memref<640000xi32, #tpu.memory_space<hbm>> -> memref<10000xi32, #tpu.memory_space<hbm>>
      %dma_start3A_57 = tpu.memref_slice %arg3[%add3A_6] : memref<640000xi32, #tpu.memory_space<hbm>> -> memref<10000xi32, #tpu.memory_space<hbm>>
      tpu.enqueue_dma source(%dma_start3A_57 : memref<10000xi32, #tpu.memory_space<hbm>>) target(%arg7 : memref<10000xi32, #tpu.memory_space<vmem>>) target_semaphore(%run_scoped3A : memref<!tpu.dma_semaphore, #tpu.memory_space<semaphore_mem>>)
      %dma_wait3A_58 = tpu.memref_slice %arg3[%add3A_6] : memref<640000xi32, #tpu.memory_space<hbm>> -> memref<10000xi32, #tpu.memory_space<hbm>>
      %dma_wait3A_59 = tpu.memref_slice %arg3[%add3A_6] : memref<640000xi32, #tpu.memory_space<hbm>> -> memref<10000xi32, #tpu.memory_space<hbm>>
      tpu.wait_dma2 semaphore(%run_scoped3A : memref<!tpu.dma_semaphore, #tpu.memory_space<semaphore_mem>>) src(%dma_wait3A_59 : memref<10000xi32, #tpu.memory_space<hbm>>) dst(%arg7 : memref<10000xi32, #tpu.memory_space<vmem>>)
      tpu.yield
    }) : () -> ()
    %mul3A_7 = arith.constant 10000 : i32
    %mul3A_8 = arith.muli %add3A, %mul3A_7 : i32
    %add3A_9 = arith.constant 0 : i32
    %add3A_10 = arith.addi %mul3A_8, %add3A_9 : i32
    %dma_start3A = arith.constant 0 : i32
    %dma_start3A_11 = tpu.memref_slice %arg6[%dma_start3A] : memref<10000xi32, #tpu.memory_space<vmem>> -> memref<80xi32, #tpu.memory_space<vmem>>
    %dma_start3A_12 = arith.constant 0 : i32
    %dma_start3A_13 = arith.constant 0 : i32
    %dma_start3A_14 = tpu.memref_slice %arg2[%dma_start3A_12, %dma_start3A_13] : memref<10000x128xf32, #tpu.memory_space<hbm>> -> memref<10000x128xf32, #tpu.memory_space<hbm>>
    tpu.enqueue_indirect_dma source(%dma_start3A_14 : memref<10000x128xf32, #tpu.memory_space<hbm>>) target(%arg8 : memref<80x128xf32, #tpu.memory_space<vmem>>) offsets(%dma_start3A_11 : memref<80xi32, #tpu.memory_space<vmem>>) semaphore(%arg16 : memref<!tpu.dma_semaphore, #tpu.memory_space<semaphore_mem>>)
    %dma_start3A_15 = arith.constant 0 : i32
    %dma_start3A_16 = tpu.memref_slice %arg7[%dma_start3A_15] : memref<10000xi32, #tpu.memory_space<vmem>> -> memref<80xi32, #tpu.memory_space<vmem>>
    %dma_start3A_17 = arith.constant 0 : i32
    %dma_start3A_18 = arith.constant 0 : i32
    %dma_start3A_19 = tpu.memref_slice %arg2[%dma_start3A_17, %dma_start3A_18] : memref<10000x128xf32, #tpu.memory_space<hbm>> -> memref<10000x128xf32, #tpu.memory_space<hbm>>
    tpu.enqueue_indirect_dma source(%dma_start3A_19 : memref<10000x128xf32, #tpu.memory_space<hbm>>) target(%arg9 : memref<80x128xf32, #tpu.memory_space<vmem>>) offsets(%dma_start3A_16 : memref<80xi32, #tpu.memory_space<vmem>>) semaphore(%arg17 : memref<!tpu.dma_semaphore, #tpu.memory_space<semaphore_mem>>)
    %dma_start3A_20 = arith.constant 0 : i32
    %dma_start3A_21 = tpu.memref_slice %arg4[%add3A_10, %dma_start3A_20] : memref<320000x256xf32, #tpu.memory_space<hbm>> -> memref<80x256xf32, #tpu.memory_space<hbm>>
    %dma_start3A_22 = arith.constant 0 : i32
    %dma_start3A_23 = tpu.memref_slice %arg4[%add3A_10, %dma_start3A_22] : memref<320000x256xf32, #tpu.memory_space<hbm>> -> memref<80x256xf32, #tpu.memory_space<hbm>>
    tpu.enqueue_dma source(%dma_start3A_23 : memref<80x256xf32, #tpu.memory_space<hbm>>) target(%arg10 : memref<80x256xf32, #tpu.memory_space<vmem>>) target_semaphore(%arg18 : memref<!tpu.dma_semaphore, #tpu.memory_space<semaphore_mem>>)
    %scan3A = arith.constant 0 : i32
    %scan3A_24 = arith.constant 0 : i32
    %scan3A_25 = arith.constant 62 : i32
    %scan3A_26 = arith.addi %scan3A_24, %scan3A_25 : i32
    %scan3A_27 = arith.constant 1 : i32
    scf.for %scan3A_56 = %scan3A_24 to %scan3A_26 step %scan3A_27  : i32 {
      %mul3A_57 = arith.constant 2 : i32
      %mul3A_58 = arith.muli %mul3A_57, %scan3A_56 : i32
      %dma_wait3A_59 = arith.constant 0 : i32
      %dma_wait3A_60 = tpu.memref_slice %arg6[%dma_wait3A_59] : memref<10000xi32, #tpu.memory_space<vmem>> -> memref<80xi32, #tpu.memory_space<vmem>>
      %dma_wait3A_61 = arith.constant 0 : i32
      %dma_wait3A_62 = arith.constant 0 : i32
      %dma_wait3A_63 = tpu.memref_slice %arg2[%dma_wait3A_61, %dma_wait3A_62] : memref<10000x128xf32, #tpu.memory_space<hbm>> -> memref<10000x128xf32, #tpu.memory_space<hbm>>
      tpu.wait_indirect_dma semaphore(%arg16 : memref<!tpu.dma_semaphore, #tpu.memory_space<semaphore_mem>>) src(%dma_wait3A_63 : memref<10000x128xf32, #tpu.memory_space<hbm>>) dst(%arg8 : memref<80x128xf32, #tpu.memory_space<vmem>>)
      %dma_wait3A_64 = arith.constant 0 : i32
      %dma_wait3A_65 = tpu.memref_slice %arg7[%dma_wait3A_64] : memref<10000xi32, #tpu.memory_space<vmem>> -> memref<80xi32, #tpu.memory_space<vmem>>
      %dma_wait3A_66 = arith.constant 0 : i32
      %dma_wait3A_67 = arith.constant 0 : i32
      %dma_wait3A_68 = tpu.memref_slice %arg2[%dma_wait3A_66, %dma_wait3A_67] : memref<10000x128xf32, #tpu.memory_space<hbm>> -> memref<10000x128xf32, #tpu.memory_space<hbm>>
      tpu.wait_indirect_dma semaphore(%arg17 : memref<!tpu.dma_semaphore, #tpu.memory_space<semaphore_mem>>) src(%dma_wait3A_68 : memref<10000x128xf32, #tpu.memory_space<hbm>>) dst(%arg9 : memref<80x128xf32, #tpu.memory_space<vmem>>)
      %dma_wait3A_69 = arith.constant 0 : i32
      %dma_wait3A_70 = arith.constant 0 : i32
      %dma_wait3A_71 = tpu.memref_slice %arg4[%dma_wait3A_69, %dma_wait3A_70] : memref<320000x256xf32, #tpu.memory_space<hbm>> -> memref<80x256xf32, #tpu.memory_space<hbm>>
      %dma_wait3A_72 = arith.constant 0 : i32
      %dma_wait3A_73 = arith.constant 0 : i32
      %dma_wait3A_74 = tpu.memref_slice %arg4[%dma_wait3A_72, %dma_wait3A_73] : memref<320000x256xf32, #tpu.memory_space<hbm>> -> memref<80x256xf32, #tpu.memory_space<hbm>>
      tpu.wait_dma2 semaphore(%arg18 : memref<!tpu.dma_semaphore, #tpu.memory_space<semaphore_mem>>) src(%dma_wait3A_74 : memref<80x256xf32, #tpu.memory_space<hbm>>) dst(%arg10 : memref<80x256xf32, #tpu.memory_space<vmem>>)
      %add3A_75 = arith.constant 1 : i32
      %add3A_76 = arith.addi %mul3A_58, %add3A_75 : i32
      %mul3A_77 = arith.constant 10000 : i32
      %mul3A_78 = arith.muli %add3A, %mul3A_77 : i32
      %mul3A_79 = arith.constant 80 : i32
      %mul3A_80 = arith.muli %add3A_76, %mul3A_79 : i32
      %add3A_81 = arith.addi %mul3A_78, %mul3A_80 : i32
      %mul3A_82 = arith.constant 80 : i32
      %mul3A_83 = arith.muli %add3A_76, %mul3A_82 : i32
      %dma_start3A_84 = tpu.memref_slice %arg6[%mul3A_83] : memref<10000xi32, #tpu.memory_space<vmem>> -> memref<80xi32, #tpu.memory_space<vmem>>
      %dma_start3A_85 = arith.constant 0 : i32
      %dma_start3A_86 = arith.constant 0 : i32
      %dma_start3A_87 = tpu.memref_slice %arg2[%dma_start3A_85, %dma_start3A_86] : memref<10000x128xf32, #tpu.memory_space<hbm>> -> memref<10000x128xf32, #tpu.memory_space<hbm>>
      tpu.enqueue_indirect_dma source(%dma_start3A_87 : memref<10000x128xf32, #tpu.memory_space<hbm>>) target(%arg12 : memref<80x128xf32, #tpu.memory_space<vmem>>) offsets(%dma_start3A_84 : memref<80xi32, #tpu.memory_space<vmem>>) semaphore(%arg19 : memref<!tpu.dma_semaphore, #tpu.memory_space<semaphore_mem>>)
      %dma_start3A_88 = tpu.memref_slice %arg7[%mul3A_83] : memref<10000xi32, #tpu.memory_space<vmem>> -> memref<80xi32, #tpu.memory_space<vmem>>
      %dma_start3A_89 = arith.constant 0 : i32
      %dma_start3A_90 = arith.constant 0 : i32
      %dma_start3A_91 = tpu.memref_slice %arg2[%dma_start3A_89, %dma_start3A_90] : memref<10000x128xf32, #tpu.memory_space<hbm>> -> memref<10000x128xf32, #tpu.memory_space<hbm>>
      tpu.enqueue_indirect_dma source(%dma_start3A_91 : memref<10000x128xf32, #tpu.memory_space<hbm>>) target(%arg13 : memref<80x128xf32, #tpu.memory_space<vmem>>) offsets(%dma_start3A_88 : memref<80xi32, #tpu.memory_space<vmem>>) semaphore(%arg20 : memref<!tpu.dma_semaphore, #tpu.memory_space<semaphore_mem>>)
      %dma_start3A_92 = arith.constant 0 : i32
      %dma_start3A_93 = tpu.memref_slice %arg4[%add3A_81, %dma_start3A_92] : memref<320000x256xf32, #tpu.memory_space<hbm>> -> memref<80x256xf32, #tpu.memory_space<hbm>>
      %dma_start3A_94 = arith.constant 0 : i32
      %dma_start3A_95 = tpu.memref_slice %arg4[%add3A_81, %dma_start3A_94] : memref<320000x256xf32, #tpu.memory_space<hbm>> -> memref<80x256xf32, #tpu.memory_space<hbm>>
      tpu.enqueue_dma source(%dma_start3A_95 : memref<80x256xf32, #tpu.memory_space<hbm>>) target(%arg14 : memref<80x256xf32, #tpu.memory_space<vmem>>) target_semaphore(%arg21 : memref<!tpu.dma_semaphore, #tpu.memory_space<semaphore_mem>>)
      %scan3A_96 = arith.constant 0 : i32
      %scan3A_97 = arith.constant 0 : i32
      %scan3A_98 = arith.constant 20 : i32
      %scan3A_99 = arith.addi %scan3A_97, %scan3A_98 : i32
      %scan3A_100 = arith.constant 1 : i32
      scf.for %scan3A_161 = %scan3A_97 to %scan3A_99 step %scan3A_100  : i32 {
        %mul3A_162 = arith.constant 4 : i32
        %mul3A_163 = arith.muli %scan3A_161, %mul3A_162 : i32
        %add3A_164 = arith.constant 0 : i32
        %add3A_165 = arith.addi %mul3A_163, %add3A_164 : i32
        %broadcast_in_dim3A = arith.constant 0.000000e+00 : f32
        %broadcast_in_dim3A_166 = vector.broadcast %broadcast_in_dim3A : f32 to vector<16xf32>
        %broadcast_in_dim3A_167 = arith.constant 0.000000e+00 : f32
        %broadcast_in_dim3A_168 = vector.broadcast %broadcast_in_dim3A_167 : f32 to vector<16xf32>
        %get3A = arith.index_cast %add3A_165 : i32 to index
        %get3A_169 = arith.constant 0 : index
        %get3A_170 = tpu.vector_load %arg8[%get3A, %get3A_169] {strides = array<i32>} : memref<80x128xf32, #tpu.memory_space<vmem>>, vector<1x16xf32>,
        %get3A_171 = vector.shape_cast %get3A_170 : vector<1x16xf32> to vector<16xf32>
        %get3A_172 = arith.index_cast %add3A_165 : i32 to index
        %get3A_173 = arith.constant 0 : index
        %get3A_174 = tpu.vector_load %arg9[%get3A_172, %get3A_173] {strides = array<i32>} : memref<80x128xf32, #tpu.memory_space<vmem>>, vector<1x16xf32>,
        %get3A_175 = vector.shape_cast %get3A_174 : vector<1x16xf32> to vector<16xf32>
        %get3A_176 = arith.index_cast %add3A_165 : i32 to index
        %get3A_177 = arith.constant 0 : index
        %get3A_178 = tpu.vector_load %arg10[%get3A_176, %get3A_177] {strides = array<i32>} : memref<80x256xf32, #tpu.memory_space<vmem>>, vector<1x16xf32>,
        %get3A_179 = vector.shape_cast %get3A_178 : vector<1x16xf32> to vector<16xf32>
        %get3A_180 = arith.index_cast %add3A_165 : i32 to index
        %get3A_181 = arith.constant 128 : index
        %get3A_182 = tpu.vector_load %arg10[%get3A_180, %get3A_181] {strides = array<i32>} : memref<80x256xf32, #tpu.memory_space<vmem>>, vector<1x16xf32>,
        %get3A_183 = vector.shape_cast %get3A_182 : vector<1x16xf32> to vector<16xf32>
        %mul3A_184 = arith.mulf %get3A_171, %get3A_179 : vector<16xf32>
        %mul3A_185 = arith.mulf %get3A_175, %get3A_183 : vector<16xf32>
        %sub3A = arith.subf %mul3A_184, %mul3A_185 : vector<16xf32>
        %abs3A = math.absf %sub3A : vector<16xf32>
        %add3A_186 = arith.addf %broadcast_in_dim3A_166, %abs3A : vector<16xf32>
        %get3A_187 = arith.index_cast %add3A_165 : i32 to index
        %get3A_188 = arith.constant 16 : index
        %get3A_189 = tpu.vector_load %arg8[%get3A_187, %get3A_188] {strides = array<i32>} : memref<80x128xf32, #tpu.memory_space<vmem>>, vector<1x16xf32>,
        %get3A_190 = vector.shape_cast %get3A_189 : vector<1x16xf32> to vector<16xf32>
        %get3A_191 = arith.index_cast %add3A_165 : i32 to index
        %get3A_192 = arith.constant 16 : index
        %get3A_193 = tpu.vector_load %arg9[%get3A_191, %get3A_192] {strides = array<i32>} : memref<80x128xf32, #tpu.memory_space<vmem>>, vector<1x16xf32>,
        %get3A_194 = vector.shape_cast %get3A_193 : vector<1x16xf32> to vector<16xf32>
        %get3A_195 = arith.index_cast %add3A_165 : i32 to index
        %get3A_196 = arith.constant 16 : index
        %get3A_197 = tpu.vector_load %arg10[%get3A_195, %get3A_196] {strides = array<i32>} : memref<80x256xf32, #tpu.memory_space<vmem>>, vector<1x16xf32>,
        %get3A_198 = vector.shape_cast %get3A_197 : vector<1x16xf32> to vector<16xf32>
        %get3A_199 = arith.index_cast %add3A_165 : i32 to index
        %get3A_200 = arith.constant 144 : index
        %get3A_201 = tpu.vector_load %arg10[%get3A_199, %get3A_200] {strides = array<i32>} : memref<80x256xf32, #tpu.memory_space<vmem>>, vector<1x16xf32>,
        %get3A_202 = vector.shape_cast %get3A_201 : vector<1x16xf32> to vector<16xf32>
        %mul3A_203 = arith.mulf %get3A_190, %get3A_198 : vector<16xf32>
        %mul3A_204 = arith.mulf %get3A_194, %get3A_202 : vector<16xf32>
        %sub3A_205 = arith.subf %mul3A_203, %mul3A_204 : vector<16xf32>
        %abs3A_206 = math.absf %sub3A_205 : vector<16xf32>
        %add3A_207 = arith.addf %broadcast_in_dim3A_168, %abs3A_206 : vector<16xf32>
        %get3A_208 = arith.index_cast %add3A_165 : i32 to index
        %get3A_209 = arith.constant 32 : index
        %get3A_210 = tpu.vector_load %arg8[%get3A_208, %get3A_209] {strides = array<i32>} : memref<80x128xf32, #tpu.memory_space<vmem>>, vector<1x16xf32>,
        %get3A_211 = vector.shape_cast %get3A_210 : vector<1x16xf32> to vector<16xf32>
        %get3A_212 = arith.index_cast %add3A_165 : i32 to index
        %get3A_213 = arith.constant 32 : index
        %get3A_214 = tpu.vector_load %arg9[%get3A_212, %get3A_213] {strides = array<i32>} : memref<80x128xf32, #tpu.memory_space<vmem>>, vector<1x16xf32>,
        %get3A_215 = vector.shape_cast %get3A_214 : vector<1x16xf32> to vector<16xf32>
        %get3A_216 = arith.index_cast %add3A_165 : i32 to index
        %get3A_217 = arith.constant 32 : index
        %get3A_218 = tpu.vector_load %arg10[%get3A_216, %get3A_217] {strides = array<i32>} : memref<80x256xf32, #tpu.memory_space<vmem>>, vector<1x16xf32>,
        %get3A_219 = vector.shape_cast %get3A_218 : vector<1x16xf32> to vector<16xf32>
        %get3A_220 = arith.index_cast %add3A_165 : i32 to index
        %get3A_221 = arith.constant 160 : index
        %get3A_222 = tpu.vector_load %arg10[%get3A_220, %get3A_221] {strides = array<i32>} : memref<80x256xf32, #tpu.memory_space<vmem>>, vector<1x16xf32>,
        %get3A_223 = vector.shape_cast %get3A_222 : vector<1x16xf32> to vector<16xf32>
        %mul3A_224 = arith.mulf %get3A_211, %get3A_219 : vector<16xf32>
        %mul3A_225 = arith.mulf %get3A_215, %get3A_223 : vector<16xf32>
        %sub3A_226 = arith.subf %mul3A_224, %mul3A_225 : vector<16xf32>
        %abs3A_227 = math.absf %sub3A_226 : vector<16xf32>
        %add3A_228 = arith.addf %add3A_186, %abs3A_227 : vector<16xf32>
        %get3A_229 = arith.index_cast %add3A_165 : i32 to index
        %get3A_230 = arith.constant 48 : index
        %get3A_231 = tpu.vector_load %arg8[%get3A_229, %get3A_230] {strides = array<i32>} : memref<80x128xf32, #tpu.memory_space<vmem>>, vector<1x16xf32>,
        %get3A_232 = vector.shape_cast %get3A_231 : vector<1x16xf32> to vector<16xf32>
        %get3A_233 = arith.index_cast %add3A_165 : i32 to index
        %get3A_234 = arith.constant 48 : index
        %get3A_235 = tpu.vector_load %arg9[%get3A_233, %get3A_234] {strides = array<i32>} : memref<80x128xf32, #tpu.memory_space<vmem>>, vector<1x16xf32>,
        %get3A_236 = vector.shape_cast %get3A_235 : vector<1x16xf32> to vector<16xf32>
        %get3A_237 = arith.index_cast %add3A_165 : i32 to index
        %get3A_238 = arith.constant 48 : index
        %get3A_239 = tpu.vector_load %arg10[%get3A_237, %get3A_238] {strides = array<i32>} : memref<80x256xf32, #tpu.memory_space<vmem>>, vector<1x16xf32>,
        %get3A_240 = vector.shape_cast %get3A_239 : vector<1x16xf32> to vector<16xf32>
        %get3A_241 = arith.index_cast %add3A_165 : i32 to index
        %get3A_242 = arith.constant 176 : index
        %get3A_243 = tpu.vector_load %arg10[%get3A_241, %get3A_242] {strides = array<i32>} : memref<80x256xf32, #tpu.memory_space<vmem>>, vector<1x16xf32>,
        %get3A_244 = vector.shape_cast %get3A_243 : vector<1x16xf32> to vector<16xf32>
        %mul3A_245 = arith.mulf %get3A_232, %get3A_240 : vector<16xf32>
        %mul3A_246 = arith.mulf %get3A_236, %get3A_244 : vector<16xf32>
        %sub3A_247 = arith.subf %mul3A_245, %mul3A_246 : vector<16xf32>
        %abs3A_248 = math.absf %sub3A_247 : vector<16xf32>
        %add3A_249 = arith.addf %add3A_207, %abs3A_248 : vector<16xf32>
        %get3A_250 = arith.index_cast %add3A_165 : i32 to index
        %get3A_251 = arith.constant 64 : index
        %get3A_252 = tpu.vector_load %arg8[%get3A_250, %get3A_251] {strides = array<i32>} : memref<80x128xf32, #tpu.memory_space<vmem>>, vector<1x16xf32>,
        %get3A_253 = vector.shape_cast %get3A_252 : vector<1x16xf32> to vector<16xf32>
        %get3A_254 = arith.index_cast %add3A_165 : i32 to index
        %get3A_255 = arith.constant 64 : index
        %get3A_256 = tpu.vector_load %arg9[%get3A_254, %get3A_255] {strides = array<i32>} : memref<80x128xf32, #tpu.memory_space<vmem>>, vector<1x16xf32>,
        %get3A_257 = vector.shape_cast %get3A_256 : vector<1x16xf32> to vector<16xf32>
        %get3A_258 = arith.index_cast %add3A_165 : i32 to index
        %get3A_259 = arith.constant 64 : index
        %get3A_260 = tpu.vector_load %arg10[%get3A_258, %get3A_259] {strides = array<i32>} : memref<80x256xf32, #tpu.memory_space<vmem>>, vector<1x16xf32>,
        %get3A_261 = vector.shape_cast %get3A_260 : vector<1x16xf32> to vector<16xf32>
        %get3A_262 = arith.index_cast %add3A_165 : i32 to index
        %get3A_263 = arith.constant 192 : index
        %get3A_264 = tpu.vector_load %arg10[%get3A_262, %get3A_263] {strides = array<i32>} : memref<80x256xf32, #tpu.memory_space<vmem>>, vector<1x16xf32>,
        %get3A_265 = vector.shape_cast %get3A_264 : vector<1x16xf32> to vector<16xf32>
        %mul3A_266 = arith.mulf %get3A_253, %get3A_261 : vector<16xf32>
        %mul3A_267 = arith.mulf %get3A_257, %get3A_265 : vector<16xf32>
        %sub3A_268 = arith.subf %mul3A_266, %mul3A_267 : vector<16xf32>
        %abs3A_269 = math.absf %sub3A_268 : vector<16xf32>
        %add3A_270 = arith.addf %add3A_228, %abs3A_269 : vector<16xf32>
        %get3A_271 = arith.index_cast %add3A_165 : i32 to index
        %get3A_272 = arith.constant 80 : index
        %get3A_273 = tpu.vector_load %arg8[%get3A_271, %get3A_272] {strides = array<i32>} : memref<80x128xf32, #tpu.memory_space<vmem>>, vector<1x16xf32>,
        %get3A_274 = vector.shape_cast %get3A_273 : vector<1x16xf32> to vector<16xf32>
        %get3A_275 = arith.index_cast %add3A_165 : i32 to index
        %get3A_276 = arith.constant 80 : index
        %get3A_277 = tpu.vector_load %arg9[%get3A_275, %get3A_276] {strides = array<i32>} : memref<80x128xf32, #tpu.memory_space<vmem>>, vector<1x16xf32>,
        %get3A_278 = vector.shape_cast %get3A_277 : vector<1x16xf32> to vector<16xf32>
        %get3A_279 = arith.index_cast %add3A_165 : i32 to index
        %get3A_280 = arith.constant 80 : index
        %get3A_281 = tpu.vector_load %arg10[%get3A_279, %get3A_280] {strides = array<i32>} : memref<80x256xf32, #tpu.memory_space<vmem>>, vector<1x16xf32>,
        %get3A_282 = vector.shape_cast %get3A_281 : vector<1x16xf32> to vector<16xf32>
        %get3A_283 = arith.index_cast %add3A_165 : i32 to index
        %get3A_284 = arith.constant 208 : index
        %get3A_285 = tpu.vector_load %arg10[%get3A_283, %get3A_284] {strides = array<i32>} : memref<80x256xf32, #tpu.memory_space<vmem>>, vector<1x16xf32>,
        %get3A_286 = vector.shape_cast %get3A_285 : vector<1x16xf32> to vector<16xf32>
        %mul3A_287 = arith.mulf %get3A_274, %get3A_282 : vector<16xf32>
        %mul3A_288 = arith.mulf %get3A_278, %get3A_286 : vector<16xf32>
        %sub3A_289 = arith.subf %mul3A_287, %mul3A_288 : vector<16xf32>
        %abs3A_290 = math.absf %sub3A_289 : vector<16xf32>
        %add3A_291 = arith.addf %add3A_249, %abs3A_290 : vector<16xf32>
        %get3A_292 = arith.index_cast %add3A_165 : i32 to index
        %get3A_293 = arith.constant 96 : index
        %get3A_294 = tpu.vector_load %arg8[%get3A_292, %get3A_293] {strides = array<i32>} : memref<80x128xf32, #tpu.memory_space<vmem>>, vector<1x16xf32>,
        %get3A_295 = vector.shape_cast %get3A_294 : vector<1x16xf32> to vector<16xf32>
        %get3A_296 = arith.index_cast %add3A_165 : i32 to index
        %get3A_297 = arith.constant 96 : index
        %get3A_298 = tpu.vector_load %arg9[%get3A_296, %get3A_297] {strides = array<i32>} : memref<80x128xf32, #tpu.memory_space<vmem>>, vector<1x16xf32>,
        %get3A_299 = vector.shape_cast %get3A_298 : vector<1x16xf32> to vector<16xf32>
        %get3A_300 = arith.index_cast %add3A_165 : i32 to index
        %get3A_301 = arith.constant 96 : index
        %get3A_302 = tpu.vector_load %arg10[%get3A_300, %get3A_301] {strides = array<i32>} : memref<80x256xf32, #tpu.memory_space<vmem>>, vector<1x16xf32>,
        %get3A_303 = vector.shape_cast %get3A_302 : vector<1x16xf32> to vector<16xf32>
        %get3A_304 = arith.index_cast %add3A_165 : i32 to index
        %get3A_305 = arith.constant 224 : index
        %get3A_306 = tpu.vector_load %arg10[%get3A_304, %get3A_305] {strides = array<i32>} : memref<80x256xf32, #tpu.memory_space<vmem>>, vector<1x16xf32>,
        %get3A_307 = vector.shape_cast %get3A_306 : vector<1x16xf32> to vector<16xf32>
        %mul3A_308 = arith.mulf %get3A_295, %get3A_303 : vector<16xf32>
        %mul3A_309 = arith.mulf %get3A_299, %get3A_307 : vector<16xf32>
        %sub3A_310 = arith.subf %mul3A_308, %mul3A_309 : vector<16xf32>
        %abs3A_311 = math.absf %sub3A_310 : vector<16xf32>
        %add3A_312 = arith.addf %add3A_270, %abs3A_311 : vector<16xf32>
        %get3A_313 = arith.index_cast %add3A_165 : i32 to index
        %get3A_314 = arith.constant 112 : index
        %get3A_315 = tpu.vector_load %arg8[%get3A_313, %get3A_314] {strides = array<i32>} : memref<80x128xf32, #tpu.memory_space<vmem>>, vector<1x16xf32>,
        %get3A_316 = vector.shape_cast %get3A_315 : vector<1x16xf32> to vector<16xf32>
        %get3A_317 = arith.index_cast %add3A_165 : i32 to index
        %get3A_318 = arith.constant 112 : index
        %get3A_319 = tpu.vector_load %arg9[%get3A_317, %get3A_318] {strides = array<i32>} : memref<80x128xf32, #tpu.memory_space<vmem>>, vector<1x16xf32>,
        %get3A_320 = vector.shape_cast %get3A_319 : vector<1x16xf32> to vector<16xf32>
        %get3A_321 = arith.index_cast %add3A_165 : i32 to index
        %get3A_322 = arith.constant 112 : index
        %get3A_323 = tpu.vector_load %arg10[%get3A_321, %get3A_322] {strides = array<i32>} : memref<80x256xf32, #tpu.memory_space<vmem>>, vector<1x16xf32>,
        %get3A_324 = vector.shape_cast %get3A_323 : vector<1x16xf32> to vector<16xf32>
        %get3A_325 = arith.index_cast %add3A_165 : i32 to index
        %get3A_326 = arith.constant 240 : index
        %get3A_327 = tpu.vector_load %arg10[%get3A_325, %get3A_326] {strides = array<i32>} : memref<80x256xf32, #tpu.memory_space<vmem>>, vector<1x16xf32>,
        %get3A_328 = vector.shape_cast %get3A_327 : vector<1x16xf32> to vector<16xf32>
        %mul3A_329 = arith.mulf %get3A_316, %get3A_324 : vector<16xf32>
        %mul3A_330 = arith.mulf %get3A_320, %get3A_328 : vector<16xf32>
        %sub3A_331 = arith.subf %mul3A_329, %mul3A_330 : vector<16xf32>
        %abs3A_332 = math.absf %sub3A_331 : vector<16xf32>
        %add3A_333 = arith.addf %add3A_291, %abs3A_332 : vector<16xf32>
        %add3A_334 = arith.addf %add3A_312, %add3A_333 : vector<16xf32>
        %mul3A_335 = arith.constant 16 : i32
        %mul3A_336 = arith.muli %add3A_165, %mul3A_335 : i32
        %swap3A = arith.index_cast %mul3A_336 : i32 to index
        %swap3A_337 = tpu.vector_load %arg11[%swap3A] {strides = array<i32>} : memref<1280xf32, #tpu.memory_space<vmem>>, vector<16xf32>,
        %swap3A_338 = vector.shape_cast %swap3A_337 : vector<16xf32> to vector<16xf32>
        %swap3A_339 = vector.shape_cast %add3A_334 : vector<16xf32> to vector<16xf32>
        tpu.vector_store %arg11[%swap3A], %swap3A_339 {strides = array<i32>} : memref<1280xf32, #tpu.memory_space<vmem>>, vector<16xf32>,
        %mul3A_340 = arith.constant 4 : i32
        %mul3A_341 = arith.muli %scan3A_161, %mul3A_340 : i32
        %add3A_342 = arith.constant 1 : i32
        %add3A_343 = arith.addi %mul3A_341, %add3A_342 : i32
        %broadcast_in_dim3A_344 = arith.constant 0.000000e+00 : f32
        %broadcast_in_dim3A_345 = vector.broadcast %broadcast_in_dim3A_344 : f32 to vector<16xf32>
        %broadcast_in_dim3A_346 = arith.constant 0.000000e+00 : f32
        %broadcast_in_dim3A_347 = vector.broadcast %broadcast_in_dim3A_346 : f32 to vector<16xf32>
        %get3A_348 = arith.index_cast %add3A_343 : i32 to index
        %get3A_349 = arith.constant 0 : index
        %get3A_350 = tpu.vector_load %arg8[%get3A_348, %get3A_349] {strides = array<i32>} : memref<80x128xf32, #tpu.memory_space<vmem>>, vector<1x16xf32>,
        %get3A_351 = vector.shape_cast %get3A_350 : vector<1x16xf32> to vector<16xf32>
        %get3A_352 = arith.index_cast %add3A_343 : i32 to index
        %get3A_353 = arith.constant 0 : index
        %get3A_354 = tpu.vector_load %arg9[%get3A_352, %get3A_353] {strides = array<i32>} : memref<80x128xf32, #tpu.memory_space<vmem>>, vector<1x16xf32>,
        %get3A_355 = vector.shape_cast %get3A_354 : vector<1x16xf32> to vector<16xf32>
        %get3A_356 = arith.index_cast %add3A_343 : i32 to index
        %get3A_357 = arith.constant 0 : index
        %get3A_358 = tpu.vector_load %arg10[%get3A_356, %get3A_357] {strides = array<i32>} : memref<80x256xf32, #tpu.memory_space<vmem>>, vector<1x16xf32>,
        %get3A_359 = vector.shape_cast %get3A_358 : vector<1x16xf32> to vector<16xf32>
        %get3A_360 = arith.index_cast %add3A_343 : i32 to index
        %get3A_361 = arith.constant 128 : index
        %get3A_362 = tpu.vector_load %arg10[%get3A_360, %get3A_361] {strides = array<i32>} : memref<80x256xf32, #tpu.memory_space<vmem>>, vector<1x16xf32>,
        %get3A_363 = vector.shape_cast %get3A_362 : vector<1x16xf32> to vector<16xf32>
        %mul3A_364 = arith.mulf %get3A_351, %get3A_359 : vector<16xf32>
        %mul3A_365 = arith.mulf %get3A_355, %get3A_363 : vector<16xf32>
        %sub3A_366 = arith.subf %mul3A_364, %mul3A_365 : vector<16xf32>
        %abs3A_367 = math.absf %sub3A_366 : vector<16xf32>
        %add3A_368 = arith.addf %broadcast_in_dim3A_345, %abs3A_367 : vector<16xf32>
        %get3A_369 = arith.index_cast %add3A_343 : i32 to index
        %get3A_370 = arith.constant 16 : index
        %get3A_371 = tpu.vector_load %arg8[%get3A_369, %get3A_370] {strides = array<i32>} : memref<80x128xf32, #tpu.memory_space<vmem>>, vector<1x16xf32>,
        %get3A_372 = vector.shape_cast %get3A_371 : vector<1x16xf32> to vector<16xf32>
        %get3A_373 = arith.index_cast %add3A_343 : i32 to index
        %get3A_374 = arith.constant 16 : index
        %get3A_375 = tpu.vector_load %arg9[%get3A_373, %get3A_374] {strides = array<i32>} : memref<80x128xf32, #tpu.memory_space<vmem>>, vector<1x16xf32>,
        %get3A_376 = vector.shape_cast %get3A_375 : vector<1x16xf32> to vector<16xf32>
        %get3A_377 = arith.index_cast %add3A_343 : i32 to index
        %get3A_378 = arith.constant 16 : index
        %get3A_379 = tpu.vector_load %arg10[%get3A_377, %get3A_378] {strides = array<i32>} : memref<80x256xf32, #tpu.memory_space<vmem>>, vector<1x16xf32>,
        %get3A_380 = vector.shape_cast %get3A_379 : vector<1x16xf32> to vector<16xf32>
        %get3A_381 = arith.index_cast %add3A_343 : i32 to index
        %get3A_382 = arith.constant 144 : index
        %get3A_383 = tpu.vector_load %arg10[%get3A_381, %get3A_382] {strides = array<i32>} : memref<80x256xf32, #tpu.memory_space<vmem>>, vector<1x16xf32>,
        %get3A_384 = vector.shape_cast %get3A_383 : vector<1x16xf32> to vector<16xf32>
        %mul3A_385 = arith.mulf %get3A_372, %get3A_380 : vector<16xf32>
        %mul3A_386 = arith.mulf %get3A_376, %get3A_384 : vector<16xf32>
        %sub3A_387 = arith.subf %mul3A_385, %mul3A_386 : vector<16xf32>
        %abs3A_388 = math.absf %sub3A_387 : vector<16xf32>
        %add3A_389 = arith.addf %broadcast_in_dim3A_347, %abs3A_388 : vector<16xf32>
        %get3A_390 = arith.index_cast %add3A_343 : i32 to index
        %get3A_391 = arith.constant 32 : index
        %get3A_392 = tpu.vector_load %arg8[%get3A_390, %get3A_391] {strides = array<i32>} : memref<80x128xf32, #tpu.memory_space<vmem>>, vector<1x16xf32>,
        %get3A_393 = vector.shape_cast %get3A_392 : vector<1x16xf32> to vector<16xf32>
        %get3A_394 = arith.index_cast %add3A_343 : i32 to index
        %get3A_395 = arith.constant 32 : index
        %get3A_396 = tpu.vector_load %arg9[%get3A_394, %get3A_395] {strides = array<i32>} : memref<80x128xf32, #tpu.memory_space<vmem>>, vector<1x16xf32>,
        %get3A_397 = vector.shape_cast %get3A_396 : vector<1x16xf32> to vector<16xf32>
        %get3A_398 = arith.index_cast %add3A_343 : i32 to index
        %get3A_399 = arith.constant 32 : index
        %get3A_400 = tpu.vector_load %arg10[%get3A_398, %get3A_399] {strides = array<i32>} : memref<80x256xf32, #tpu.memory_space<vmem>>, vector<1x16xf32>,
        %get3A_401 = vector.shape_cast %get3A_400 : vector<1x16xf32> to vector<16xf32>
        %get3A_402 = arith.index_cast %add3A_343 : i32 to index
        %get3A_403 = arith.constant 160 : index
        %get3A_404 = tpu.vector_load %arg10[%get3A_402, %get3A_403] {strides = array<i32>} : memref<80x256xf32, #tpu.memory_space<vmem>>, vector<1x16xf32>,
        %get3A_405 = vector.shape_cast %get3A_404 : vector<1x16xf32> to vector<16xf32>
        %mul3A_406 = arith.mulf %get3A_393, %get3A_401 : vector<16xf32>
        %mul3A_407 = arith.mulf %get3A_397, %get3A_405 : vector<16xf32>
        %sub3A_408 = arith.subf %mul3A_406, %mul3A_407 : vector<16xf32>
        %abs3A_409 = math.absf %sub3A_408 : vector<16xf32>
        %add3A_410 = arith.addf %add3A_368, %abs3A_409 : vector<16xf32>
        %get3A_411 = arith.index_cast %add3A_343 : i32 to index
        %get3A_412 = arith.constant 48 : index
        %get3A_413 = tpu.vector_load %arg8[%get3A_411, %get3A_412] {strides = array<i32>} : memref<80x128xf32, #tpu.memory_space<vmem>>, vector<1x16xf32>,
        %get3A_414 = vector.shape_cast %get3A_413 : vector<1x16xf32> to vector<16xf32>
        %get3A_415 = arith.index_cast %add3A_343 : i32 to index
        %get3A_416 = arith.constant 48 : index
        %get3A_417 = tpu.vector_load %arg9[%get3A_415, %get3A_416] {strides = array<i32>} : memref<80x128xf32, #tpu.memory_space<vmem>>, vector<1x16xf32>,
        %get3A_418 = vector.shape_cast %get3A_417 : vector<1x16xf32> to vector<16xf32>
        %get3A_419 = arith.index_cast %add3A_343 : i32 to index
        %get3A_420 = arith.constant 48 : index
        %get3A_421 = tpu.vector_load %arg10[%get3A_419, %get3A_420] {strides = array<i32>} : memref<80x256xf32, #tpu.memory_space<vmem>>, vector<1x16xf32>,
        %get3A_422 = vector.shape_cast %get3A_421 : vector<1x16xf32> to vector<16xf32>
        %get3A_423 = arith.index_cast %add3A_343 : i32 to index
        %get3A_424 = arith.constant 176 : index
        %get3A_425 = tpu.vector_load %arg10[%get3A_423, %get3A_424] {strides = array<i32>} : memref<80x256xf32, #tpu.memory_space<vmem>>, vector<1x16xf32>,
        %get3A_426 = vector.shape_cast %get3A_425 : vector<1x16xf32> to vector<16xf32>
        %mul3A_427 = arith.mulf %get3A_414, %get3A_422 : vector<16xf32>
        %mul3A_428 = arith.mulf %get3A_418, %get3A_426 : vector<16xf32>
        %sub3A_429 = arith.subf %mul3A_427, %mul3A_428 : vector<16xf32>
        %abs3A_430 = math.absf %sub3A_429 : vector<16xf32>
        %add3A_431 = arith.addf %add3A_389, %abs3A_430 : vector<16xf32>
        %get3A_432 = arith.index_cast %add3A_343 : i32 to index
        %get3A_433 = arith.constant 64 : index
        %get3A_434 = tpu.vector_load %arg8[%get3A_432, %get3A_433] {strides = array<i32>} : memref<80x128xf32, #tpu.memory_space<vmem>>, vector<1x16xf32>,
        %get3A_435 = vector.shape_cast %get3A_434 : vector<1x16xf32> to vector<16xf32>
        %get3A_436 = arith.index_cast %add3A_343 : i32 to index
        %get3A_437 = arith.constant 64 : index
        %get3A_438 = tpu.vector_load %arg9[%get3A_436, %get3A_437] {strides = array<i32>} : memref<80x128xf32, #tpu.memory_space<vmem>>, vector<1x16xf32>,
        %get3A_439 = vector.shape_cast %get3A_438 : vector<1x16xf32> to vector<16xf32>
        %get3A_440 = arith.index_cast %add3A_343 : i32 to index
        %get3A_441 = arith.constant 64 : index
        %get3A_442 = tpu.vector_load %arg10[%get3A_440, %get3A_441] {strides = array<i32>} : memref<80x256xf32, #tpu.memory_space<vmem>>, vector<1x16xf32>,
        %get3A_443 = vector.shape_cast %get3A_442 : vector<1x16xf32> to vector<16xf32>
        %get3A_444 = arith.index_cast %add3A_343 : i32 to index
        %get3A_445 = arith.constant 192 : index
        %get3A_446 = tpu.vector_load %arg10[%get3A_444, %get3A_445] {strides = array<i32>} : memref<80x256xf32, #tpu.memory_space<vmem>>, vector<1x16xf32>,
        %get3A_447 = vector.shape_cast %get3A_446 : vector<1x16xf32> to vector<16xf32>
        %mul3A_448 = arith.mulf %get3A_435, %get3A_443 : vector<16xf32>
        %mul3A_449 = arith.mulf %get3A_439, %get3A_447 : vector<16xf32>
        %sub3A_450 = arith.subf %mul3A_448, %mul3A_449 : vector<16xf32>
        %abs3A_451 = math.absf %sub3A_450 : vector<16xf32>
        %add3A_452 = arith.addf %add3A_410, %abs3A_451 : vector<16xf32>
        %get3A_453 = arith.index_cast %add3A_343 : i32 to index
        %get3A_454 = arith.constant 80 : index
        %get3A_455 = tpu.vector_load %arg8[%get3A_453, %get3A_454] {strides = array<i32>} : memref<80x128xf32, #tpu.memory_space<vmem>>, vector<1x16xf32>,
        %get3A_456 = vector.shape_cast %get3A_455 : vector<1x16xf32> to vector<16xf32>
        %get3A_457 = arith.index_cast %add3A_343 : i32 to index
        %get3A_458 = arith.constant 80 : index
        %get3A_459 = tpu.vector_load %arg9[%get3A_457, %get3A_458] {strides = array<i32>} : memref<80x128xf32, #tpu.memory_space<vmem>>, vector<1x16xf32>,
        %get3A_460 = vector.shape_cast %get3A_459 : vector<1x16xf32> to vector<16xf32>
        %get3A_461 = arith.index_cast %add3A_343 : i32 to index
        %get3A_462 = arith.constant 80 : index
        %get3A_463 = tpu.vector_load %arg10[%get3A_461, %get3A_462] {strides = array<i32>} : memref<80x256xf32, #tpu.memory_space<vmem>>, vector<1x16xf32>,
        %get3A_464 = vector.shape_cast %get3A_463 : vector<1x16xf32> to vector<16xf32>
        %get3A_465 = arith.index_cast %add3A_343 : i32 to index
        %get3A_466 = arith.constant 208 : index
        %get3A_467 = tpu.vector_load %arg10[%get3A_465, %get3A_466] {strides = array<i32>} : memref<80x256xf32, #tpu.memory_space<vmem>>, vector<1x16xf32>,
        %get3A_468 = vector.shape_cast %get3A_467 : vector<1x16xf32> to vector<16xf32>
        %mul3A_469 = arith.mulf %get3A_456, %get3A_464 : vector<16xf32>
        %mul3A_470 = arith.mulf %get3A_460, %get3A_468 : vector<16xf32>
        %sub3A_471 = arith.subf %mul3A_469, %mul3A_470 : vector<16xf32>
        %abs3A_472 = math.absf %sub3A_471 : vector<16xf32>
        %add3A_473 = arith.addf %add3A_431, %abs3A_472 : vector<16xf32>
        %get3A_474 = arith.index_cast %add3A_343 : i32 to index
        %get3A_475 = arith.constant 96 : index
        %get3A_476 = tpu.vector_load %arg8[%get3A_474, %get3A_475] {strides = array<i32>} : memref<80x128xf32, #tpu.memory_space<vmem>>, vector<1x16xf32>,
        %get3A_477 = vector.shape_cast %get3A_476 : vector<1x16xf32> to vector<16xf32>
        %get3A_478 = arith.index_cast %add3A_343 : i32 to index
        %get3A_479 = arith.constant 96 : index
        %get3A_480 = tpu.vector_load %arg9[%get3A_478, %get3A_479] {strides = array<i32>} : memref<80x128xf32, #tpu.memory_space<vmem>>, vector<1x16xf32>,
        %get3A_481 = vector.shape_cast %get3A_480 : vector<1x16xf32> to vector<16xf32>
        %get3A_482 = arith.index_cast %add3A_343 : i32 to index
        %get3A_483 = arith.constant 96 : index
        %get3A_484 = tpu.vector_load %arg10[%get3A_482, %get3A_483] {strides = array<i32>} : memref<80x256xf32, #tpu.memory_space<vmem>>, vector<1x16xf32>,
        %get3A_485 = vector.shape_cast %get3A_484 : vector<1x16xf32> to vector<16xf32>
        %get3A_486 = arith.index_cast %add3A_343 : i32 to index
        %get3A_487 = arith.constant 224 : index
        %get3A_488 = tpu.vector_load %arg10[%get3A_486, %get3A_487] {strides = array<i32>} : memref<80x256xf32, #tpu.memory_space<vmem>>, vector<1x16xf32>,
        %get3A_489 = vector.shape_cast %get3A_488 : vector<1x16xf32> to vector<16xf32>
        %mul3A_490 = arith.mulf %get3A_477, %get3A_485 : vector<16xf32>
        %mul3A_491 = arith.mulf %get3A_481, %get3A_489 : vector<16xf32>
        %sub3A_492 = arith.subf %mul3A_490, %mul3A_491 : vector<16xf32>
        %abs3A_493 = math.absf %sub3A_492 : vector<16xf32>
        %add3A_494 = arith.addf %add3A_452, %abs3A_493 : vector<16xf32>
        %get3A_495 = arith.index_cast %add3A_343 : i32 to index
        %get3A_496 = arith.constant 112 : index
        %get3A_497 = tpu.vector_load %arg8[%get3A_495, %get3A_496] {strides = array<i32>} : memref<80x128xf32, #tpu.memory_space<vmem>>, vector<1x16xf32>,
        %get3A_498 = vector.shape_cast %get3A_497 : vector<1x16xf32> to vector<16xf32>
        %get3A_499 = arith.index_cast %add3A_343 : i32 to index
        %get3A_500 = arith.constant 112 : index
        %get3A_501 = tpu.vector_load %arg9[%get3A_499, %get3A_500] {strides = array<i32>} : memref<80x128xf32, #tpu.memory_space<vmem>>, vector<1x16xf32>,
        %get3A_502 = vector.shape_cast %get3A_501 : vector<1x16xf32> to vector<16xf32>
        %get3A_503 = arith.index_cast %add3A_343 : i32 to index
        %get3A_504 = arith.constant 112 : index
        %get3A_505 = tpu.vector_load %arg10[%get3A_503, %get3A_504] {strides = array<i32>} : memref<80x256xf32, #tpu.memory_space<vmem>>, vector<1x16xf32>,
        %get3A_506 = vector.shape_cast %get3A_505 : vector<1x16xf32> to vector<16xf32>
        %get3A_507 = arith.index_cast %add3A_343 : i32 to index
        %get3A_508 = arith.constant 240 : index
        %get3A_509 = tpu.vector_load %arg10[%get3A_507, %get3A_508] {strides = array<i32>} : memref<80x256xf32, #tpu.memory_space<vmem>>, vector<1x16xf32>,
        %get3A_510 = vector.shape_cast %get3A_509 : vector<1x16xf32> to vector<16xf32>
        %mul3A_511 = arith.mulf %get3A_498, %get3A_506 : vector<16xf32>
        %mul3A_512 = arith.mulf %get3A_502, %get3A_510 : vector<16xf32>
        %sub3A_513 = arith.subf %mul3A_511, %mul3A_512 : vector<16xf32>
        %abs3A_514 = math.absf %sub3A_513 : vector<16xf32>
        %add3A_515 = arith.addf %add3A_473, %abs3A_514 : vector<16xf32>
        %add3A_516 = arith.addf %add3A_494, %add3A_515 : vector<16xf32>
        %mul3A_517 = arith.constant 16 : i32
        %mul3A_518 = arith.muli %add3A_343, %mul3A_517 : i32
        %swap3A_519 = arith.index_cast %mul3A_518 : i32 to index
        %swap3A_520 = tpu.vector_load %arg11[%swap3A_519] {strides = array<i32>} : memref<1280xf32, #tpu.memory_space<vmem>>, vector<16xf32>,
        %swap3A_521 = vector.shape_cast %swap3A_520 : vector<16xf32> to vector<16xf32>
        %swap3A_522 = vector.shape_cast %add3A_516 : vector<16xf32> to vector<16xf32>
        tpu.vector_store %arg11[%swap3A_519], %swap3A_522 {strides = array<i32>} : memref<1280xf32, #tpu.memory_space<vmem>>, vector<16xf32>,
        %mul3A_523 = arith.constant 4 : i32
        %mul3A_524 = arith.muli %scan3A_161, %mul3A_523 : i32
        %add3A_525 = arith.constant 2 : i32
        %add3A_526 = arith.addi %mul3A_524, %add3A_525 : i32
        %broadcast_in_dim3A_527 = arith.constant 0.000000e+00 : f32
        %broadcast_in_dim3A_528 = vector.broadcast %broadcast_in_dim3A_527 : f32 to vector<16xf32>
        %broadcast_in_dim3A_529 = arith.constant 0.000000e+00 : f32
        %broadcast_in_dim3A_530 = vector.broadcast %broadcast_in_dim3A_529 : f32 to vector<16xf32>
        %get3A_531 = arith.index_cast %add3A_526 : i32 to index
        %get3A_532 = arith.constant 0 : index
        %get3A_533 = tpu.vector_load %arg8[%get3A_531, %get3A_532] {strides = array<i32>} : memref<80x128xf32, #tpu.memory_space<vmem>>, vector<1x16xf32>,
        %get3A_534 = vector.shape_cast %get3A_533 : vector<1x16xf32> to vector<16xf32>
        %get3A_535 = arith.index_cast %add3A_526 : i32 to index
        %get3A_536 = arith.constant 0 : index
        %get3A_537 = tpu.vector_load %arg9[%get3A_535, %get3A_536] {strides = array<i32>} : memref<80x128xf32, #tpu.memory_space<vmem>>, vector<1x16xf32>,
        %get3A_538 = vector.shape_cast %get3A_537 : vector<1x16xf32> to vector<16xf32>
        %get3A_539 = arith.index_cast %add3A_526 : i32 to index
        %get3A_540 = arith.constant 0 : index
        %get3A_541 = tpu.vector_load %arg10[%get3A_539, %get3A_540] {strides = array<i32>} : memref<80x256xf32, #tpu.memory_space<vmem>>, vector<1x16xf32>,
        %get3A_542 = vector.shape_cast %get3A_541 : vector<1x16xf32> to vector<16xf32>
        %get3A_543 = arith.index_cast %add3A_526 : i32 to index
        %get3A_544 = arith.constant 128 : index
        %get3A_545 = tpu.vector_load %arg10[%get3A_543, %get3A_544] {strides = array<i32>} : memref<80x256xf32, #tpu.memory_space<vmem>>, vector<1x16xf32>,
        %get3A_546 = vector.shape_cast %get3A_545 : vector<1x16xf32> to vector<16xf32>
        %mul3A_547 = arith.mulf %get3A_534, %get3A_542 : vector<16xf32>
        %mul3A_548 = arith.mulf %get3A_538, %get3A_546 : vector<16xf32>
        %sub3A_549 = arith.subf %mul3A_547, %mul3A_548 : vector<16xf32>
        %abs3A_550 = math.absf %sub3A_549 : vector<16xf32>
        %add3A_551 = arith.addf %broadcast_in_dim3A_528, %abs3A_550 : vector<16xf32>
        %get3A_552 = arith.index_cast %add3A_526 : i32 to index
        %get3A_553 = arith.constant 16 : index
        %get3A_554 = tpu.vector_load %arg8[%get3A_552, %get3A_553] {strides = array<i32>} : memref<80x128xf32, #tpu.memory_space<vmem>>, vector<1x16xf32>,
        %get3A_555 = vector.shape_cast %get3A_554 : vector<1x16xf32> to vector<16xf32>
        %get3A_556 = arith.index_cast %add3A_526 : i32 to index
        %get3A_557 = arith.constant 16 : index
        %get3A_558 = tpu.vector_load %arg9[%get3A_556, %get3A_557] {strides = array<i32>} : memref<80x128xf32, #tpu.memory_space<vmem>>, vector<1x16xf32>,
        %get3A_559 = vector.shape_cast %get3A_558 : vector<1x16xf32> to vector<16xf32>
        %get3A_560 = arith.index_cast %add3A_526 : i32 to index
        %get3A_561 = arith.constant 16 : index
        %get3A_562 = tpu.vector_load %arg10[%get3A_560, %get3A_561] {strides = array<i32>} : memref<80x256xf32, #tpu.memory_space<vmem>>, vector<1x16xf32>,
        %get3A_563 = vector.shape_cast %get3A_562 : vector<1x16xf32> to vector<16xf32>
        %get3A_564 = arith.index_cast %add3A_526 : i32 to index
        %get3A_565 = arith.constant 144 : index
        %get3A_566 = tpu.vector_load %arg10[%get3A_564, %get3A_565] {strides = array<i32>} : memref<80x256xf32, #tpu.memory_space<vmem>>, vector<1x16xf32>,
        %get3A_567 = vector.shape_cast %get3A_566 : vector<1x16xf32> to vector<16xf32>
        %mul3A_568 = arith.mulf %get3A_555, %get3A_563 : vector<16xf32>
        %mul3A_569 = arith.mulf %get3A_559, %get3A_567 : vector<16xf32>
        %sub3A_570 = arith.subf %mul3A_568, %mul3A_569 : vector<16xf32>
        %abs3A_571 = math.absf %sub3A_570 : vector<16xf32>
        %add3A_572 = arith.addf %broadcast_in_dim3A_530, %abs3A_571 : vector<16xf32>
        %get3A_573 = arith.index_cast %add3A_526 : i32 to index
        %get3A_574 = arith.constant 32 : index
        %get3A_575 = tpu.vector_load %arg8[%get3A_573, %get3A_574] {strides = array<i32>} : memref<80x128xf32, #tpu.memory_space<vmem>>, vector<1x16xf32>,
        %get3A_576 = vector.shape_cast %get3A_575 : vector<1x16xf32> to vector<16xf32>
        %get3A_577 = arith.index_cast %add3A_526 : i32 to index
        %get3A_578 = arith.constant 32 : index
        %get3A_579 = tpu.vector_load %arg9[%get3A_577, %get3A_578] {strides = array<i32>} : memref<80x128xf32, #tpu.memory_space<vmem>>, vector<1x16xf32>,
        %get3A_580 = vector.shape_cast %get3A_579 : vector<1x16xf32> to vector<16xf32>
        %get3A_581 = arith.index_cast %add3A_526 : i32 to index
        %get3A_582 = arith.constant 32 : index
        %get3A_583 = tpu.vector_load %arg10[%get3A_581, %get3A_582] {strides = array<i32>} : memref<80x256xf32, #tpu.memory_space<vmem>>, vector<1x16xf32>,
        %get3A_584 = vector.shape_cast %get3A_583 : vector<1x16xf32> to vector<16xf32>
        %get3A_585 = arith.index_cast %add3A_526 : i32 to index
        %get3A_586 = arith.constant 160 : index
        %get3A_587 = tpu.vector_load %arg10[%get3A_585, %get3A_586] {strides = array<i32>} : memref<80x256xf32, #tpu.memory_space<vmem>>, vector<1x16xf32>,
        %get3A_588 = vector.shape_cast %get3A_587 : vector<1x16xf32> to vector<16xf32>
        %mul3A_589 = arith.mulf %get3A_576, %get3A_584 : vector<16xf32>
        %mul3A_590 = arith.mulf %get3A_580, %get3A_588 : vector<16xf32>
        %sub3A_591 = arith.subf %mul3A_589, %mul3A_590 : vector<16xf32>
        %abs3A_592 = math.absf %sub3A_591 : vector<16xf32>
        %add3A_593 = arith.addf %add3A_551, %abs3A_592 : vector<16xf32>
        %get3A_594 = arith.index_cast %add3A_526 : i32 to index
        %get3A_595 = arith.constant 48 : index
        %get3A_596 = tpu.vector_load %arg8[%get3A_594, %get3A_595] {strides = array<i32>} : memref<80x128xf32, #tpu.memory_space<vmem>>, vector<1x16xf32>,
        %get3A_597 = vector.shape_cast %get3A_596 : vector<1x16xf32> to vector<16xf32>
        %get3A_598 = arith.index_cast %add3A_526 : i32 to index
        %get3A_599 = arith.constant 48 : index
        %get3A_600 = tpu.vector_load %arg9[%get3A_598, %get3A_599] {strides = array<i32>} : memref<80x128xf32, #tpu.memory_space<vmem>>, vector<1x16xf32>,
        %get3A_601 = vector.shape_cast %get3A_600 : vector<1x16xf32> to vector<16xf32>
        %get3A_602 = arith.index_cast %add3A_526 : i32 to index
        %get3A_603 = arith.constant 48 : index
        %get3A_604 = tpu.vector_load %arg10[%get3A_602, %get3A_603] {strides = array<i32>} : memref<80x256xf32, #tpu.memory_space<vmem>>, vector<1x16xf32>,
        %get3A_605 = vector.shape_cast %get3A_604 : vector<1x16xf32> to vector<16xf32>
        %get3A_606 = arith.index_cast %add3A_526 : i32 to index
        %get3A_607 = arith.constant 176 : index
        %get3A_608 = tpu.vector_load %arg10[%get3A_606, %get3A_607] {strides = array<i32>} : memref<80x256xf32, #tpu.memory_space<vmem>>, vector<1x16xf32>,
        %get3A_609 = vector.shape_cast %get3A_608 : vector<1x16xf32> to vector<16xf32>
        %mul3A_610 = arith.mulf %get3A_597, %get3A_605 : vector<16xf32>
        %mul3A_611 = arith.mulf %get3A_601, %get3A_609 : vector<16xf32>
        %sub3A_612 = arith.subf %mul3A_610, %mul3A_611 : vector<16xf32>
        %abs3A_613 = math.absf %sub3A_612 : vector<16xf32>
        %add3A_614 = arith.addf %add3A_572, %abs3A_613 : vector<16xf32>
        %get3A_615 = arith.index_cast %add3A_526 : i32 to index
        %get3A_616 = arith.constant 64 : index
        %get3A_617 = tpu.vector_load %arg8[%get3A_615, %get3A_616] {strides = array<i32>} : memref<80x128xf32, #tpu.memory_space<vmem>>, vector<1x16xf32>,
        %get3A_618 = vector.shape_cast %get3A_617 : vector<1x16xf32> to vector<16xf32>
        %get3A_619 = arith.index_cast %add3A_526 : i32 to index
        %get3A_620 = arith.constant 64 : index
        %get3A_621 = tpu.vector_load %arg9[%get3A_619, %get3A_620] {strides = array<i32>} : memref<80x128xf32, #tpu.memory_space<vmem>>, vector<1x16xf32>,
        %get3A_622 = vector.shape_cast %get3A_621 : vector<1x16xf32> to vector<16xf32>
        %get3A_623 = arith.index_cast %add3A_526 : i32 to index
        %get3A_624 = arith.constant 64 : index
        %get3A_625 = tpu.vector_load %arg10[%get3A_623, %get3A_624] {strides = array<i32>} : memref<80x256xf32, #tpu.memory_space<vmem>>, vector<1x16xf32>,
        %get3A_626 = vector.shape_cast %get3A_625 : vector<1x16xf32> to vector<16xf32>
        %get3A_627 = arith.index_cast %add3A_526 : i32 to index
        %get3A_628 = arith.constant 192 : index
        %get3A_629 = tpu.vector_load %arg10[%get3A_627, %get3A_628] {strides = array<i32>} : memref<80x256xf32, #tpu.memory_space<vmem>>, vector<1x16xf32>,
        %get3A_630 = vector.shape_cast %get3A_629 : vector<1x16xf32> to vector<16xf32>
        %mul3A_631 = arith.mulf %get3A_618, %get3A_626 : vector<16xf32>
        %mul3A_632 = arith.mulf %get3A_622, %get3A_630 : vector<16xf32>
        %sub3A_633 = arith.subf %mul3A_631, %mul3A_632 : vector<16xf32>
        %abs3A_634 = math.absf %sub3A_633 : vector<16xf32>
        %add3A_635 = arith.addf %add3A_593, %abs3A_634 : vector<16xf32>
        %get3A_636 = arith.index_cast %add3A_526 : i32 to index
        %get3A_637 = arith.constant 80 : index
        %get3A_638 = tpu.vector_load %arg8[%get3A_636, %get3A_637] {strides = array<i32>} : memref<80x128xf32, #tpu.memory_space<vmem>>, vector<1x16xf32>,
        %get3A_639 = vector.shape_cast %get3A_638 : vector<1x16xf32> to vector<16xf32>
        %get3A_640 = arith.index_cast %add3A_526 : i32 to index
        %get3A_641 = arith.constant 80 : index
        %get3A_642 = tpu.vector_load %arg9[%get3A_640, %get3A_641] {strides = array<i32>} : memref<80x128xf32, #tpu.memory_space<vmem>>, vector<1x16xf32>,
        %get3A_643 = vector.shape_cast %get3A_642 : vector<1x16xf32> to vector<16xf32>
        %get3A_644 = arith.index_cast %add3A_526 : i32 to index
        %get3A_645 = arith.constant 80 : index
        %get3A_646 = tpu.vector_load %arg10[%get3A_644, %get3A_645] {strides = array<i32>} : memref<80x256xf32, #tpu.memory_space<vmem>>, vector<1x16xf32>,
        %get3A_647 = vector.shape_cast %get3A_646 : vector<1x16xf32> to vector<16xf32>
        %get3A_648 = arith.index_cast %add3A_526 : i32 to index
        %get3A_649 = arith.constant 208 : index
        %get3A_650 = tpu.vector_load %arg10[%get3A_648, %get3A_649] {strides = array<i32>} : memref<80x256xf32, #tpu.memory_space<vmem>>, vector<1x16xf32>,
        %get3A_651 = vector.shape_cast %get3A_650 : vector<1x16xf32> to vector<16xf32>
        %mul3A_652 = arith.mulf %get3A_639, %get3A_647 : vector<16xf32>
        %mul3A_653 = arith.mulf %get3A_643, %get3A_651 : vector<16xf32>
        %sub3A_654 = arith.subf %mul3A_652, %mul3A_653 : vector<16xf32>
        %abs3A_655 = math.absf %sub3A_654 : vector<16xf32>
        %add3A_656 = arith.addf %add3A_614, %abs3A_655 : vector<16xf32>
        %get3A_657 = arith.index_cast %add3A_526 : i32 to index
        %get3A_658 = arith.constant 96 : index
        %get3A_659 = tpu.vector_load %arg8[%get3A_657, %get3A_658] {strides = array<i32>} : memref<80x128xf32, #tpu.memory_space<vmem>>, vector<1x16xf32>,
        %get3A_660 = vector.shape_cast %get3A_659 : vector<1x16xf32> to vector<16xf32>
        %get3A_661 = arith.index_cast %add3A_526 : i32 to index
        %get3A_662 = arith.constant 96 : index
        %get3A_663 = tpu.vector_load %arg9[%get3A_661, %get3A_662] {strides = array<i32>} : memref<80x128xf32, #tpu.memory_space<vmem>>, vector<1x16xf32>,
        %get3A_664 = vector.shape_cast %get3A_663 : vector<1x16xf32> to vector<16xf32>
        %get3A_665 = arith.index_cast %add3A_526 : i32 to index
        %get3A_666 = arith.constant 96 : index
        %get3A_667 = tpu.vector_load %arg10[%get3A_665, %get3A_666] {strides = array<i32>} : memref<80x256xf32, #tpu.memory_space<vmem>>, vector<1x16xf32>,
        %get3A_668 = vector.shape_cast %get3A_667 : vector<1x16xf32> to vector<16xf32>
        %get3A_669 = arith.index_cast %add3A_526 : i32 to index
        %get3A_670 = arith.constant 224 : index
        %get3A_671 = tpu.vector_load %arg10[%get3A_669, %get3A_670] {strides = array<i32>} : memref<80x256xf32, #tpu.memory_space<vmem>>, vector<1x16xf32>,
        %get3A_672 = vector.shape_cast %get3A_671 : vector<1x16xf32> to vector<16xf32>
        %mul3A_673 = arith.mulf %get3A_660, %get3A_668 : vector<16xf32>
        %mul3A_674 = arith.mulf %get3A_664, %get3A_672 : vector<16xf32>
        %sub3A_675 = arith.subf %mul3A_673, %mul3A_674 : vector<16xf32>
        %abs3A_676 = math.absf %sub3A_675 : vector<16xf32>
        %add3A_677 = arith.addf %add3A_635, %abs3A_676 : vector<16xf32>
        %get3A_678 = arith.index_cast %add3A_526 : i32 to index
        %get3A_679 = arith.constant 112 : index
        %get3A_680 = tpu.vector_load %arg8[%get3A_678, %get3A_679] {strides = array<i32>} : memref<80x128xf32, #tpu.memory_space<vmem>>, vector<1x16xf32>,
        %get3A_681 = vector.shape_cast %get3A_680 : vector<1x16xf32> to vector<16xf32>
        %get3A_682 = arith.index_cast %add3A_526 : i32 to index
        %get3A_683 = arith.constant 112 : index
        %get3A_684 = tpu.vector_load %arg9[%get3A_682, %get3A_683] {strides = array<i32>} : memref<80x128xf32, #tpu.memory_space<vmem>>, vector<1x16xf32>,
        %get3A_685 = vector.shape_cast %get3A_684 : vector<1x16xf32> to vector<16xf32>
        %get3A_686 = arith.index_cast %add3A_526 : i32 to index
        %get3A_687 = arith.constant 112 : index
        %get3A_688 = tpu.vector_load %arg10[%get3A_686, %get3A_687] {strides = array<i32>} : memref<80x256xf32, #tpu.memory_space<vmem>>, vector<1x16xf32>,
        %get3A_689 = vector.shape_cast %get3A_688 : vector<1x16xf32> to vector<16xf32>
        %get3A_690 = arith.index_cast %add3A_526 : i32 to index
        %get3A_691 = arith.constant 240 : index
        %get3A_692 = tpu.vector_load %arg10[%get3A_690, %get3A_691] {strides = array<i32>} : memref<80x256xf32, #tpu.memory_space<vmem>>, vector<1x16xf32>,
        %get3A_693 = vector.shape_cast %get3A_692 : vector<1x16xf32> to vector<16xf32>
        %mul3A_694 = arith.mulf %get3A_681, %get3A_689 : vector<16xf32>
        %mul3A_695 = arith.mulf %get3A_685, %get3A_693 : vector<16xf32>
        %sub3A_696 = arith.subf %mul3A_694, %mul3A_695 : vector<16xf32>
        %abs3A_697 = math.absf %sub3A_696 : vector<16xf32>
        %add3A_698 = arith.addf %add3A_656, %abs3A_697 : vector<16xf32>
        %add3A_699 = arith.addf %add3A_677, %add3A_698 : vector<16xf32>
        %mul3A_700 = arith.constant 16 : i32
        %mul3A_701 = arith.muli %add3A_526, %mul3A_700 : i32
        %swap3A_702 = arith.index_cast %mul3A_701 : i32 to index
        %swap3A_703 = tpu.vector_load %arg11[%swap3A_702] {strides = array<i32>} : memref<1280xf32, #tpu.memory_space<vmem>>, vector<16xf32>,
        %swap3A_704 = vector.shape_cast %swap3A_703 : vector<16xf32> to vector<16xf32>
        %swap3A_705 = vector.shape_cast %add3A_699 : vector<16xf32> to vector<16xf32>
        tpu.vector_store %arg11[%swap3A_702], %swap3A_705 {strides = array<i32>} : memref<1280xf32, #tpu.memory_space<vmem>>, vector<16xf32>,
        %mul3A_706 = arith.constant 4 : i32
        %mul3A_707 = arith.muli %scan3A_161, %mul3A_706 : i32
        %add3A_708 = arith.constant 3 : i32
        %add3A_709 = arith.addi %mul3A_707, %add3A_708 : i32
        %broadcast_in_dim3A_710 = arith.constant 0.000000e+00 : f32
        %broadcast_in_dim3A_711 = vector.broadcast %broadcast_in_dim3A_710 : f32 to vector<16xf32>
        %broadcast_in_dim3A_712 = arith.constant 0.000000e+00 : f32
        %broadcast_in_dim3A_713 = vector.broadcast %broadcast_in_dim3A_712 : f32 to vector<16xf32>
        %get3A_714 = arith.index_cast %add3A_709 : i32 to index
        %get3A_715 = arith.constant 0 : index
        %get3A_716 = tpu.vector_load %arg8[%get3A_714, %get3A_715] {strides = array<i32>} : memref<80x128xf32, #tpu.memory_space<vmem>>, vector<1x16xf32>,
        %get3A_717 = vector.shape_cast %get3A_716 : vector<1x16xf32> to vector<16xf32>
        %get3A_718 = arith.index_cast %add3A_709 : i32 to index
        %get3A_719 = arith.constant 0 : index
        %get3A_720 = tpu.vector_load %arg9[%get3A_718, %get3A_719] {strides = array<i32>} : memref<80x128xf32, #tpu.memory_space<vmem>>, vector<1x16xf32>,
        %get3A_721 = vector.shape_cast %get3A_720 : vector<1x16xf32> to vector<16xf32>
        %get3A_722 = arith.index_cast %add3A_709 : i32 to index
        %get3A_723 = arith.constant 0 : index
        %get3A_724 = tpu.vector_load %arg10[%get3A_722, %get3A_723] {strides = array<i32>} : memref<80x256xf32, #tpu.memory_space<vmem>>, vector<1x16xf32>,
        %get3A_725 = vector.shape_cast %get3A_724 : vector<1x16xf32> to vector<16xf32>
        %get3A_726 = arith.index_cast %add3A_709 : i32 to index
        %get3A_727 = arith.constant 128 : index
        %get3A_728 = tpu.vector_load %arg10[%get3A_726, %get3A_727] {strides = array<i32>} : memref<80x256xf32, #tpu.memory_space<vmem>>, vector<1x16xf32>,
        %get3A_729 = vector.shape_cast %get3A_728 : vector<1x16xf32> to vector<16xf32>
        %mul3A_730 = arith.mulf %get3A_717, %get3A_725 : vector<16xf32>
        %mul3A_731 = arith.mulf %get3A_721, %get3A_729 : vector<16xf32>
        %sub3A_732 = arith.subf %mul3A_730, %mul3A_731 : vector<16xf32>
        %abs3A_733 = math.absf %sub3A_732 : vector<16xf32>
        %add3A_734 = arith.addf %broadcast_in_dim3A_711, %abs3A_733 : vector<16xf32>
        %get3A_735 = arith.index_cast %add3A_709 : i32 to index
        %get3A_736 = arith.constant 16 : index
        %get3A_737 = tpu.vector_load %arg8[%get3A_735, %get3A_736] {strides = array<i32>} : memref<80x128xf32, #tpu.memory_space<vmem>>, vector<1x16xf32>,
        %get3A_738 = vector.shape_cast %get3A_737 : vector<1x16xf32> to vector<16xf32>
        %get3A_739 = arith.index_cast %add3A_709 : i32 to index
        %get3A_740 = arith.constant 16 : index
        %get3A_741 = tpu.vector_load %arg9[%get3A_739, %get3A_740] {strides = array<i32>} : memref<80x128xf32, #tpu.memory_space<vmem>>, vector<1x16xf32>,
        %get3A_742 = vector.shape_cast %get3A_741 : vector<1x16xf32> to vector<16xf32>
        %get3A_743 = arith.index_cast %add3A_709 : i32 to index
        %get3A_744 = arith.constant 16 : index
        %get3A_745 = tpu.vector_load %arg10[%get3A_743, %get3A_744] {strides = array<i32>} : memref<80x256xf32, #tpu.memory_space<vmem>>, vector<1x16xf32>,
        %get3A_746 = vector.shape_cast %get3A_745 : vector<1x16xf32> to vector<16xf32>
        %get3A_747 = arith.index_cast %add3A_709 : i32 to index
        %get3A_748 = arith.constant 144 : index
        %get3A_749 = tpu.vector_load %arg10[%get3A_747, %get3A_748] {strides = array<i32>} : memref<80x256xf32, #tpu.memory_space<vmem>>, vector<1x16xf32>,
        %get3A_750 = vector.shape_cast %get3A_749 : vector<1x16xf32> to vector<16xf32>
        %mul3A_751 = arith.mulf %get3A_738, %get3A_746 : vector<16xf32>
        %mul3A_752 = arith.mulf %get3A_742, %get3A_750 : vector<16xf32>
        %sub3A_753 = arith.subf %mul3A_751, %mul3A_752 : vector<16xf32>
        %abs3A_754 = math.absf %sub3A_753 : vector<16xf32>
        %add3A_755 = arith.addf %broadcast_in_dim3A_713, %abs3A_754 : vector<16xf32>
        %get3A_756 = arith.index_cast %add3A_709 : i32 to index
        %get3A_757 = arith.constant 32 : index
        %get3A_758 = tpu.vector_load %arg8[%get3A_756, %get3A_757] {strides = array<i32>} : memref<80x128xf32, #tpu.memory_space<vmem>>, vector<1x16xf32>,
        %get3A_759 = vector.shape_cast %get3A_758 : vector<1x16xf32> to vector<16xf32>
        %get3A_760 = arith.index_cast %add3A_709 : i32 to index
        %get3A_761 = arith.constant 32 : index
        %get3A_762 = tpu.vector_load %arg9[%get3A_760, %get3A_761] {strides = array<i32>} : memref<80x128xf32, #tpu.memory_space<vmem>>, vector<1x16xf32>,
        %get3A_763 = vector.shape_cast %get3A_762 : vector<1x16xf32> to vector<16xf32>
        %get3A_764 = arith.index_cast %add3A_709 : i32 to index
        %get3A_765 = arith.constant 32 : index
        %get3A_766 = tpu.vector_load %arg10[%get3A_764, %get3A_765] {strides = array<i32>} : memref<80x256xf32, #tpu.memory_space<vmem>>, vector<1x16xf32>,
        %get3A_767 = vector.shape_cast %get3A_766 : vector<1x16xf32> to vector<16xf32>
        %get3A_768 = arith.index_cast %add3A_709 : i32 to index
        %get3A_769 = arith.constant 160 : index
        %get3A_770 = tpu.vector_load %arg10[%get3A_768, %get3A_769] {strides = array<i32>} : memref<80x256xf32, #tpu.memory_space<vmem>>, vector<1x16xf32>,
        %get3A_771 = vector.shape_cast %get3A_770 : vector<1x16xf32> to vector<16xf32>
        %mul3A_772 = arith.mulf %get3A_759, %get3A_767 : vector<16xf32>
        %mul3A_773 = arith.mulf %get3A_763, %get3A_771 : vector<16xf32>
        %sub3A_774 = arith.subf %mul3A_772, %mul3A_773 : vector<16xf32>
        %abs3A_775 = math.absf %sub3A_774 : vector<16xf32>
        %add3A_776 = arith.addf %add3A_734, %abs3A_775 : vector<16xf32>
        %get3A_777 = arith.index_cast %add3A_709 : i32 to index
        %get3A_778 = arith.constant 48 : index
        %get3A_779 = tpu.vector_load %arg8[%get3A_777, %get3A_778] {strides = array<i32>} : memref<80x128xf32, #tpu.memory_space<vmem>>, vector<1x16xf32>,
        %get3A_780 = vector.shape_cast %get3A_779 : vector<1x16xf32> to vector<16xf32>
        %get3A_781 = arith.index_cast %add3A_709 : i32 to index
        %get3A_782 = arith.constant 48 : index
        %get3A_783 = tpu.vector_load %arg9[%get3A_781, %get3A_782] {strides = array<i32>} : memref<80x128xf32, #tpu.memory_space<vmem>>, vector<1x16xf32>,
        %get3A_784 = vector.shape_cast %get3A_783 : vector<1x16xf32> to vector<16xf32>
        %get3A_785 = arith.index_cast %add3A_709 : i32 to index
        %get3A_786 = arith.constant 48 : index
        %get3A_787 = tpu.vector_load %arg10[%get3A_785, %get3A_786] {strides = array<i32>} : memref<80x256xf32, #tpu.memory_space<vmem>>, vector<1x16xf32>,
        %get3A_788 = vector.shape_cast %get3A_787 : vector<1x16xf32> to vector<16xf32>
        %get3A_789 = arith.index_cast %add3A_709 : i32 to index
        %get3A_790 = arith.constant 176 : index
        %get3A_791 = tpu.vector_load %arg10[%get3A_789, %get3A_790] {strides = array<i32>} : memref<80x256xf32, #tpu.memory_space<vmem>>, vector<1x16xf32>,
        %get3A_792 = vector.shape_cast %get3A_791 : vector<1x16xf32> to vector<16xf32>
        %mul3A_793 = arith.mulf %get3A_780, %get3A_788 : vector<16xf32>
        %mul3A_794 = arith.mulf %get3A_784, %get3A_792 : vector<16xf32>
        %sub3A_795 = arith.subf %mul3A_793, %mul3A_794 : vector<16xf32>
        %abs3A_796 = math.absf %sub3A_795 : vector<16xf32>
        %add3A_797 = arith.addf %add3A_755, %abs3A_796 : vector<16xf32>
        %get3A_798 = arith.index_cast %add3A_709 : i32 to index
        %get3A_799 = arith.constant 64 : index
        %get3A_800 = tpu.vector_load %arg8[%get3A_798, %get3A_799] {strides = array<i32>} : memref<80x128xf32, #tpu.memory_space<vmem>>, vector<1x16xf32>,
        %get3A_801 = vector.shape_cast %get3A_800 : vector<1x16xf32> to vector<16xf32>
        %get3A_802 = arith.index_cast %add3A_709 : i32 to index
        %get3A_803 = arith.constant 64 : index
        %get3A_804 = tpu.vector_load %arg9[%get3A_802, %get3A_803] {strides = array<i32>} : memref<80x128xf32, #tpu.memory_space<vmem>>, vector<1x16xf32>,
        %get3A_805 = vector.shape_cast %get3A_804 : vector<1x16xf32> to vector<16xf32>
        %get3A_806 = arith.index_cast %add3A_709 : i32 to index
        %get3A_807 = arith.constant 64 : index
        %get3A_808 = tpu.vector_load %arg10[%get3A_806, %get3A_807] {strides = array<i32>} : memref<80x256xf32, #tpu.memory_space<vmem>>, vector<1x16xf32>,
        %get3A_809 = vector.shape_cast %get3A_808 : vector<1x16xf32> to vector<16xf32>
        %get3A_810 = arith.index_cast %add3A_709 : i32 to index
        %get3A_811 = arith.constant 192 : index
        %get3A_812 = tpu.vector_load %arg10[%get3A_810, %get3A_811] {strides = array<i32>} : memref<80x256xf32, #tpu.memory_space<vmem>>, vector<1x16xf32>,
        %get3A_813 = vector.shape_cast %get3A_812 : vector<1x16xf32> to vector<16xf32>
        %mul3A_814 = arith.mulf %get3A_801, %get3A_809 : vector<16xf32>
        %mul3A_815 = arith.mulf %get3A_805, %get3A_813 : vector<16xf32>
        %sub3A_816 = arith.subf %mul3A_814, %mul3A_815 : vector<16xf32>
        %abs3A_817 = math.absf %sub3A_816 : vector<16xf32>
        %add3A_818 = arith.addf %add3A_776, %abs3A_817 : vector<16xf32>
        %get3A_819 = arith.index_cast %add3A_709 : i32 to index
        %get3A_820 = arith.constant 80 : index
        %get3A_821 = tpu.vector_load %arg8[%get3A_819, %get3A_820] {strides = array<i32>} : memref<80x128xf32, #tpu.memory_space<vmem>>, vector<1x16xf32>,
        %get3A_822 = vector.shape_cast %get3A_821 : vector<1x16xf32> to vector<16xf32>
        %get3A_823 = arith.index_cast %add3A_709 : i32 to index
        %get3A_824 = arith.constant 80 : index
        %get3A_825 = tpu.vector_load %arg9[%get3A_823, %get3A_824] {strides = array<i32>} : memref<80x128xf32, #tpu.memory_space<vmem>>, vector<1x16xf32>,
        %get3A_826 = vector.shape_cast %get3A_825 : vector<1x16xf32> to vector<16xf32>
        %get3A_827 = arith.index_cast %add3A_709 : i32 to index
        %get3A_828 = arith.constant 80 : index
        %get3A_829 = tpu.vector_load %arg10[%get3A_827, %get3A_828] {strides = array<i32>} : memref<80x256xf32, #tpu.memory_space<vmem>>, vector<1x16xf32>,
        %get3A_830 = vector.shape_cast %get3A_829 : vector<1x16xf32> to vector<16xf32>
        %get3A_831 = arith.index_cast %add3A_709 : i32 to index
        %get3A_832 = arith.constant 208 : index
        %get3A_833 = tpu.vector_load %arg10[%get3A_831, %get3A_832] {strides = array<i32>} : memref<80x256xf32, #tpu.memory_space<vmem>>, vector<1x16xf32>,
        %get3A_834 = vector.shape_cast %get3A_833 : vector<1x16xf32> to vector<16xf32>
        %mul3A_835 = arith.mulf %get3A_822, %get3A_830 : vector<16xf32>
        %mul3A_836 = arith.mulf %get3A_826, %get3A_834 : vector<16xf32>
        %sub3A_837 = arith.subf %mul3A_835, %mul3A_836 : vector<16xf32>
        %abs3A_838 = math.absf %sub3A_837 : vector<16xf32>
        %add3A_839 = arith.addf %add3A_797, %abs3A_838 : vector<16xf32>
        %get3A_840 = arith.index_cast %add3A_709 : i32 to index
        %get3A_841 = arith.constant 96 : index
        %get3A_842 = tpu.vector_load %arg8[%get3A_840, %get3A_841] {strides = array<i32>} : memref<80x128xf32, #tpu.memory_space<vmem>>, vector<1x16xf32>,
        %get3A_843 = vector.shape_cast %get3A_842 : vector<1x16xf32> to vector<16xf32>
        %get3A_844 = arith.index_cast %add3A_709 : i32 to index
        %get3A_845 = arith.constant 96 : index
        %get3A_846 = tpu.vector_load %arg9[%get3A_844, %get3A_845] {strides = array<i32>} : memref<80x128xf32, #tpu.memory_space<vmem>>, vector<1x16xf32>,
        %get3A_847 = vector.shape_cast %get3A_846 : vector<1x16xf32> to vector<16xf32>
        %get3A_848 = arith.index_cast %add3A_709 : i32 to index
        %get3A_849 = arith.constant 96 : index
        %get3A_850 = tpu.vector_load %arg10[%get3A_848, %get3A_849] {strides = array<i32>} : memref<80x256xf32, #tpu.memory_space<vmem>>, vector<1x16xf32>,
        %get3A_851 = vector.shape_cast %get3A_850 : vector<1x16xf32> to vector<16xf32>
        %get3A_852 = arith.index_cast %add3A_709 : i32 to index
        %get3A_853 = arith.constant 224 : index
        %get3A_854 = tpu.vector_load %arg10[%get3A_852, %get3A_853] {strides = array<i32>} : memref<80x256xf32, #tpu.memory_space<vmem>>, vector<1x16xf32>,
        %get3A_855 = vector.shape_cast %get3A_854 : vector<1x16xf32> to vector<16xf32>
        %mul3A_856 = arith.mulf %get3A_843, %get3A_851 : vector<16xf32>
        %mul3A_857 = arith.mulf %get3A_847, %get3A_855 : vector<16xf32>
        %sub3A_858 = arith.subf %mul3A_856, %mul3A_857 : vector<16xf32>
        %abs3A_859 = math.absf %sub3A_858 : vector<16xf32>
        %add3A_860 = arith.addf %add3A_818, %abs3A_859 : vector<16xf32>
        %get3A_861 = arith.index_cast %add3A_709 : i32 to index
        %get3A_862 = arith.constant 112 : index
        %get3A_863 = tpu.vector_load %arg8[%get3A_861, %get3A_862] {strides = array<i32>} : memref<80x128xf32, #tpu.memory_space<vmem>>, vector<1x16xf32>,
        %get3A_864 = vector.shape_cast %get3A_863 : vector<1x16xf32> to vector<16xf32>
        %get3A_865 = arith.index_cast %add3A_709 : i32 to index
        %get3A_866 = arith.constant 112 : index
        %get3A_867 = tpu.vector_load %arg9[%get3A_865, %get3A_866] {strides = array<i32>} : memref<80x128xf32, #tpu.memory_space<vmem>>, vector<1x16xf32>,
        %get3A_868 = vector.shape_cast %get3A_867 : vector<1x16xf32> to vector<16xf32>
        %get3A_869 = arith.index_cast %add3A_709 : i32 to index
        %get3A_870 = arith.constant 112 : index
        %get3A_871 = tpu.vector_load %arg10[%get3A_869, %get3A_870] {strides = array<i32>} : memref<80x256xf32, #tpu.memory_space<vmem>>, vector<1x16xf32>,
        %get3A_872 = vector.shape_cast %get3A_871 : vector<1x16xf32> to vector<16xf32>
        %get3A_873 = arith.index_cast %add3A_709 : i32 to index
        %get3A_874 = arith.constant 240 : index
        %get3A_875 = tpu.vector_load %arg10[%get3A_873, %get3A_874] {strides = array<i32>} : memref<80x256xf32, #tpu.memory_space<vmem>>, vector<1x16xf32>,
        %get3A_876 = vector.shape_cast %get3A_875 : vector<1x16xf32> to vector<16xf32>
        %mul3A_877 = arith.mulf %get3A_864, %get3A_872 : vector<16xf32>
        %mul3A_878 = arith.mulf %get3A_868, %get3A_876 : vector<16xf32>
        %sub3A_879 = arith.subf %mul3A_877, %mul3A_878 : vector<16xf32>
        %abs3A_880 = math.absf %sub3A_879 : vector<16xf32>
        %add3A_881 = arith.addf %add3A_839, %abs3A_880 : vector<16xf32>
        %add3A_882 = arith.addf %add3A_860, %add3A_881 : vector<16xf32>
        %mul3A_883 = arith.constant 16 : i32
        %mul3A_884 = arith.muli %add3A_709, %mul3A_883 : i32
        %swap3A_885 = arith.index_cast %mul3A_884 : i32 to index
        %swap3A_886 = tpu.vector_load %arg11[%swap3A_885] {strides = array<i32>} : memref<1280xf32, #tpu.memory_space<vmem>>, vector<16xf32>,
        %swap3A_887 = vector.shape_cast %swap3A_886 : vector<16xf32> to vector<16xf32>
        %swap3A_888 = vector.shape_cast %add3A_882 : vector<16xf32> to vector<16xf32>
        tpu.vector_store %arg11[%swap3A_885], %swap3A_888 {strides = array<i32>} : memref<1280xf32, #tpu.memory_space<vmem>>, vector<16xf32>,
      }
      %scan3A_101 = arith.constant 20 : i32
      %mul3A_102 = arith.constant 10000 : i32
      %mul3A_103 = arith.muli %add3A, %mul3A_102 : i32
      %mul3A_104 = arith.constant 80 : i32
      %mul3A_105 = arith.muli %mul3A_58, %mul3A_104 : i32
      %add3A_106 = arith.addi %mul3A_103, %mul3A_105 : i32
      %mul3A_107 = arith.constant 16 : i32
      %mul3A_108 = arith.muli %add3A_106, %mul3A_107 : i32
      "tpu.region"() ({
        %run_scoped3A = tpu.sem_alloc : memref<!tpu.dma_semaphore, #tpu.memory_space<semaphore_mem>>
        %dma_start3A_161 = tpu.memref_slice %arg5[%mul3A_108] : memref<5120000xf32, #tpu.memory_space<hbm>> -> memref<1280xf32, #tpu.memory_space<hbm>>
        %dma_start3A_162 = tpu.memref_slice %arg5[%mul3A_108] : memref<5120000xf32, #tpu.memory_space<hbm>> -> memref<1280xf32, #tpu.memory_space<hbm>>
        tpu.enqueue_dma source(%arg11 : memref<1280xf32, #tpu.memory_space<vmem>>) target(%dma_start3A_162 : memref<1280xf32, #tpu.memory_space<hbm>>) target_semaphore(%run_scoped3A : memref<!tpu.dma_semaphore, #tpu.memory_space<semaphore_mem>>)
        %dma_wait3A_163 = tpu.memref_slice %arg5[%mul3A_108] : memref<5120000xf32, #tpu.memory_space<hbm>> -> memref<1280xf32, #tpu.memory_space<hbm>>
        %dma_wait3A_164 = tpu.memref_slice %arg5[%mul3A_108] : memref<5120000xf32, #tpu.memory_space<hbm>> -> memref<1280xf32, #tpu.memory_space<hbm>>
        tpu.wait_dma2 semaphore(%run_scoped3A : memref<!tpu.dma_semaphore, #tpu.memory_space<semaphore_mem>>) src(%arg11 : memref<1280xf32, #tpu.memory_space<vmem>>) dst(%dma_wait3A_164 : memref<1280xf32, #tpu.memory_space<hbm>>)
        tpu.yield
      }) : () -> ()
      %dma_wait3A_109 = arith.constant 0 : i32
      %dma_wait3A_110 = tpu.memref_slice %arg6[%dma_wait3A_109] : memref<10000xi32, #tpu.memory_space<vmem>> -> memref<80xi32, #tpu.memory_space<vmem>>
      %dma_wait3A_111 = arith.constant 0 : i32
      %dma_wait3A_112 = arith.constant 0 : i32
      %dma_wait3A_113 = tpu.memref_slice %arg2[%dma_wait3A_111, %dma_wait3A_112] : memref<10000x128xf32, #tpu.memory_space<hbm>> -> memref<10000x128xf32, #tpu.memory_space<hbm>>
      tpu.wait_indirect_dma semaphore(%arg19 : memref<!tpu.dma_semaphore, #tpu.memory_space<semaphore_mem>>) src(%dma_wait3A_113 : memref<10000x128xf32, #tpu.memory_space<hbm>>) dst(%arg12 : memref<80x128xf32, #tpu.memory_space<vmem>>)
      %dma_wait3A_114 = arith.constant 0 : i32
      %dma_wait3A_115 = tpu.memref_slice %arg7[%dma_wait3A_114] : memref<10000xi32, #tpu.memory_space<vmem>> -> memref<80xi32, #tpu.memory_space<vmem>>
      %dma_wait3A_116 = arith.constant 0 : i32
      %dma_wait3A_117 = arith.constant 0 : i32
      %dma_wait3A_118 = tpu.memref_slice %arg2[%dma_wait3A_116, %dma_wait3A_117] : memref<10000x128xf32, #tpu.memory_space<hbm>> -> memref<10000x128xf32, #tpu.memory_space<hbm>>
      tpu.wait_indirect_dma semaphore(%arg20 : memref<!tpu.dma_semaphore, #tpu.memory_space<semaphore_mem>>) src(%dma_wait3A_118 : memref<10000x128xf32, #tpu.memory_space<hbm>>) dst(%arg13 : memref<80x128xf32, #tpu.memory_space<vmem>>)
      %dma_wait3A_119 = arith.constant 0 : i32
      %dma_wait3A_120 = arith.constant 0 : i32
      %dma_wait3A_121 = tpu.memref_slice %arg4[%dma_wait3A_119, %dma_wait3A_120] : memref<320000x256xf32, #tpu.memory_space<hbm>> -> memref<80x256xf32, #tpu.memory_space<hbm>>
      %dma_wait3A_122 = arith.constant 0 : i32
      %dma_wait3A_123 = arith.constant 0 : i32
      %dma_wait3A_124 = tpu.memref_slice %arg4[%dma_wait3A_122, %dma_wait3A_123] : memref<320000x256xf32, #tpu.memory_space<hbm>> -> memref<80x256xf32, #tpu.memory_space<hbm>>
      tpu.wait_dma2 semaphore(%arg21 : memref<!tpu.dma_semaphore, #tpu.memory_space<semaphore_mem>>) src(%dma_wait3A_124 : memref<80x256xf32, #tpu.memory_space<hbm>>) dst(%arg14 : memref<80x256xf32, #tpu.memory_space<vmem>>)
      %add3A_125 = arith.constant 2 : i32
      %add3A_126 = arith.addi %mul3A_58, %add3A_125 : i32
      %mul3A_127 = arith.constant 10000 : i32
      %mul3A_128 = arith.muli %add3A, %mul3A_127 : i32
      %mul3A_129 = arith.constant 80 : i32
      %mul3A_130 = arith.muli %add3A_126, %mul3A_129 : i32
      %add3A_131 = arith.addi %mul3A_128, %mul3A_130 : i32
      %mul3A_132 = arith.constant 80 : i32
      %mul3A_133 = arith.muli %add3A_126, %mul3A_132 : i32
      %dma_start3A_134 = tpu.memref_slice %arg6[%mul3A_133] : memref<10000xi32, #tpu.memory_space<vmem>> -> memref<80xi32, #tpu.memory_space<vmem>>
      %dma_start3A_135 = arith.constant 0 : i32
      %dma_start3A_136 = arith.constant 0 : i32
      %dma_start3A_137 = tpu.memref_slice %arg2[%dma_start3A_135, %dma_start3A_136] : memref<10000x128xf32, #tpu.memory_space<hbm>> -> memref<10000x128xf32, #tpu.memory_space<hbm>>
      tpu.enqueue_indirect_dma source(%dma_start3A_137 : memref<10000x128xf32, #tpu.memory_space<hbm>>) target(%arg8 : memref<80x128xf32, #tpu.memory_space<vmem>>) offsets(%dma_start3A_134 : memref<80xi32, #tpu.memory_space<vmem>>) semaphore(%arg16 : memref<!tpu.dma_semaphore, #tpu.memory_space<semaphore_mem>>)
      %dma_start3A_138 = tpu.memref_slice %arg7[%mul3A_133] : memref<10000xi32, #tpu.memory_space<vmem>> -> memref<80xi32, #tpu.memory_space<vmem>>
      %dma_start3A_139 = arith.constant 0 : i32
      %dma_start3A_140 = arith.constant 0 : i32
      %dma_start3A_141 = tpu.memref_slice %arg2[%dma_start3A_139, %dma_start3A_140] : memref<10000x128xf32, #tpu.memory_space<hbm>> -> memref<10000x128xf32, #tpu.memory_space<hbm>>
      tpu.enqueue_indirect_dma source(%dma_start3A_141 : memref<10000x128xf32, #tpu.memory_space<hbm>>) target(%arg9 : memref<80x128xf32, #tpu.memory_space<vmem>>) offsets(%dma_start3A_138 : memref<80xi32, #tpu.memory_space<vmem>>) semaphore(%arg17 : memref<!tpu.dma_semaphore, #tpu.memory_space<semaphore_mem>>)
      %dma_start3A_142 = arith.constant 0 : i32
      %dma_start3A_143 = tpu.memref_slice %arg4[%add3A_131, %dma_start3A_142] : memref<320000x256xf32, #tpu.memory_space<hbm>> -> memref<80x256xf32, #tpu.memory_space<hbm>>
      %dma_start3A_144 = arith.constant 0 : i32
      %dma_start3A_145 = tpu.memref_slice %arg4[%add3A_131, %dma_start3A_144] : memref<320000x256xf32, #tpu.memory_space<hbm>> -> memref<80x256xf32, #tpu.memory_space<hbm>>
      tpu.enqueue_dma source(%dma_start3A_145 : memref<80x256xf32, #tpu.memory_space<hbm>>) target(%arg10 : memref<80x256xf32, #tpu.memory_space<vmem>>) target_semaphore(%arg18 : memref<!tpu.dma_semaphore, #tpu.memory_space<semaphore_mem>>)
      %add3A_146 = arith.constant 1 : i32
      %add3A_147 = arith.addi %mul3A_58, %add3A_146 : i32
      %scan3A_148 = arith.constant 0 : i32
      %scan3A_149 = arith.constant 0 : i32
      %scan3A_150 = arith.constant 20 : i32
      %scan3A_151 = arith.addi %scan3A_149, %scan3A_150 : i32
      %scan3A_152 = arith.constant 1 : i32
      scf.for %scan3A_161 = %scan3A_149 to %scan3A_151 step %scan3A_152  : i32 {
        %mul3A_162 = arith.constant 4 : i32
        %mul3A_163 = arith.muli %scan3A_161, %mul3A_162 : i32
        %add3A_164 = arith.constant 0 : i32
        %add3A_165 = arith.addi %mul3A_163, %add3A_164 : i32
        %broadcast_in_dim3A = arith.constant 0.000000e+00 : f32
        %broadcast_in_dim3A_166 = vector.broadcast %broadcast_in_dim3A : f32 to vector<16xf32>
        %broadcast_in_dim3A_167 = arith.constant 0.000000e+00 : f32
        %broadcast_in_dim3A_168 = vector.broadcast %broadcast_in_dim3A_167 : f32 to vector<16xf32>
        %get3A = arith.index_cast %add3A_165 : i32 to index
        %get3A_169 = arith.constant 0 : index
        %get3A_170 = tpu.vector_load %arg12[%get3A, %get3A_169] {strides = array<i32>} : memref<80x128xf32, #tpu.memory_space<vmem>>, vector<1x16xf32>,
        %get3A_171 = vector.shape_cast %get3A_170 : vector<1x16xf32> to vector<16xf32>
        %get3A_172 = arith.index_cast %add3A_165 : i32 to index
        %get3A_173 = arith.constant 0 : index
        %get3A_174 = tpu.vector_load %arg13[%get3A_172, %get3A_173] {strides = array<i32>} : memref<80x128xf32, #tpu.memory_space<vmem>>, vector<1x16xf32>,
        %get3A_175 = vector.shape_cast %get3A_174 : vector<1x16xf32> to vector<16xf32>
        %get3A_176 = arith.index_cast %add3A_165 : i32 to index
        %get3A_177 = arith.constant 0 : index
        %get3A_178 = tpu.vector_load %arg14[%get3A_176, %get3A_177] {strides = array<i32>} : memref<80x256xf32, #tpu.memory_space<vmem>>, vector<1x16xf32>,
        %get3A_179 = vector.shape_cast %get3A_178 : vector<1x16xf32> to vector<16xf32>
        %get3A_180 = arith.index_cast %add3A_165 : i32 to index
        %get3A_181 = arith.constant 128 : index
        %get3A_182 = tpu.vector_load %arg14[%get3A_180, %get3A_181] {strides = array<i32>} : memref<80x256xf32, #tpu.memory_space<vmem>>, vector<1x16xf32>,
        %get3A_183 = vector.shape_cast %get3A_182 : vector<1x16xf32> to vector<16xf32>
        %mul3A_184 = arith.mulf %get3A_171, %get3A_179 : vector<16xf32>
        %mul3A_185 = arith.mulf %get3A_175, %get3A_183 : vector<16xf32>
        %sub3A = arith.subf %mul3A_184, %mul3A_185 : vector<16xf32>
        %abs3A = math.absf %sub3A : vector<16xf32>
        %add3A_186 = arith.addf %broadcast_in_dim3A_166, %abs3A : vector<16xf32>
        %get3A_187 = arith.index_cast %add3A_165 : i32 to index
        %get3A_188 = arith.constant 16 : index
        %get3A_189 = tpu.vector_load %arg12[%get3A_187, %get3A_188] {strides = array<i32>} : memref<80x128xf32, #tpu.memory_space<vmem>>, vector<1x16xf32>,
        %get3A_190 = vector.shape_cast %get3A_189 : vector<1x16xf32> to vector<16xf32>
        %get3A_191 = arith.index_cast %add3A_165 : i32 to index
        %get3A_192 = arith.constant 16 : index
        %get3A_193 = tpu.vector_load %arg13[%get3A_191, %get3A_192] {strides = array<i32>} : memref<80x128xf32, #tpu.memory_space<vmem>>, vector<1x16xf32>,
        %get3A_194 = vector.shape_cast %get3A_193 : vector<1x16xf32> to vector<16xf32>
        %get3A_195 = arith.index_cast %add3A_165 : i32 to index
        %get3A_196 = arith.constant 16 : index
        %get3A_197 = tpu.vector_load %arg14[%get3A_195, %get3A_196] {strides = array<i32>} : memref<80x256xf32, #tpu.memory_space<vmem>>, vector<1x16xf32>,
        %get3A_198 = vector.shape_cast %get3A_197 : vector<1x16xf32> to vector<16xf32>
        %get3A_199 = arith.index_cast %add3A_165 : i32 to index
        %get3A_200 = arith.constant 144 : index
        %get3A_201 = tpu.vector_load %arg14[%get3A_199, %get3A_200] {strides = array<i32>} : memref<80x256xf32, #tpu.memory_space<vmem>>, vector<1x16xf32>,
        %get3A_202 = vector.shape_cast %get3A_201 : vector<1x16xf32> to vector<16xf32>
        %mul3A_203 = arith.mulf %get3A_190, %get3A_198 : vector<16xf32>
        %mul3A_204 = arith.mulf %get3A_194, %get3A_202 : vector<16xf32>
        %sub3A_205 = arith.subf %mul3A_203, %mul3A_204 : vector<16xf32>
        %abs3A_206 = math.absf %sub3A_205 : vector<16xf32>
        %add3A_207 = arith.addf %broadcast_in_dim3A_168, %abs3A_206 : vector<16xf32>
        %get3A_208 = arith.index_cast %add3A_165 : i32 to index
        %get3A_209 = arith.constant 32 : index
        %get3A_210 = tpu.vector_load %arg12[%get3A_208, %get3A_209] {strides = array<i32>} : memref<80x128xf32, #tpu.memory_space<vmem>>, vector<1x16xf32>,
        %get3A_211 = vector.shape_cast %get3A_210 : vector<1x16xf32> to vector<16xf32>
        %get3A_212 = arith.index_cast %add3A_165 : i32 to index
        %get3A_213 = arith.constant 32 : index
        %get3A_214 = tpu.vector_load %arg13[%get3A_212, %get3A_213] {strides = array<i32>} : memref<80x128xf32, #tpu.memory_space<vmem>>, vector<1x16xf32>,
        %get3A_215 = vector.shape_cast %get3A_214 : vector<1x16xf32> to vector<16xf32>
        %get3A_216 = arith.index_cast %add3A_165 : i32 to index
        %get3A_217 = arith.constant 32 : index
        %get3A_218 = tpu.vector_load %arg14[%get3A_216, %get3A_217] {strides = array<i32>} : memref<80x256xf32, #tpu.memory_space<vmem>>, vector<1x16xf32>,
        %get3A_219 = vector.shape_cast %get3A_218 : vector<1x16xf32> to vector<16xf32>
        %get3A_220 = arith.index_cast %add3A_165 : i32 to index
        %get3A_221 = arith.constant 160 : index
        %get3A_222 = tpu.vector_load %arg14[%get3A_220, %get3A_221] {strides = array<i32>} : memref<80x256xf32, #tpu.memory_space<vmem>>, vector<1x16xf32>,
        %get3A_223 = vector.shape_cast %get3A_222 : vector<1x16xf32> to vector<16xf32>
        %mul3A_224 = arith.mulf %get3A_211, %get3A_219 : vector<16xf32>
        %mul3A_225 = arith.mulf %get3A_215, %get3A_223 : vector<16xf32>
        %sub3A_226 = arith.subf %mul3A_224, %mul3A_225 : vector<16xf32>
        %abs3A_227 = math.absf %sub3A_226 : vector<16xf32>
        %add3A_228 = arith.addf %add3A_186, %abs3A_227 : vector<16xf32>
        %get3A_229 = arith.index_cast %add3A_165 : i32 to index
        %get3A_230 = arith.constant 48 : index
        %get3A_231 = tpu.vector_load %arg12[%get3A_229, %get3A_230] {strides = array<i32>} : memref<80x128xf32, #tpu.memory_space<vmem>>, vector<1x16xf32>,
        %get3A_232 = vector.shape_cast %get3A_231 : vector<1x16xf32> to vector<16xf32>
        %get3A_233 = arith.index_cast %add3A_165 : i32 to index
        %get3A_234 = arith.constant 48 : index
        %get3A_235 = tpu.vector_load %arg13[%get3A_233, %get3A_234] {strides = array<i32>} : memref<80x128xf32, #tpu.memory_space<vmem>>, vector<1x16xf32>,
        %get3A_236 = vector.shape_cast %get3A_235 : vector<1x16xf32> to vector<16xf32>
        %get3A_237 = arith.index_cast %add3A_165 : i32 to index
        %get3A_238 = arith.constant 48 : index
        %get3A_239 = tpu.vector_load %arg14[%get3A_237, %get3A_238] {strides = array<i32>} : memref<80x256xf32, #tpu.memory_space<vmem>>, vector<1x16xf32>,
        %get3A_240 = vector.shape_cast %get3A_239 : vector<1x16xf32> to vector<16xf32>
        %get3A_241 = arith.index_cast %add3A_165 : i32 to index
        %get3A_242 = arith.constant 176 : index
        %get3A_243 = tpu.vector_load %arg14[%get3A_241, %get3A_242] {strides = array<i32>} : memref<80x256xf32, #tpu.memory_space<vmem>>, vector<1x16xf32>,
        %get3A_244 = vector.shape_cast %get3A_243 : vector<1x16xf32> to vector<16xf32>
        %mul3A_245 = arith.mulf %get3A_232, %get3A_240 : vector<16xf32>
        %mul3A_246 = arith.mulf %get3A_236, %get3A_244 : vector<16xf32>
        %sub3A_247 = arith.subf %mul3A_245, %mul3A_246 : vector<16xf32>
        %abs3A_248 = math.absf %sub3A_247 : vector<16xf32>
        %add3A_249 = arith.addf %add3A_207, %abs3A_248 : vector<16xf32>
        %get3A_250 = arith.index_cast %add3A_165 : i32 to index
        %get3A_251 = arith.constant 64 : index
        %get3A_252 = tpu.vector_load %arg12[%get3A_250, %get3A_251] {strides = array<i32>} : memref<80x128xf32, #tpu.memory_space<vmem>>, vector<1x16xf32>,
        %get3A_253 = vector.shape_cast %get3A_252 : vector<1x16xf32> to vector<16xf32>
        %get3A_254 = arith.index_cast %add3A_165 : i32 to index
        %get3A_255 = arith.constant 64 : index
        %get3A_256 = tpu.vector_load %arg13[%get3A_254, %get3A_255] {strides = array<i32>} : memref<80x128xf32, #tpu.memory_space<vmem>>, vector<1x16xf32>,
        %get3A_257 = vector.shape_cast %get3A_256 : vector<1x16xf32> to vector<16xf32>
        %get3A_258 = arith.index_cast %add3A_165 : i32 to index
        %get3A_259 = arith.constant 64 : index
        %get3A_260 = tpu.vector_load %arg14[%get3A_258, %get3A_259] {strides = array<i32>} : memref<80x256xf32, #tpu.memory_space<vmem>>, vector<1x16xf32>,
        %get3A_261 = vector.shape_cast %get3A_260 : vector<1x16xf32> to vector<16xf32>
        %get3A_262 = arith.index_cast %add3A_165 : i32 to index
        %get3A_263 = arith.constant 192 : index
        %get3A_264 = tpu.vector_load %arg14[%get3A_262, %get3A_263] {strides = array<i32>} : memref<80x256xf32, #tpu.memory_space<vmem>>, vector<1x16xf32>,
        %get3A_265 = vector.shape_cast %get3A_264 : vector<1x16xf32> to vector<16xf32>
        %mul3A_266 = arith.mulf %get3A_253, %get3A_261 : vector<16xf32>
        %mul3A_267 = arith.mulf %get3A_257, %get3A_265 : vector<16xf32>
        %sub3A_268 = arith.subf %mul3A_266, %mul3A_267 : vector<16xf32>
        %abs3A_269 = math.absf %sub3A_268 : vector<16xf32>
        %add3A_270 = arith.addf %add3A_228, %abs3A_269 : vector<16xf32>
        %get3A_271 = arith.index_cast %add3A_165 : i32 to index
        %get3A_272 = arith.constant 80 : index
        %get3A_273 = tpu.vector_load %arg12[%get3A_271, %get3A_272] {strides = array<i32>} : memref<80x128xf32, #tpu.memory_space<vmem>>, vector<1x16xf32>,
        %get3A_274 = vector.shape_cast %get3A_273 : vector<1x16xf32> to vector<16xf32>
        %get3A_275 = arith.index_cast %add3A_165 : i32 to index
        %get3A_276 = arith.constant 80 : index
        %get3A_277 = tpu.vector_load %arg13[%get3A_275, %get3A_276] {strides = array<i32>} : memref<80x128xf32, #tpu.memory_space<vmem>>, vector<1x16xf32>,
        %get3A_278 = vector.shape_cast %get3A_277 : vector<1x16xf32> to vector<16xf32>
        %get3A_279 = arith.index_cast %add3A_165 : i32 to index
        %get3A_280 = arith.constant 80 : index
        %get3A_281 = tpu.vector_load %arg14[%get3A_279, %get3A_280] {strides = array<i32>} : memref<80x256xf32, #tpu.memory_space<vmem>>, vector<1x16xf32>,
        %get3A_282 = vector.shape_cast %get3A_281 : vector<1x16xf32> to vector<16xf32>
        %get3A_283 = arith.index_cast %add3A_165 : i32 to index
        %get3A_284 = arith.constant 208 : index
        %get3A_285 = tpu.vector_load %arg14[%get3A_283, %get3A_284] {strides = array<i32>} : memref<80x256xf32, #tpu.memory_space<vmem>>, vector<1x16xf32>,
        %get3A_286 = vector.shape_cast %get3A_285 : vector<1x16xf32> to vector<16xf32>
        %mul3A_287 = arith.mulf %get3A_274, %get3A_282 : vector<16xf32>
        %mul3A_288 = arith.mulf %get3A_278, %get3A_286 : vector<16xf32>
        %sub3A_289 = arith.subf %mul3A_287, %mul3A_288 : vector<16xf32>
        %abs3A_290 = math.absf %sub3A_289 : vector<16xf32>
        %add3A_291 = arith.addf %add3A_249, %abs3A_290 : vector<16xf32>
        %get3A_292 = arith.index_cast %add3A_165 : i32 to index
        %get3A_293 = arith.constant 96 : index
        %get3A_294 = tpu.vector_load %arg12[%get3A_292, %get3A_293] {strides = array<i32>} : memref<80x128xf32, #tpu.memory_space<vmem>>, vector<1x16xf32>,
        %get3A_295 = vector.shape_cast %get3A_294 : vector<1x16xf32> to vector<16xf32>
        %get3A_296 = arith.index_cast %add3A_165 : i32 to index
        %get3A_297 = arith.constant 96 : index
        %get3A_298 = tpu.vector_load %arg13[%get3A_296, %get3A_297] {strides = array<i32>} : memref<80x128xf32, #tpu.memory_space<vmem>>, vector<1x16xf32>,
        %get3A_299 = vector.shape_cast %get3A_298 : vector<1x16xf32> to vector<16xf32>
        %get3A_300 = arith.index_cast %add3A_165 : i32 to index
        %get3A_301 = arith.constant 96 : index
        %get3A_302 = tpu.vector_load %arg14[%get3A_300, %get3A_301] {strides = array<i32>} : memref<80x256xf32, #tpu.memory_space<vmem>>, vector<1x16xf32>,
        %get3A_303 = vector.shape_cast %get3A_302 : vector<1x16xf32> to vector<16xf32>
        %get3A_304 = arith.index_cast %add3A_165 : i32 to index
        %get3A_305 = arith.constant 224 : index
        %get3A_306 = tpu.vector_load %arg14[%get3A_304, %get3A_305] {strides = array<i32>} : memref<80x256xf32, #tpu.memory_space<vmem>>, vector<1x16xf32>,
        %get3A_307 = vector.shape_cast %get3A_306 : vector<1x16xf32> to vector<16xf32>
        %mul3A_308 = arith.mulf %get3A_295, %get3A_303 : vector<16xf32>
        %mul3A_309 = arith.mulf %get3A_299, %get3A_307 : vector<16xf32>
        %sub3A_310 = arith.subf %mul3A_308, %mul3A_309 : vector<16xf32>
        %abs3A_311 = math.absf %sub3A_310 : vector<16xf32>
        %add3A_312 = arith.addf %add3A_270, %abs3A_311 : vector<16xf32>
        %get3A_313 = arith.index_cast %add3A_165 : i32 to index
        %get3A_314 = arith.constant 112 : index
        %get3A_315 = tpu.vector_load %arg12[%get3A_313, %get3A_314] {strides = array<i32>} : memref<80x128xf32, #tpu.memory_space<vmem>>, vector<1x16xf32>,
        %get3A_316 = vector.shape_cast %get3A_315 : vector<1x16xf32> to vector<16xf32>
        %get3A_317 = arith.index_cast %add3A_165 : i32 to index
        %get3A_318 = arith.constant 112 : index
        %get3A_319 = tpu.vector_load %arg13[%get3A_317, %get3A_318] {strides = array<i32>} : memref<80x128xf32, #tpu.memory_space<vmem>>, vector<1x16xf32>,
        %get3A_320 = vector.shape_cast %get3A_319 : vector<1x16xf32> to vector<16xf32>
        %get3A_321 = arith.index_cast %add3A_165 : i32 to index
        %get3A_322 = arith.constant 112 : index
        %get3A_323 = tpu.vector_load %arg14[%get3A_321, %get3A_322] {strides = array<i32>} : memref<80x256xf32, #tpu.memory_space<vmem>>, vector<1x16xf32>,
        %get3A_324 = vector.shape_cast %get3A_323 : vector<1x16xf32> to vector<16xf32>
        %get3A_325 = arith.index_cast %add3A_165 : i32 to index
        %get3A_326 = arith.constant 240 : index
        %get3A_327 = tpu.vector_load %arg14[%get3A_325, %get3A_326] {strides = array<i32>} : memref<80x256xf32, #tpu.memory_space<vmem>>, vector<1x16xf32>,
        %get3A_328 = vector.shape_cast %get3A_327 : vector<1x16xf32> to vector<16xf32>
        %mul3A_329 = arith.mulf %get3A_316, %get3A_324 : vector<16xf32>
        %mul3A_330 = arith.mulf %get3A_320, %get3A_328 : vector<16xf32>
        %sub3A_331 = arith.subf %mul3A_329, %mul3A_330 : vector<16xf32>
        %abs3A_332 = math.absf %sub3A_331 : vector<16xf32>
        %add3A_333 = arith.addf %add3A_291, %abs3A_332 : vector<16xf32>
        %add3A_334 = arith.addf %add3A_312, %add3A_333 : vector<16xf32>
        %mul3A_335 = arith.constant 16 : i32
        %mul3A_336 = arith.muli %add3A_165, %mul3A_335 : i32
        %swap3A = arith.index_cast %mul3A_336 : i32 to index
        %swap3A_337 = tpu.vector_load %arg15[%swap3A] {strides = array<i32>} : memref<1280xf32, #tpu.memory_space<vmem>>, vector<16xf32>,
        %swap3A_338 = vector.shape_cast %swap3A_337 : vector<16xf32> to vector<16xf32>
        %swap3A_339 = vector.shape_cast %add3A_334 : vector<16xf32> to vector<16xf32>
        tpu.vector_store %arg15[%swap3A], %swap3A_339 {strides = array<i32>} : memref<1280xf32, #tpu.memory_space<vmem>>, vector<16xf32>,
        %mul3A_340 = arith.constant 4 : i32
        %mul3A_341 = arith.muli %scan3A_161, %mul3A_340 : i32
        %add3A_342 = arith.constant 1 : i32
        %add3A_343 = arith.addi %mul3A_341, %add3A_342 : i32
        %broadcast_in_dim3A_344 = arith.constant 0.000000e+00 : f32
        %broadcast_in_dim3A_345 = vector.broadcast %broadcast_in_dim3A_344 : f32 to vector<16xf32>
        %broadcast_in_dim3A_346 = arith.constant 0.000000e+00 : f32
        %broadcast_in_dim3A_347 = vector.broadcast %broadcast_in_dim3A_346 : f32 to vector<16xf32>
        %get3A_348 = arith.index_cast %add3A_343 : i32 to index
        %get3A_349 = arith.constant 0 : index
        %get3A_350 = tpu.vector_load %arg12[%get3A_348, %get3A_349] {strides = array<i32>} : memref<80x128xf32, #tpu.memory_space<vmem>>, vector<1x16xf32>,
        %get3A_351 = vector.shape_cast %get3A_350 : vector<1x16xf32> to vector<16xf32>
        %get3A_352 = arith.index_cast %add3A_343 : i32 to index
        %get3A_353 = arith.constant 0 : index
        %get3A_354 = tpu.vector_load %arg13[%get3A_352, %get3A_353] {strides = array<i32>} : memref<80x128xf32, #tpu.memory_space<vmem>>, vector<1x16xf32>,
        %get3A_355 = vector.shape_cast %get3A_354 : vector<1x16xf32> to vector<16xf32>
        %get3A_356 = arith.index_cast %add3A_343 : i32 to index
        %get3A_357 = arith.constant 0 : index
        %get3A_358 = tpu.vector_load %arg14[%get3A_356, %get3A_357] {strides = array<i32>} : memref<80x256xf32, #tpu.memory_space<vmem>>, vector<1x16xf32>,
        %get3A_359 = vector.shape_cast %get3A_358 : vector<1x16xf32> to vector<16xf32>
        %get3A_360 = arith.index_cast %add3A_343 : i32 to index
        %get3A_361 = arith.constant 128 : index
        %get3A_362 = tpu.vector_load %arg14[%get3A_360, %get3A_361] {strides = array<i32>} : memref<80x256xf32, #tpu.memory_space<vmem>>, vector<1x16xf32>,
        %get3A_363 = vector.shape_cast %get3A_362 : vector<1x16xf32> to vector<16xf32>
        %mul3A_364 = arith.mulf %get3A_351, %get3A_359 : vector<16xf32>
        %mul3A_365 = arith.mulf %get3A_355, %get3A_363 : vector<16xf32>
        %sub3A_366 = arith.subf %mul3A_364, %mul3A_365 : vector<16xf32>
        %abs3A_367 = math.absf %sub3A_366 : vector<16xf32>
        %add3A_368 = arith.addf %broadcast_in_dim3A_345, %abs3A_367 : vector<16xf32>
        %get3A_369 = arith.index_cast %add3A_343 : i32 to index
        %get3A_370 = arith.constant 16 : index
        %get3A_371 = tpu.vector_load %arg12[%get3A_369, %get3A_370] {strides = array<i32>} : memref<80x128xf32, #tpu.memory_space<vmem>>, vector<1x16xf32>,
        %get3A_372 = vector.shape_cast %get3A_371 : vector<1x16xf32> to vector<16xf32>
        %get3A_373 = arith.index_cast %add3A_343 : i32 to index
        %get3A_374 = arith.constant 16 : index
        %get3A_375 = tpu.vector_load %arg13[%get3A_373, %get3A_374] {strides = array<i32>} : memref<80x128xf32, #tpu.memory_space<vmem>>, vector<1x16xf32>,
        %get3A_376 = vector.shape_cast %get3A_375 : vector<1x16xf32> to vector<16xf32>
        %get3A_377 = arith.index_cast %add3A_343 : i32 to index
        %get3A_378 = arith.constant 16 : index
        %get3A_379 = tpu.vector_load %arg14[%get3A_377, %get3A_378] {strides = array<i32>} : memref<80x256xf32, #tpu.memory_space<vmem>>, vector<1x16xf32>,
        %get3A_380 = vector.shape_cast %get3A_379 : vector<1x16xf32> to vector<16xf32>
        %get3A_381 = arith.index_cast %add3A_343 : i32 to index
        %get3A_382 = arith.constant 144 : index
        %get3A_383 = tpu.vector_load %arg14[%get3A_381, %get3A_382] {strides = array<i32>} : memref<80x256xf32, #tpu.memory_space<vmem>>, vector<1x16xf32>,
        %get3A_384 = vector.shape_cast %get3A_383 : vector<1x16xf32> to vector<16xf32>
        %mul3A_385 = arith.mulf %get3A_372, %get3A_380 : vector<16xf32>
        %mul3A_386 = arith.mulf %get3A_376, %get3A_384 : vector<16xf32>
        %sub3A_387 = arith.subf %mul3A_385, %mul3A_386 : vector<16xf32>
        %abs3A_388 = math.absf %sub3A_387 : vector<16xf32>
        %add3A_389 = arith.addf %broadcast_in_dim3A_347, %abs3A_388 : vector<16xf32>
        %get3A_390 = arith.index_cast %add3A_343 : i32 to index
        %get3A_391 = arith.constant 32 : index
        %get3A_392 = tpu.vector_load %arg12[%get3A_390, %get3A_391] {strides = array<i32>} : memref<80x128xf32, #tpu.memory_space<vmem>>, vector<1x16xf32>,
        %get3A_393 = vector.shape_cast %get3A_392 : vector<1x16xf32> to vector<16xf32>
        %get3A_394 = arith.index_cast %add3A_343 : i32 to index
        %get3A_395 = arith.constant 32 : index
        %get3A_396 = tpu.vector_load %arg13[%get3A_394, %get3A_395] {strides = array<i32>} : memref<80x128xf32, #tpu.memory_space<vmem>>, vector<1x16xf32>,
        %get3A_397 = vector.shape_cast %get3A_396 : vector<1x16xf32> to vector<16xf32>
        %get3A_398 = arith.index_cast %add3A_343 : i32 to index
        %get3A_399 = arith.constant 32 : index
        %get3A_400 = tpu.vector_load %arg14[%get3A_398, %get3A_399] {strides = array<i32>} : memref<80x256xf32, #tpu.memory_space<vmem>>, vector<1x16xf32>,
        %get3A_401 = vector.shape_cast %get3A_400 : vector<1x16xf32> to vector<16xf32>
        %get3A_402 = arith.index_cast %add3A_343 : i32 to index
        %get3A_403 = arith.constant 160 : index
        %get3A_404 = tpu.vector_load %arg14[%get3A_402, %get3A_403] {strides = array<i32>} : memref<80x256xf32, #tpu.memory_space<vmem>>, vector<1x16xf32>,
        %get3A_405 = vector.shape_cast %get3A_404 : vector<1x16xf32> to vector<16xf32>
        %mul3A_406 = arith.mulf %get3A_393, %get3A_401 : vector<16xf32>
        %mul3A_407 = arith.mulf %get3A_397, %get3A_405 : vector<16xf32>
        %sub3A_408 = arith.subf %mul3A_406, %mul3A_407 : vector<16xf32>
        %abs3A_409 = math.absf %sub3A_408 : vector<16xf32>
        %add3A_410 = arith.addf %add3A_368, %abs3A_409 : vector<16xf32>
        %get3A_411 = arith.index_cast %add3A_343 : i32 to index
        %get3A_412 = arith.constant 48 : index
        %get3A_413 = tpu.vector_load %arg12[%get3A_411, %get3A_412] {strides = array<i32>} : memref<80x128xf32, #tpu.memory_space<vmem>>, vector<1x16xf32>,
        %get3A_414 = vector.shape_cast %get3A_413 : vector<1x16xf32> to vector<16xf32>
        %get3A_415 = arith.index_cast %add3A_343 : i32 to index
        %get3A_416 = arith.constant 48 : index
        %get3A_417 = tpu.vector_load %arg13[%get3A_415, %get3A_416] {strides = array<i32>} : memref<80x128xf32, #tpu.memory_space<vmem>>, vector<1x16xf32>,
        %get3A_418 = vector.shape_cast %get3A_417 : vector<1x16xf32> to vector<16xf32>
        %get3A_419 = arith.index_cast %add3A_343 : i32 to index
        %get3A_420 = arith.constant 48 : index
        %get3A_421 = tpu.vector_load %arg14[%get3A_419, %get3A_420] {strides = array<i32>} : memref<80x256xf32, #tpu.memory_space<vmem>>, vector<1x16xf32>,
        %get3A_422 = vector.shape_cast %get3A_421 : vector<1x16xf32> to vector<16xf32>
        %get3A_423 = arith.index_cast %add3A_343 : i32 to index
        %get3A_424 = arith.constant 176 : index
        %get3A_425 = tpu.vector_load %arg14[%get3A_423, %get3A_424] {strides = array<i32>} : memref<80x256xf32, #tpu.memory_space<vmem>>, vector<1x16xf32>,
        %get3A_426 = vector.shape_cast %get3A_425 : vector<1x16xf32> to vector<16xf32>
        %mul3A_427 = arith.mulf %get3A_414, %get3A_422 : vector<16xf32>
        %mul3A_428 = arith.mulf %get3A_418, %get3A_426 : vector<16xf32>
        %sub3A_429 = arith.subf %mul3A_427, %mul3A_428 : vector<16xf32>
        %abs3A_430 = math.absf %sub3A_429 : vector<16xf32>
        %add3A_431 = arith.addf %add3A_389, %abs3A_430 : vector<16xf32>
        %get3A_432 = arith.index_cast %add3A_343 : i32 to index
        %get3A_433 = arith.constant 64 : index
        %get3A_434 = tpu.vector_load %arg12[%get3A_432, %get3A_433] {strides = array<i32>} : memref<80x128xf32, #tpu.memory_space<vmem>>, vector<1x16xf32>,
        %get3A_435 = vector.shape_cast %get3A_434 : vector<1x16xf32> to vector<16xf32>
        %get3A_436 = arith.index_cast %add3A_343 : i32 to index
        %get3A_437 = arith.constant 64 : index
        %get3A_438 = tpu.vector_load %arg13[%get3A_436, %get3A_437] {strides = array<i32>} : memref<80x128xf32, #tpu.memory_space<vmem>>, vector<1x16xf32>,
        %get3A_439 = vector.shape_cast %get3A_438 : vector<1x16xf32> to vector<16xf32>
        %get3A_440 = arith.index_cast %add3A_343 : i32 to index
        %get3A_441 = arith.constant 64 : index
        %get3A_442 = tpu.vector_load %arg14[%get3A_440, %get3A_441] {strides = array<i32>} : memref<80x256xf32, #tpu.memory_space<vmem>>, vector<1x16xf32>,
        %get3A_443 = vector.shape_cast %get3A_442 : vector<1x16xf32> to vector<16xf32>
        %get3A_444 = arith.index_cast %add3A_343 : i32 to index
        %get3A_445 = arith.constant 192 : index
        %get3A_446 = tpu.vector_load %arg14[%get3A_444, %get3A_445] {strides = array<i32>} : memref<80x256xf32, #tpu.memory_space<vmem>>, vector<1x16xf32>,
        %get3A_447 = vector.shape_cast %get3A_446 : vector<1x16xf32> to vector<16xf32>
        %mul3A_448 = arith.mulf %get3A_435, %get3A_443 : vector<16xf32>
        %mul3A_449 = arith.mulf %get3A_439, %get3A_447 : vector<16xf32>
        %sub3A_450 = arith.subf %mul3A_448, %mul3A_449 : vector<16xf32>
        %abs3A_451 = math.absf %sub3A_450 : vector<16xf32>
        %add3A_452 = arith.addf %add3A_410, %abs3A_451 : vector<16xf32>
        %get3A_453 = arith.index_cast %add3A_343 : i32 to index
        %get3A_454 = arith.constant 80 : index
        %get3A_455 = tpu.vector_load %arg12[%get3A_453, %get3A_454] {strides = array<i32>} : memref<80x128xf32, #tpu.memory_space<vmem>>, vector<1x16xf32>,
        %get3A_456 = vector.shape_cast %get3A_455 : vector<1x16xf32> to vector<16xf32>
        %get3A_457 = arith.index_cast %add3A_343 : i32 to index
        %get3A_458 = arith.constant 80 : index
        %get3A_459 = tpu.vector_load %arg13[%get3A_457, %get3A_458] {strides = array<i32>} : memref<80x128xf32, #tpu.memory_space<vmem>>, vector<1x16xf32>,
        %get3A_460 = vector.shape_cast %get3A_459 : vector<1x16xf32> to vector<16xf32>
        %get3A_461 = arith.index_cast %add3A_343 : i32 to index
        %get3A_462 = arith.constant 80 : index
        %get3A_463 = tpu.vector_load %arg14[%get3A_461, %get3A_462] {strides = array<i32>} : memref<80x256xf32, #tpu.memory_space<vmem>>, vector<1x16xf32>,
        %get3A_464 = vector.shape_cast %get3A_463 : vector<1x16xf32> to vector<16xf32>
        %get3A_465 = arith.index_cast %add3A_343 : i32 to index
        %get3A_466 = arith.constant 208 : index
        %get3A_467 = tpu.vector_load %arg14[%get3A_465, %get3A_466] {strides = array<i32>} : memref<80x256xf32, #tpu.memory_space<vmem>>, vector<1x16xf32>,
        %get3A_468 = vector.shape_cast %get3A_467 : vector<1x16xf32> to vector<16xf32>
        %mul3A_469 = arith.mulf %get3A_456, %get3A_464 : vector<16xf32>
        %mul3A_470 = arith.mulf %get3A_460, %get3A_468 : vector<16xf32>
        %sub3A_471 = arith.subf %mul3A_469, %mul3A_470 : vector<16xf32>
        %abs3A_472 = math.absf %sub3A_471 : vector<16xf32>
        %add3A_473 = arith.addf %add3A_431, %abs3A_472 : vector<16xf32>
        %get3A_474 = arith.index_cast %add3A_343 : i32 to index
        %get3A_475 = arith.constant 96 : index
        %get3A_476 = tpu.vector_load %arg12[%get3A_474, %get3A_475] {strides = array<i32>} : memref<80x128xf32, #tpu.memory_space<vmem>>, vector<1x16xf32>,
        %get3A_477 = vector.shape_cast %get3A_476 : vector<1x16xf32> to vector<16xf32>
        %get3A_478 = arith.index_cast %add3A_343 : i32 to index
        %get3A_479 = arith.constant 96 : index
        %get3A_480 = tpu.vector_load %arg13[%get3A_478, %get3A_479] {strides = array<i32>} : memref<80x128xf32, #tpu.memory_space<vmem>>, vector<1x16xf32>,
        %get3A_481 = vector.shape_cast %get3A_480 : vector<1x16xf32> to vector<16xf32>
        %get3A_482 = arith.index_cast %add3A_343 : i32 to index
        %get3A_483 = arith.constant 96 : index
        %get3A_484 = tpu.vector_load %arg14[%get3A_482, %get3A_483] {strides = array<i32>} : memref<80x256xf32, #tpu.memory_space<vmem>>, vector<1x16xf32>,
        %get3A_485 = vector.shape_cast %get3A_484 : vector<1x16xf32> to vector<16xf32>
        %get3A_486 = arith.index_cast %add3A_343 : i32 to index
        %get3A_487 = arith.constant 224 : index
        %get3A_488 = tpu.vector_load %arg14[%get3A_486, %get3A_487] {strides = array<i32>} : memref<80x256xf32, #tpu.memory_space<vmem>>, vector<1x16xf32>,
        %get3A_489 = vector.shape_cast %get3A_488 : vector<1x16xf32> to vector<16xf32>
        %mul3A_490 = arith.mulf %get3A_477, %get3A_485 : vector<16xf32>
        %mul3A_491 = arith.mulf %get3A_481, %get3A_489 : vector<16xf32>
        %sub3A_492 = arith.subf %mul3A_490, %mul3A_491 : vector<16xf32>
        %abs3A_493 = math.absf %sub3A_492 : vector<16xf32>
        %add3A_494 = arith.addf %add3A_452, %abs3A_493 : vector<16xf32>
        %get3A_495 = arith.index_cast %add3A_343 : i32 to index
        %get3A_496 = arith.constant 112 : index
        %get3A_497 = tpu.vector_load %arg12[%get3A_495, %get3A_496] {strides = array<i32>} : memref<80x128xf32, #tpu.memory_space<vmem>>, vector<1x16xf32>,
        %get3A_498 = vector.shape_cast %get3A_497 : vector<1x16xf32> to vector<16xf32>
        %get3A_499 = arith.index_cast %add3A_343 : i32 to index
        %get3A_500 = arith.constant 112 : index
        %get3A_501 = tpu.vector_load %arg13[%get3A_499, %get3A_500] {strides = array<i32>} : memref<80x128xf32, #tpu.memory_space<vmem>>, vector<1x16xf32>,
        %get3A_502 = vector.shape_cast %get3A_501 : vector<1x16xf32> to vector<16xf32>
        %get3A_503 = arith.index_cast %add3A_343 : i32 to index
        %get3A_504 = arith.constant 112 : index
        %get3A_505 = tpu.vector_load %arg14[%get3A_503, %get3A_504] {strides = array<i32>} : memref<80x256xf32, #tpu.memory_space<vmem>>, vector<1x16xf32>,
        %get3A_506 = vector.shape_cast %get3A_505 : vector<1x16xf32> to vector<16xf32>
        %get3A_507 = arith.index_cast %add3A_343 : i32 to index
        %get3A_508 = arith.constant 240 : index
        %get3A_509 = tpu.vector_load %arg14[%get3A_507, %get3A_508] {strides = array<i32>} : memref<80x256xf32, #tpu.memory_space<vmem>>, vector<1x16xf32>,
        %get3A_510 = vector.shape_cast %get3A_509 : vector<1x16xf32> to vector<16xf32>
        %mul3A_511 = arith.mulf %get3A_498, %get3A_506 : vector<16xf32>
        %mul3A_512 = arith.mulf %get3A_502, %get3A_510 : vector<16xf32>
        %sub3A_513 = arith.subf %mul3A_511, %mul3A_512 : vector<16xf32>
        %abs3A_514 = math.absf %sub3A_513 : vector<16xf32>
        %add3A_515 = arith.addf %add3A_473, %abs3A_514 : vector<16xf32>
        %add3A_516 = arith.addf %add3A_494, %add3A_515 : vector<16xf32>
        %mul3A_517 = arith.constant 16 : i32
        %mul3A_518 = arith.muli %add3A_343, %mul3A_517 : i32
        %swap3A_519 = arith.index_cast %mul3A_518 : i32 to index
        %swap3A_520 = tpu.vector_load %arg15[%swap3A_519] {strides = array<i32>} : memref<1280xf32, #tpu.memory_space<vmem>>, vector<16xf32>,
        %swap3A_521 = vector.shape_cast %swap3A_520 : vector<16xf32> to vector<16xf32>
        %swap3A_522 = vector.shape_cast %add3A_516 : vector<16xf32> to vector<16xf32>
        tpu.vector_store %arg15[%swap3A_519], %swap3A_522 {strides = array<i32>} : memref<1280xf32, #tpu.memory_space<vmem>>, vector<16xf32>,
        %mul3A_523 = arith.constant 4 : i32
        %mul3A_524 = arith.muli %scan3A_161, %mul3A_523 : i32
        %add3A_525 = arith.constant 2 : i32
        %add3A_526 = arith.addi %mul3A_524, %add3A_525 : i32
        %broadcast_in_dim3A_527 = arith.constant 0.000000e+00 : f32
        %broadcast_in_dim3A_528 = vector.broadcast %broadcast_in_dim3A_527 : f32 to vector<16xf32>
        %broadcast_in_dim3A_529 = arith.constant 0.000000e+00 : f32
        %broadcast_in_dim3A_530 = vector.broadcast %broadcast_in_dim3A_529 : f32 to vector<16xf32>
        %get3A_531 = arith.index_cast %add3A_526 : i32 to index
        %get3A_532 = arith.constant 0 : index
        %get3A_533 = tpu.vector_load %arg12[%get3A_531, %get3A_532] {strides = array<i32>} : memref<80x128xf32, #tpu.memory_space<vmem>>, vector<1x16xf32>,
        %get3A_534 = vector.shape_cast %get3A_533 : vector<1x16xf32> to vector<16xf32>
        %get3A_535 = arith.index_cast %add3A_526 : i32 to index
        %get3A_536 = arith.constant 0 : index
        %get3A_537 = tpu.vector_load %arg13[%get3A_535, %get3A_536] {strides = array<i32>} : memref<80x128xf32, #tpu.memory_space<vmem>>, vector<1x16xf32>,
        %get3A_538 = vector.shape_cast %get3A_537 : vector<1x16xf32> to vector<16xf32>
        %get3A_539 = arith.index_cast %add3A_526 : i32 to index
        %get3A_540 = arith.constant 0 : index
        %get3A_541 = tpu.vector_load %arg14[%get3A_539, %get3A_540] {strides = array<i32>} : memref<80x256xf32, #tpu.memory_space<vmem>>, vector<1x16xf32>,
        %get3A_542 = vector.shape_cast %get3A_541 : vector<1x16xf32> to vector<16xf32>
        %get3A_543 = arith.index_cast %add3A_526 : i32 to index
        %get3A_544 = arith.constant 128 : index
        %get3A_545 = tpu.vector_load %arg14[%get3A_543, %get3A_544] {strides = array<i32>} : memref<80x256xf32, #tpu.memory_space<vmem>>, vector<1x16xf32>,
        %get3A_546 = vector.shape_cast %get3A_545 : vector<1x16xf32> to vector<16xf32>
        %mul3A_547 = arith.mulf %get3A_534, %get3A_542 : vector<16xf32>
        %mul3A_548 = arith.mulf %get3A_538, %get3A_546 : vector<16xf32>
        %sub3A_549 = arith.subf %mul3A_547, %mul3A_548 : vector<16xf32>
        %abs3A_550 = math.absf %sub3A_549 : vector<16xf32>
        %add3A_551 = arith.addf %broadcast_in_dim3A_528, %abs3A_550 : vector<16xf32>
        %get3A_552 = arith.index_cast %add3A_526 : i32 to index
        %get3A_553 = arith.constant 16 : index
        %get3A_554 = tpu.vector_load %arg12[%get3A_552, %get3A_553] {strides = array<i32>} : memref<80x128xf32, #tpu.memory_space<vmem>>, vector<1x16xf32>,
        %get3A_555 = vector.shape_cast %get3A_554 : vector<1x16xf32> to vector<16xf32>
        %get3A_556 = arith.index_cast %add3A_526 : i32 to index
        %get3A_557 = arith.constant 16 : index
        %get3A_558 = tpu.vector_load %arg13[%get3A_556, %get3A_557] {strides = array<i32>} : memref<80x128xf32, #tpu.memory_space<vmem>>, vector<1x16xf32>,
        %get3A_559 = vector.shape_cast %get3A_558 : vector<1x16xf32> to vector<16xf32>
        %get3A_560 = arith.index_cast %add3A_526 : i32 to index
        %get3A_561 = arith.constant 16 : index
        %get3A_562 = tpu.vector_load %arg14[%get3A_560, %get3A_561] {strides = array<i32>} : memref<80x256xf32, #tpu.memory_space<vmem>>, vector<1x16xf32>,
        %get3A_563 = vector.shape_cast %get3A_562 : vector<1x16xf32> to vector<16xf32>
        %get3A_564 = arith.index_cast %add3A_526 : i32 to index
        %get3A_565 = arith.constant 144 : index
        %get3A_566 = tpu.vector_load %arg14[%get3A_564, %get3A_565] {strides = array<i32>} : memref<80x256xf32, #tpu.memory_space<vmem>>, vector<1x16xf32>,
        %get3A_567 = vector.shape_cast %get3A_566 : vector<1x16xf32> to vector<16xf32>
        %mul3A_568 = arith.mulf %get3A_555, %get3A_563 : vector<16xf32>
        %mul3A_569 = arith.mulf %get3A_559, %get3A_567 : vector<16xf32>
        %sub3A_570 = arith.subf %mul3A_568, %mul3A_569 : vector<16xf32>
        %abs3A_571 = math.absf %sub3A_570 : vector<16xf32>
        %add3A_572 = arith.addf %broadcast_in_dim3A_530, %abs3A_571 : vector<16xf32>
        %get3A_573 = arith.index_cast %add3A_526 : i32 to index
        %get3A_574 = arith.constant 32 : index
        %get3A_575 = tpu.vector_load %arg12[%get3A_573, %get3A_574] {strides = array<i32>} : memref<80x128xf32, #tpu.memory_space<vmem>>, vector<1x16xf32>,
        %get3A_576 = vector.shape_cast %get3A_575 : vector<1x16xf32> to vector<16xf32>
        %get3A_577 = arith.index_cast %add3A_526 : i32 to index
        %get3A_578 = arith.constant 32 : index
        %get3A_579 = tpu.vector_load %arg13[%get3A_577, %get3A_578] {strides = array<i32>} : memref<80x128xf32, #tpu.memory_space<vmem>>, vector<1x16xf32>,
        %get3A_580 = vector.shape_cast %get3A_579 : vector<1x16xf32> to vector<16xf32>
        %get3A_581 = arith.index_cast %add3A_526 : i32 to index
        %get3A_582 = arith.constant 32 : index
        %get3A_583 = tpu.vector_load %arg14[%get3A_581, %get3A_582] {strides = array<i32>} : memref<80x256xf32, #tpu.memory_space<vmem>>, vector<1x16xf32>,
        %get3A_584 = vector.shape_cast %get3A_583 : vector<1x16xf32> to vector<16xf32>
        %get3A_585 = arith.index_cast %add3A_526 : i32 to index
        %get3A_586 = arith.constant 160 : index
        %get3A_587 = tpu.vector_load %arg14[%get3A_585, %get3A_586] {strides = array<i32>} : memref<80x256xf32, #tpu.memory_space<vmem>>, vector<1x16xf32>,
        %get3A_588 = vector.shape_cast %get3A_587 : vector<1x16xf32> to vector<16xf32>
        %mul3A_589 = arith.mulf %get3A_576, %get3A_584 : vector<16xf32>
        %mul3A_590 = arith.mulf %get3A_580, %get3A_588 : vector<16xf32>
        %sub3A_591 = arith.subf %mul3A_589, %mul3A_590 : vector<16xf32>
        %abs3A_592 = math.absf %sub3A_591 : vector<16xf32>
        %add3A_593 = arith.addf %add3A_551, %abs3A_592 : vector<16xf32>
        %get3A_594 = arith.index_cast %add3A_526 : i32 to index
        %get3A_595 = arith.constant 48 : index
        %get3A_596 = tpu.vector_load %arg12[%get3A_594, %get3A_595] {strides = array<i32>} : memref<80x128xf32, #tpu.memory_space<vmem>>, vector<1x16xf32>,
        %get3A_597 = vector.shape_cast %get3A_596 : vector<1x16xf32> to vector<16xf32>
        %get3A_598 = arith.index_cast %add3A_526 : i32 to index
        %get3A_599 = arith.constant 48 : index
        %get3A_600 = tpu.vector_load %arg13[%get3A_598, %get3A_599] {strides = array<i32>} : memref<80x128xf32, #tpu.memory_space<vmem>>, vector<1x16xf32>,
        %get3A_601 = vector.shape_cast %get3A_600 : vector<1x16xf32> to vector<16xf32>
        %get3A_602 = arith.index_cast %add3A_526 : i32 to index
        %get3A_603 = arith.constant 48 : index
        %get3A_604 = tpu.vector_load %arg14[%get3A_602, %get3A_603] {strides = array<i32>} : memref<80x256xf32, #tpu.memory_space<vmem>>, vector<1x16xf32>,
        %get3A_605 = vector.shape_cast %get3A_604 : vector<1x16xf32> to vector<16xf32>
        %get3A_606 = arith.index_cast %add3A_526 : i32 to index
        %get3A_607 = arith.constant 176 : index
        %get3A_608 = tpu.vector_load %arg14[%get3A_606, %get3A_607] {strides = array<i32>} : memref<80x256xf32, #tpu.memory_space<vmem>>, vector<1x16xf32>,
        %get3A_609 = vector.shape_cast %get3A_608 : vector<1x16xf32> to vector<16xf32>
        %mul3A_610 = arith.mulf %get3A_597, %get3A_605 : vector<16xf32>
        %mul3A_611 = arith.mulf %get3A_601, %get3A_609 : vector<16xf32>
        %sub3A_612 = arith.subf %mul3A_610, %mul3A_611 : vector<16xf32>
        %abs3A_613 = math.absf %sub3A_612 : vector<16xf32>
        %add3A_614 = arith.addf %add3A_572, %abs3A_613 : vector<16xf32>
        %get3A_615 = arith.index_cast %add3A_526 : i32 to index
        %get3A_616 = arith.constant 64 : index
        %get3A_617 = tpu.vector_load %arg12[%get3A_615, %get3A_616] {strides = array<i32>} : memref<80x128xf32, #tpu.memory_space<vmem>>, vector<1x16xf32>,
        %get3A_618 = vector.shape_cast %get3A_617 : vector<1x16xf32> to vector<16xf32>
        %get3A_619 = arith.index_cast %add3A_526 : i32 to index
        %get3A_620 = arith.constant 64 : index
        %get3A_621 = tpu.vector_load %arg13[%get3A_619, %get3A_620] {strides = array<i32>} : memref<80x128xf32, #tpu.memory_space<vmem>>, vector<1x16xf32>,
        %get3A_622 = vector.shape_cast %get3A_621 : vector<1x16xf32> to vector<16xf32>
        %get3A_623 = arith.index_cast %add3A_526 : i32 to index
        %get3A_624 = arith.constant 64 : index
        %get3A_625 = tpu.vector_load %arg14[%get3A_623, %get3A_624] {strides = array<i32>} : memref<80x256xf32, #tpu.memory_space<vmem>>, vector<1x16xf32>,
        %get3A_626 = vector.shape_cast %get3A_625 : vector<1x16xf32> to vector<16xf32>
        %get3A_627 = arith.index_cast %add3A_526 : i32 to index
        %get3A_628 = arith.constant 192 : index
        %get3A_629 = tpu.vector_load %arg14[%get3A_627, %get3A_628] {strides = array<i32>} : memref<80x256xf32, #tpu.memory_space<vmem>>, vector<1x16xf32>,
        %get3A_630 = vector.shape_cast %get3A_629 : vector<1x16xf32> to vector<16xf32>
        %mul3A_631 = arith.mulf %get3A_618, %get3A_626 : vector<16xf32>
        %mul3A_632 = arith.mulf %get3A_622, %get3A_630 : vector<16xf32>
        %sub3A_633 = arith.subf %mul3A_631, %mul3A_632 : vector<16xf32>
        %abs3A_634 = math.absf %sub3A_633 : vector<16xf32>
        %add3A_635 = arith.addf %add3A_593, %abs3A_634 : vector<16xf32>
        %get3A_636 = arith.index_cast %add3A_526 : i32 to index
        %get3A_637 = arith.constant 80 : index
        %get3A_638 = tpu.vector_load %arg12[%get3A_636, %get3A_637] {strides = array<i32>} : memref<80x128xf32, #tpu.memory_space<vmem>>, vector<1x16xf32>,
        %get3A_639 = vector.shape_cast %get3A_638 : vector<1x16xf32> to vector<16xf32>
        %get3A_640 = arith.index_cast %add3A_526 : i32 to index
        %get3A_641 = arith.constant 80 : index
        %get3A_642 = tpu.vector_load %arg13[%get3A_640, %get3A_641] {strides = array<i32>} : memref<80x128xf32, #tpu.memory_space<vmem>>, vector<1x16xf32>,
        %get3A_643 = vector.shape_cast %get3A_642 : vector<1x16xf32> to vector<16xf32>
        %get3A_644 = arith.index_cast %add3A_526 : i32 to index
        %get3A_645 = arith.constant 80 : index
        %get3A_646 = tpu.vector_load %arg14[%get3A_644, %get3A_645] {strides = array<i32>} : memref<80x256xf32, #tpu.memory_space<vmem>>, vector<1x16xf32>,
        %get3A_647 = vector.shape_cast %get3A_646 : vector<1x16xf32> to vector<16xf32>
        %get3A_648 = arith.index_cast %add3A_526 : i32 to index
        %get3A_649 = arith.constant 208 : index
        %get3A_650 = tpu.vector_load %arg14[%get3A_648, %get3A_649] {strides = array<i32>} : memref<80x256xf32, #tpu.memory_space<vmem>>, vector<1x16xf32>,
        %get3A_651 = vector.shape_cast %get3A_650 : vector<1x16xf32> to vector<16xf32>
        %mul3A_652 = arith.mulf %get3A_639, %get3A_647 : vector<16xf32>
        %mul3A_653 = arith.mulf %get3A_643, %get3A_651 : vector<16xf32>
        %sub3A_654 = arith.subf %mul3A_652, %mul3A_653 : vector<16xf32>
        %abs3A_655 = math.absf %sub3A_654 : vector<16xf32>
        %add3A_656 = arith.addf %add3A_614, %abs3A_655 : vector<16xf32>
        %get3A_657 = arith.index_cast %add3A_526 : i32 to index
        %get3A_658 = arith.constant 96 : index
        %get3A_659 = tpu.vector_load %arg12[%get3A_657, %get3A_658] {strides = array<i32>} : memref<80x128xf32, #tpu.memory_space<vmem>>, vector<1x16xf32>,
        %get3A_660 = vector.shape_cast %get3A_659 : vector<1x16xf32> to vector<16xf32>
        %get3A_661 = arith.index_cast %add3A_526 : i32 to index
        %get3A_662 = arith.constant 96 : index
        %get3A_663 = tpu.vector_load %arg13[%get3A_661, %get3A_662] {strides = array<i32>} : memref<80x128xf32, #tpu.memory_space<vmem>>, vector<1x16xf32>,
        %get3A_664 = vector.shape_cast %get3A_663 : vector<1x16xf32> to vector<16xf32>
        %get3A_665 = arith.index_cast %add3A_526 : i32 to index
        %get3A_666 = arith.constant 96 : index
        %get3A_667 = tpu.vector_load %arg14[%get3A_665, %get3A_666] {strides = array<i32>} : memref<80x256xf32, #tpu.memory_space<vmem>>, vector<1x16xf32>,
        %get3A_668 = vector.shape_cast %get3A_667 : vector<1x16xf32> to vector<16xf32>
        %get3A_669 = arith.index_cast %add3A_526 : i32 to index
        %get3A_670 = arith.constant 224 : index
        %get3A_671 = tpu.vector_load %arg14[%get3A_669, %get3A_670] {strides = array<i32>} : memref<80x256xf32, #tpu.memory_space<vmem>>, vector<1x16xf32>,
        %get3A_672 = vector.shape_cast %get3A_671 : vector<1x16xf32> to vector<16xf32>
        %mul3A_673 = arith.mulf %get3A_660, %get3A_668 : vector<16xf32>
        %mul3A_674 = arith.mulf %get3A_664, %get3A_672 : vector<16xf32>
        %sub3A_675 = arith.subf %mul3A_673, %mul3A_674 : vector<16xf32>
        %abs3A_676 = math.absf %sub3A_675 : vector<16xf32>
        %add3A_677 = arith.addf %add3A_635, %abs3A_676 : vector<16xf32>
        %get3A_678 = arith.index_cast %add3A_526 : i32 to index
        %get3A_679 = arith.constant 112 : index
        %get3A_680 = tpu.vector_load %arg12[%get3A_678, %get3A_679] {strides = array<i32>} : memref<80x128xf32, #tpu.memory_space<vmem>>, vector<1x16xf32>,
        %get3A_681 = vector.shape_cast %get3A_680 : vector<1x16xf32> to vector<16xf32>
        %get3A_682 = arith.index_cast %add3A_526 : i32 to index
        %get3A_683 = arith.constant 112 : index
        %get3A_684 = tpu.vector_load %arg13[%get3A_682, %get3A_683] {strides = array<i32>} : memref<80x128xf32, #tpu.memory_space<vmem>>, vector<1x16xf32>,
        %get3A_685 = vector.shape_cast %get3A_684 : vector<1x16xf32> to vector<16xf32>
        %get3A_686 = arith.index_cast %add3A_526 : i32 to index
        %get3A_687 = arith.constant 112 : index
        %get3A_688 = tpu.vector_load %arg14[%get3A_686, %get3A_687] {strides = array<i32>} : memref<80x256xf32, #tpu.memory_space<vmem>>, vector<1x16xf32>,
        %get3A_689 = vector.shape_cast %get3A_688 : vector<1x16xf32> to vector<16xf32>
        %get3A_690 = arith.index_cast %add3A_526 : i32 to index
        %get3A_691 = arith.constant 240 : index
        %get3A_692 = tpu.vector_load %arg14[%get3A_690, %get3A_691] {strides = array<i32>} : memref<80x256xf32, #tpu.memory_space<vmem>>, vector<1x16xf32>,
        %get3A_693 = vector.shape_cast %get3A_692 : vector<1x16xf32> to vector<16xf32>
        %mul3A_694 = arith.mulf %get3A_681, %get3A_689 : vector<16xf32>
        %mul3A_695 = arith.mulf %get3A_685, %get3A_693 : vector<16xf32>
        %sub3A_696 = arith.subf %mul3A_694, %mul3A_695 : vector<16xf32>
        %abs3A_697 = math.absf %sub3A_696 : vector<16xf32>
        %add3A_698 = arith.addf %add3A_656, %abs3A_697 : vector<16xf32>
        %add3A_699 = arith.addf %add3A_677, %add3A_698 : vector<16xf32>
        %mul3A_700 = arith.constant 16 : i32
        %mul3A_701 = arith.muli %add3A_526, %mul3A_700 : i32
        %swap3A_702 = arith.index_cast %mul3A_701 : i32 to index
        %swap3A_703 = tpu.vector_load %arg15[%swap3A_702] {strides = array<i32>} : memref<1280xf32, #tpu.memory_space<vmem>>, vector<16xf32>,
        %swap3A_704 = vector.shape_cast %swap3A_703 : vector<16xf32> to vector<16xf32>
        %swap3A_705 = vector.shape_cast %add3A_699 : vector<16xf32> to vector<16xf32>
        tpu.vector_store %arg15[%swap3A_702], %swap3A_705 {strides = array<i32>} : memref<1280xf32, #tpu.memory_space<vmem>>, vector<16xf32>,
        %mul3A_706 = arith.constant 4 : i32
        %mul3A_707 = arith.muli %scan3A_161, %mul3A_706 : i32
        %add3A_708 = arith.constant 3 : i32
        %add3A_709 = arith.addi %mul3A_707, %add3A_708 : i32
        %broadcast_in_dim3A_710 = arith.constant 0.000000e+00 : f32
        %broadcast_in_dim3A_711 = vector.broadcast %broadcast_in_dim3A_710 : f32 to vector<16xf32>
        %broadcast_in_dim3A_712 = arith.constant 0.000000e+00 : f32
        %broadcast_in_dim3A_713 = vector.broadcast %broadcast_in_dim3A_712 : f32 to vector<16xf32>
        %get3A_714 = arith.index_cast %add3A_709 : i32 to index
        %get3A_715 = arith.constant 0 : index
        %get3A_716 = tpu.vector_load %arg12[%get3A_714, %get3A_715] {strides = array<i32>} : memref<80x128xf32, #tpu.memory_space<vmem>>, vector<1x16xf32>,
        %get3A_717 = vector.shape_cast %get3A_716 : vector<1x16xf32> to vector<16xf32>
        %get3A_718 = arith.index_cast %add3A_709 : i32 to index
        %get3A_719 = arith.constant 0 : index
        %get3A_720 = tpu.vector_load %arg13[%get3A_718, %get3A_719] {strides = array<i32>} : memref<80x128xf32, #tpu.memory_space<vmem>>, vector<1x16xf32>,
        %get3A_721 = vector.shape_cast %get3A_720 : vector<1x16xf32> to vector<16xf32>
        %get3A_722 = arith.index_cast %add3A_709 : i32 to index
        %get3A_723 = arith.constant 0 : index
        %get3A_724 = tpu.vector_load %arg14[%get3A_722, %get3A_723] {strides = array<i32>} : memref<80x256xf32, #tpu.memory_space<vmem>>, vector<1x16xf32>,
        %get3A_725 = vector.shape_cast %get3A_724 : vector<1x16xf32> to vector<16xf32>
        %get3A_726 = arith.index_cast %add3A_709 : i32 to index
        %get3A_727 = arith.constant 128 : index
        %get3A_728 = tpu.vector_load %arg14[%get3A_726, %get3A_727] {strides = array<i32>} : memref<80x256xf32, #tpu.memory_space<vmem>>, vector<1x16xf32>,
        %get3A_729 = vector.shape_cast %get3A_728 : vector<1x16xf32> to vector<16xf32>
        %mul3A_730 = arith.mulf %get3A_717, %get3A_725 : vector<16xf32>
        %mul3A_731 = arith.mulf %get3A_721, %get3A_729 : vector<16xf32>
        %sub3A_732 = arith.subf %mul3A_730, %mul3A_731 : vector<16xf32>
        %abs3A_733 = math.absf %sub3A_732 : vector<16xf32>
        %add3A_734 = arith.addf %broadcast_in_dim3A_711, %abs3A_733 : vector<16xf32>
        %get3A_735 = arith.index_cast %add3A_709 : i32 to index
        %get3A_736 = arith.constant 16 : index
        %get3A_737 = tpu.vector_load %arg12[%get3A_735, %get3A_736] {strides = array<i32>} : memref<80x128xf32, #tpu.memory_space<vmem>>, vector<1x16xf32>,
        %get3A_738 = vector.shape_cast %get3A_737 : vector<1x16xf32> to vector<16xf32>
        %get3A_739 = arith.index_cast %add3A_709 : i32 to index
        %get3A_740 = arith.constant 16 : index
        %get3A_741 = tpu.vector_load %arg13[%get3A_739, %get3A_740] {strides = array<i32>} : memref<80x128xf32, #tpu.memory_space<vmem>>, vector<1x16xf32>,
        %get3A_742 = vector.shape_cast %get3A_741 : vector<1x16xf32> to vector<16xf32>
        %get3A_743 = arith.index_cast %add3A_709 : i32 to index
        %get3A_744 = arith.constant 16 : index
        %get3A_745 = tpu.vector_load %arg14[%get3A_743, %get3A_744] {strides = array<i32>} : memref<80x256xf32, #tpu.memory_space<vmem>>, vector<1x16xf32>,
        %get3A_746 = vector.shape_cast %get3A_745 : vector<1x16xf32> to vector<16xf32>
        %get3A_747 = arith.index_cast %add3A_709 : i32 to index
        %get3A_748 = arith.constant 144 : index
        %get3A_749 = tpu.vector_load %arg14[%get3A_747, %get3A_748] {strides = array<i32>} : memref<80x256xf32, #tpu.memory_space<vmem>>, vector<1x16xf32>,
        %get3A_750 = vector.shape_cast %get3A_749 : vector<1x16xf32> to vector<16xf32>
        %mul3A_751 = arith.mulf %get3A_738, %get3A_746 : vector<16xf32>
        %mul3A_752 = arith.mulf %get3A_742, %get3A_750 : vector<16xf32>
        %sub3A_753 = arith.subf %mul3A_751, %mul3A_752 : vector<16xf32>
        %abs3A_754 = math.absf %sub3A_753 : vector<16xf32>
        %add3A_755 = arith.addf %broadcast_in_dim3A_713, %abs3A_754 : vector<16xf32>
        %get3A_756 = arith.index_cast %add3A_709 : i32 to index
        %get3A_757 = arith.constant 32 : index
        %get3A_758 = tpu.vector_load %arg12[%get3A_756, %get3A_757] {strides = array<i32>} : memref<80x128xf32, #tpu.memory_space<vmem>>, vector<1x16xf32>,
        %get3A_759 = vector.shape_cast %get3A_758 : vector<1x16xf32> to vector<16xf32>
        %get3A_760 = arith.index_cast %add3A_709 : i32 to index
        %get3A_761 = arith.constant 32 : index
        %get3A_762 = tpu.vector_load %arg13[%get3A_760, %get3A_761] {strides = array<i32>} : memref<80x128xf32, #tpu.memory_space<vmem>>, vector<1x16xf32>,
        %get3A_763 = vector.shape_cast %get3A_762 : vector<1x16xf32> to vector<16xf32>
        %get3A_764 = arith.index_cast %add3A_709 : i32 to index
        %get3A_765 = arith.constant 32 : index
        %get3A_766 = tpu.vector_load %arg14[%get3A_764, %get3A_765] {strides = array<i32>} : memref<80x256xf32, #tpu.memory_space<vmem>>, vector<1x16xf32>,
        %get3A_767 = vector.shape_cast %get3A_766 : vector<1x16xf32> to vector<16xf32>
        %get3A_768 = arith.index_cast %add3A_709 : i32 to index
        %get3A_769 = arith.constant 160 : index
        %get3A_770 = tpu.vector_load %arg14[%get3A_768, %get3A_769] {strides = array<i32>} : memref<80x256xf32, #tpu.memory_space<vmem>>, vector<1x16xf32>,
        %get3A_771 = vector.shape_cast %get3A_770 : vector<1x16xf32> to vector<16xf32>
        %mul3A_772 = arith.mulf %get3A_759, %get3A_767 : vector<16xf32>
        %mul3A_773 = arith.mulf %get3A_763, %get3A_771 : vector<16xf32>
        %sub3A_774 = arith.subf %mul3A_772, %mul3A_773 : vector<16xf32>
        %abs3A_775 = math.absf %sub3A_774 : vector<16xf32>
        %add3A_776 = arith.addf %add3A_734, %abs3A_775 : vector<16xf32>
        %get3A_777 = arith.index_cast %add3A_709 : i32 to index
        %get3A_778 = arith.constant 48 : index
        %get3A_779 = tpu.vector_load %arg12[%get3A_777, %get3A_778] {strides = array<i32>} : memref<80x128xf32, #tpu.memory_space<vmem>>, vector<1x16xf32>,
        %get3A_780 = vector.shape_cast %get3A_779 : vector<1x16xf32> to vector<16xf32>
        %get3A_781 = arith.index_cast %add3A_709 : i32 to index
        %get3A_782 = arith.constant 48 : index
        %get3A_783 = tpu.vector_load %arg13[%get3A_781, %get3A_782] {strides = array<i32>} : memref<80x128xf32, #tpu.memory_space<vmem>>, vector<1x16xf32>,
        %get3A_784 = vector.shape_cast %get3A_783 : vector<1x16xf32> to vector<16xf32>
        %get3A_785 = arith.index_cast %add3A_709 : i32 to index
        %get3A_786 = arith.constant 48 : index
        %get3A_787 = tpu.vector_load %arg14[%get3A_785, %get3A_786] {strides = array<i32>} : memref<80x256xf32, #tpu.memory_space<vmem>>, vector<1x16xf32>,
        %get3A_788 = vector.shape_cast %get3A_787 : vector<1x16xf32> to vector<16xf32>
        %get3A_789 = arith.index_cast %add3A_709 : i32 to index
        %get3A_790 = arith.constant 176 : index
        %get3A_791 = tpu.vector_load %arg14[%get3A_789, %get3A_790] {strides = array<i32>} : memref<80x256xf32, #tpu.memory_space<vmem>>, vector<1x16xf32>,
        %get3A_792 = vector.shape_cast %get3A_791 : vector<1x16xf32> to vector<16xf32>
        %mul3A_793 = arith.mulf %get3A_780, %get3A_788 : vector<16xf32>
        %mul3A_794 = arith.mulf %get3A_784, %get3A_792 : vector<16xf32>
        %sub3A_795 = arith.subf %mul3A_793, %mul3A_794 : vector<16xf32>
        %abs3A_796 = math.absf %sub3A_795 : vector<16xf32>
        %add3A_797 = arith.addf %add3A_755, %abs3A_796 : vector<16xf32>
        %get3A_798 = arith.index_cast %add3A_709 : i32 to index
        %get3A_799 = arith.constant 64 : index
        %get3A_800 = tpu.vector_load %arg12[%get3A_798, %get3A_799] {strides = array<i32>} : memref<80x128xf32, #tpu.memory_space<vmem>>, vector<1x16xf32>,
        %get3A_801 = vector.shape_cast %get3A_800 : vector<1x16xf32> to vector<16xf32>
        %get3A_802 = arith.index_cast %add3A_709 : i32 to index
        %get3A_803 = arith.constant 64 : index
        %get3A_804 = tpu.vector_load %arg13[%get3A_802, %get3A_803] {strides = array<i32>} : memref<80x128xf32, #tpu.memory_space<vmem>>, vector<1x16xf32>,
        %get3A_805 = vector.shape_cast %get3A_804 : vector<1x16xf32> to vector<16xf32>
        %get3A_806 = arith.index_cast %add3A_709 : i32 to index
        %get3A_807 = arith.constant 64 : index
        %get3A_808 = tpu.vector_load %arg14[%get3A_806, %get3A_807] {strides = array<i32>} : memref<80x256xf32, #tpu.memory_space<vmem>>, vector<1x16xf32>,
        %get3A_809 = vector.shape_cast %get3A_808 : vector<1x16xf32> to vector<16xf32>
        %get3A_810 = arith.index_cast %add3A_709 : i32 to index
        %get3A_811 = arith.constant 192 : index
        %get3A_812 = tpu.vector_load %arg14[%get3A_810, %get3A_811] {strides = array<i32>} : memref<80x256xf32, #tpu.memory_space<vmem>>, vector<1x16xf32>,
        %get3A_813 = vector.shape_cast %get3A_812 : vector<1x16xf32> to vector<16xf32>
        %mul3A_814 = arith.mulf %get3A_801, %get3A_809 : vector<16xf32>
        %mul3A_815 = arith.mulf %get3A_805, %get3A_813 : vector<16xf32>
        %sub3A_816 = arith.subf %mul3A_814, %mul3A_815 : vector<16xf32>
        %abs3A_817 = math.absf %sub3A_816 : vector<16xf32>
        %add3A_818 = arith.addf %add3A_776, %abs3A_817 : vector<16xf32>
        %get3A_819 = arith.index_cast %add3A_709 : i32 to index
        %get3A_820 = arith.constant 80 : index
        %get3A_821 = tpu.vector_load %arg12[%get3A_819, %get3A_820] {strides = array<i32>} : memref<80x128xf32, #tpu.memory_space<vmem>>, vector<1x16xf32>,
        %get3A_822 = vector.shape_cast %get3A_821 : vector<1x16xf32> to vector<16xf32>
        %get3A_823 = arith.index_cast %add3A_709 : i32 to index
        %get3A_824 = arith.constant 80 : index
        %get3A_825 = tpu.vector_load %arg13[%get3A_823, %get3A_824] {strides = array<i32>} : memref<80x128xf32, #tpu.memory_space<vmem>>, vector<1x16xf32>,
        %get3A_826 = vector.shape_cast %get3A_825 : vector<1x16xf32> to vector<16xf32>
        %get3A_827 = arith.index_cast %add3A_709 : i32 to index
        %get3A_828 = arith.constant 80 : index
        %get3A_829 = tpu.vector_load %arg14[%get3A_827, %get3A_828] {strides = array<i32>} : memref<80x256xf32, #tpu.memory_space<vmem>>, vector<1x16xf32>,
        %get3A_830 = vector.shape_cast %get3A_829 : vector<1x16xf32> to vector<16xf32>
        %get3A_831 = arith.index_cast %add3A_709 : i32 to index
        %get3A_832 = arith.constant 208 : index
        %get3A_833 = tpu.vector_load %arg14[%get3A_831, %get3A_832] {strides = array<i32>} : memref<80x256xf32, #tpu.memory_space<vmem>>, vector<1x16xf32>,
        %get3A_834 = vector.shape_cast %get3A_833 : vector<1x16xf32> to vector<16xf32>
        %mul3A_835 = arith.mulf %get3A_822, %get3A_830 : vector<16xf32>
        %mul3A_836 = arith.mulf %get3A_826, %get3A_834 : vector<16xf32>
        %sub3A_837 = arith.subf %mul3A_835, %mul3A_836 : vector<16xf32>
        %abs3A_838 = math.absf %sub3A_837 : vector<16xf32>
        %add3A_839 = arith.addf %add3A_797, %abs3A_838 : vector<16xf32>
        %get3A_840 = arith.index_cast %add3A_709 : i32 to index
        %get3A_841 = arith.constant 96 : index
        %get3A_842 = tpu.vector_load %arg12[%get3A_840, %get3A_841] {strides = array<i32>} : memref<80x128xf32, #tpu.memory_space<vmem>>, vector<1x16xf32>,
        %get3A_843 = vector.shape_cast %get3A_842 : vector<1x16xf32> to vector<16xf32>
        %get3A_844 = arith.index_cast %add3A_709 : i32 to index
        %get3A_845 = arith.constant 96 : index
        %get3A_846 = tpu.vector_load %arg13[%get3A_844, %get3A_845] {strides = array<i32>} : memref<80x128xf32, #tpu.memory_space<vmem>>, vector<1x16xf32>,
        %get3A_847 = vector.shape_cast %get3A_846 : vector<1x16xf32> to vector<16xf32>
        %get3A_848 = arith.index_cast %add3A_709 : i32 to index
        %get3A_849 = arith.constant 96 : index
        %get3A_850 = tpu.vector_load %arg14[%get3A_848, %get3A_849] {strides = array<i32>} : memref<80x256xf32, #tpu.memory_space<vmem>>, vector<1x16xf32>,
        %get3A_851 = vector.shape_cast %get3A_850 : vector<1x16xf32> to vector<16xf32>
        %get3A_852 = arith.index_cast %add3A_709 : i32 to index
        %get3A_853 = arith.constant 224 : index
        %get3A_854 = tpu.vector_load %arg14[%get3A_852, %get3A_853] {strides = array<i32>} : memref<80x256xf32, #tpu.memory_space<vmem>>, vector<1x16xf32>,
        %get3A_855 = vector.shape_cast %get3A_854 : vector<1x16xf32> to vector<16xf32>
        %mul3A_856 = arith.mulf %get3A_843, %get3A_851 : vector<16xf32>
        %mul3A_857 = arith.mulf %get3A_847, %get3A_855 : vector<16xf32>
        %sub3A_858 = arith.subf %mul3A_856, %mul3A_857 : vector<16xf32>
        %abs3A_859 = math.absf %sub3A_858 : vector<16xf32>
        %add3A_860 = arith.addf %add3A_818, %abs3A_859 : vector<16xf32>
        %get3A_861 = arith.index_cast %add3A_709 : i32 to index
        %get3A_862 = arith.constant 112 : index
        %get3A_863 = tpu.vector_load %arg12[%get3A_861, %get3A_862] {strides = array<i32>} : memref<80x128xf32, #tpu.memory_space<vmem>>, vector<1x16xf32>,
        %get3A_864 = vector.shape_cast %get3A_863 : vector<1x16xf32> to vector<16xf32>
        %get3A_865 = arith.index_cast %add3A_709 : i32 to index
        %get3A_866 = arith.constant 112 : index
        %get3A_867 = tpu.vector_load %arg13[%get3A_865, %get3A_866] {strides = array<i32>} : memref<80x128xf32, #tpu.memory_space<vmem>>, vector<1x16xf32>,
        %get3A_868 = vector.shape_cast %get3A_867 : vector<1x16xf32> to vector<16xf32>
        %get3A_869 = arith.index_cast %add3A_709 : i32 to index
        %get3A_870 = arith.constant 112 : index
        %get3A_871 = tpu.vector_load %arg14[%get3A_869, %get3A_870] {strides = array<i32>} : memref<80x256xf32, #tpu.memory_space<vmem>>, vector<1x16xf32>,
        %get3A_872 = vector.shape_cast %get3A_871 : vector<1x16xf32> to vector<16xf32>
        %get3A_873 = arith.index_cast %add3A_709 : i32 to index
        %get3A_874 = arith.constant 240 : index
        %get3A_875 = tpu.vector_load %arg14[%get3A_873, %get3A_874] {strides = array<i32>} : memref<80x256xf32, #tpu.memory_space<vmem>>, vector<1x16xf32>,
        %get3A_876 = vector.shape_cast %get3A_875 : vector<1x16xf32> to vector<16xf32>
        %mul3A_877 = arith.mulf %get3A_864, %get3A_872 : vector<16xf32>
        %mul3A_878 = arith.mulf %get3A_868, %get3A_876 : vector<16xf32>
        %sub3A_879 = arith.subf %mul3A_877, %mul3A_878 : vector<16xf32>
        %abs3A_880 = math.absf %sub3A_879 : vector<16xf32>
        %add3A_881 = arith.addf %add3A_839, %abs3A_880 : vector<16xf32>
        %add3A_882 = arith.addf %add3A_860, %add3A_881 : vector<16xf32>
        %mul3A_883 = arith.constant 16 : i32
        %mul3A_884 = arith.muli %add3A_709, %mul3A_883 : i32
        %swap3A_885 = arith.index_cast %mul3A_884 : i32 to index
        %swap3A_886 = tpu.vector_load %arg15[%swap3A_885] {strides = array<i32>} : memref<1280xf32, #tpu.memory_space<vmem>>, vector<16xf32>,
        %swap3A_887 = vector.shape_cast %swap3A_886 : vector<16xf32> to vector<16xf32>
        %swap3A_888 = vector.shape_cast %add3A_882 : vector<16xf32> to vector<16xf32>
        tpu.vector_store %arg15[%swap3A_885], %swap3A_888 {strides = array<i32>} : memref<1280xf32, #tpu.memory_space<vmem>>, vector<16xf32>,
      }
      %scan3A_153 = arith.constant 20 : i32
      %mul3A_154 = arith.constant 10000 : i32
      %mul3A_155 = arith.muli %add3A, %mul3A_154 : i32
      %mul3A_156 = arith.constant 80 : i32
      %mul3A_157 = arith.muli %add3A_147, %mul3A_156 : i32
      %add3A_158 = arith.addi %mul3A_155, %mul3A_157 : i32
      %mul3A_159 = arith.constant 16 : i32
      %mul3A_160 = arith.muli %add3A_158, %mul3A_159 : i32
      "tpu.region"() ({
        %run_scoped3A = tpu.sem_alloc : memref<!tpu.dma_semaphore, #tpu.memory_space<semaphore_mem>>
        %dma_start3A_161 = tpu.memref_slice %arg5[%mul3A_160] : memref<5120000xf32, #tpu.memory_space<hbm>> -> memref<1280xf32, #tpu.memory_space<hbm>>
        %dma_start3A_162 = tpu.memref_slice %arg5[%mul3A_160] : memref<5120000xf32, #tpu.memory_space<hbm>> -> memref<1280xf32, #tpu.memory_space<hbm>>
        tpu.enqueue_dma source(%arg15 : memref<1280xf32, #tpu.memory_space<vmem>>) target(%dma_start3A_162 : memref<1280xf32, #tpu.memory_space<hbm>>) target_semaphore(%run_scoped3A : memref<!tpu.dma_semaphore, #tpu.memory_space<semaphore_mem>>)
        %dma_wait3A_163 = tpu.memref_slice %arg5[%mul3A_160] : memref<5120000xf32, #tpu.memory_space<hbm>> -> memref<1280xf32, #tpu.memory_space<hbm>>
        %dma_wait3A_164 = tpu.memref_slice %arg5[%mul3A_160] : memref<5120000xf32, #tpu.memory_space<hbm>> -> memref<1280xf32, #tpu.memory_space<hbm>>
        tpu.wait_dma2 semaphore(%run_scoped3A : memref<!tpu.dma_semaphore, #tpu.memory_space<semaphore_mem>>) src(%arg15 : memref<1280xf32, #tpu.memory_space<vmem>>) dst(%dma_wait3A_164 : memref<1280xf32, #tpu.memory_space<hbm>>)
        tpu.yield
      }) : () -> ()
    }
    %scan3A_28 = arith.constant 62 : i32
    %dma_wait3A = arith.constant 0 : i32
    %dma_wait3A_29 = tpu.memref_slice %arg6[%dma_wait3A] : memref<10000xi32, #tpu.memory_space<vmem>> -> memref<80xi32, #tpu.memory_space<vmem>>
    %dma_wait3A_30 = arith.constant 0 : i32
    %dma_wait3A_31 = arith.constant 0 : i32
    %dma_wait3A_32 = tpu.memref_slice %arg2[%dma_wait3A_30, %dma_wait3A_31] : memref<10000x128xf32, #tpu.memory_space<hbm>> -> memref<10000x128xf32, #tpu.memory_space<hbm>>
    tpu.wait_indirect_dma semaphore(%arg16 : memref<!tpu.dma_semaphore, #tpu.memory_space<semaphore_mem>>) src(%dma_wait3A_32 : memref<10000x128xf32, #tpu.memory_space<hbm>>) dst(%arg8 : memref<80x128xf32, #tpu.memory_space<vmem>>)
    %dma_wait3A_33 = arith.constant 0 : i32
    %dma_wait3A_34 = tpu.memref_slice %arg7[%dma_wait3A_33] : memref<10000xi32, #tpu.memory_space<vmem>> -> memref<80xi32, #tpu.memory_space<vmem>>
    %dma_wait3A_35 = arith.constant 0 : i32
    %dma_wait3A_36 = arith.constant 0 : i32
    %dma_wait3A_37 = tpu.memref_slice %arg2[%dma_wait3A_35, %dma_wait3A_36] : memref<10000x128xf32, #tpu.memory_space<hbm>> -> memref<10000x128xf32, #tpu.memory_space<hbm>>
    tpu.wait_indirect_dma semaphore(%arg17 : memref<!tpu.dma_semaphore, #tpu.memory_space<semaphore_mem>>) src(%dma_wait3A_37 : memref<10000x128xf32, #tpu.memory_space<hbm>>) dst(%arg9 : memref<80x128xf32, #tpu.memory_space<vmem>>)
    %dma_wait3A_38 = arith.constant 0 : i32
    %dma_wait3A_39 = arith.constant 0 : i32
    %dma_wait3A_40 = tpu.memref_slice %arg4[%dma_wait3A_38, %dma_wait3A_39] : memref<320000x256xf32, #tpu.memory_space<hbm>> -> memref<80x256xf32, #tpu.memory_space<hbm>>
    %dma_wait3A_41 = arith.constant 0 : i32
    %dma_wait3A_42 = arith.constant 0 : i32
    %dma_wait3A_43 = tpu.memref_slice %arg4[%dma_wait3A_41, %dma_wait3A_42] : memref<320000x256xf32, #tpu.memory_space<hbm>> -> memref<80x256xf32, #tpu.memory_space<hbm>>
    tpu.wait_dma2 semaphore(%arg18 : memref<!tpu.dma_semaphore, #tpu.memory_space<semaphore_mem>>) src(%dma_wait3A_43 : memref<80x256xf32, #tpu.memory_space<hbm>>) dst(%arg10 : memref<80x256xf32, #tpu.memory_space<vmem>>)
    %scan3A_44 = arith.constant 0 : i32
    %scan3A_45 = arith.constant 0 : i32
    %scan3A_46 = arith.constant 20 : i32
    %scan3A_47 = arith.addi %scan3A_45, %scan3A_46 : i32
    %scan3A_48 = arith.constant 1 : i32
    scf.for %scan3A_56 = %scan3A_45 to %scan3A_47 step %scan3A_48  : i32 {
      %mul3A_57 = arith.constant 4 : i32
      %mul3A_58 = arith.muli %scan3A_56, %mul3A_57 : i32
      %add3A_59 = arith.constant 0 : i32
      %add3A_60 = arith.addi %mul3A_58, %add3A_59 : i32
      %broadcast_in_dim3A = arith.constant 0.000000e+00 : f32
      %broadcast_in_dim3A_61 = vector.broadcast %broadcast_in_dim3A : f32 to vector<16xf32>
      %broadcast_in_dim3A_62 = arith.constant 0.000000e+00 : f32
      %broadcast_in_dim3A_63 = vector.broadcast %broadcast_in_dim3A_62 : f32 to vector<16xf32>
      %get3A = arith.index_cast %add3A_60 : i32 to index
      %get3A_64 = arith.constant 0 : index
      %get3A_65 = tpu.vector_load %arg8[%get3A, %get3A_64] {strides = array<i32>} : memref<80x128xf32, #tpu.memory_space<vmem>>, vector<1x16xf32>,
      %get3A_66 = vector.shape_cast %get3A_65 : vector<1x16xf32> to vector<16xf32>
      %get3A_67 = arith.index_cast %add3A_60 : i32 to index
      %get3A_68 = arith.constant 0 : index
      %get3A_69 = tpu.vector_load %arg9[%get3A_67, %get3A_68] {strides = array<i32>} : memref<80x128xf32, #tpu.memory_space<vmem>>, vector<1x16xf32>,
      %get3A_70 = vector.shape_cast %get3A_69 : vector<1x16xf32> to vector<16xf32>
      %get3A_71 = arith.index_cast %add3A_60 : i32 to index
      %get3A_72 = arith.constant 0 : index
      %get3A_73 = tpu.vector_load %arg10[%get3A_71, %get3A_72] {strides = array<i32>} : memref<80x256xf32, #tpu.memory_space<vmem>>, vector<1x16xf32>,
      %get3A_74 = vector.shape_cast %get3A_73 : vector<1x16xf32> to vector<16xf32>
      %get3A_75 = arith.index_cast %add3A_60 : i32 to index
      %get3A_76 = arith.constant 128 : index
      %get3A_77 = tpu.vector_load %arg10[%get3A_75, %get3A_76] {strides = array<i32>} : memref<80x256xf32, #tpu.memory_space<vmem>>, vector<1x16xf32>,
      %get3A_78 = vector.shape_cast %get3A_77 : vector<1x16xf32> to vector<16xf32>
      %mul3A_79 = arith.mulf %get3A_66, %get3A_74 : vector<16xf32>
      %mul3A_80 = arith.mulf %get3A_70, %get3A_78 : vector<16xf32>
      %sub3A = arith.subf %mul3A_79, %mul3A_80 : vector<16xf32>
      %abs3A = math.absf %sub3A : vector<16xf32>
      %add3A_81 = arith.addf %broadcast_in_dim3A_61, %abs3A : vector<16xf32>
      %get3A_82 = arith.index_cast %add3A_60 : i32 to index
      %get3A_83 = arith.constant 16 : index
      %get3A_84 = tpu.vector_load %arg8[%get3A_82, %get3A_83] {strides = array<i32>} : memref<80x128xf32, #tpu.memory_space<vmem>>, vector<1x16xf32>,
      %get3A_85 = vector.shape_cast %get3A_84 : vector<1x16xf32> to vector<16xf32>
      %get3A_86 = arith.index_cast %add3A_60 : i32 to index
      %get3A_87 = arith.constant 16 : index
      %get3A_88 = tpu.vector_load %arg9[%get3A_86, %get3A_87] {strides = array<i32>} : memref<80x128xf32, #tpu.memory_space<vmem>>, vector<1x16xf32>,
      %get3A_89 = vector.shape_cast %get3A_88 : vector<1x16xf32> to vector<16xf32>
      %get3A_90 = arith.index_cast %add3A_60 : i32 to index
      %get3A_91 = arith.constant 16 : index
      %get3A_92 = tpu.vector_load %arg10[%get3A_90, %get3A_91] {strides = array<i32>} : memref<80x256xf32, #tpu.memory_space<vmem>>, vector<1x16xf32>,
      %get3A_93 = vector.shape_cast %get3A_92 : vector<1x16xf32> to vector<16xf32>
      %get3A_94 = arith.index_cast %add3A_60 : i32 to index
      %get3A_95 = arith.constant 144 : index
      %get3A_96 = tpu.vector_load %arg10[%get3A_94, %get3A_95] {strides = array<i32>} : memref<80x256xf32, #tpu.memory_space<vmem>>, vector<1x16xf32>,
      %get3A_97 = vector.shape_cast %get3A_96 : vector<1x16xf32> to vector<16xf32>
      %mul3A_98 = arith.mulf %get3A_85, %get3A_93 : vector<16xf32>
      %mul3A_99 = arith.mulf %get3A_89, %get3A_97 : vector<16xf32>
      %sub3A_100 = arith.subf %mul3A_98, %mul3A_99 : vector<16xf32>
      %abs3A_101 = math.absf %sub3A_100 : vector<16xf32>
      %add3A_102 = arith.addf %broadcast_in_dim3A_63, %abs3A_101 : vector<16xf32>
      %get3A_103 = arith.index_cast %add3A_60 : i32 to index
      %get3A_104 = arith.constant 32 : index
      %get3A_105 = tpu.vector_load %arg8[%get3A_103, %get3A_104] {strides = array<i32>} : memref<80x128xf32, #tpu.memory_space<vmem>>, vector<1x16xf32>,
      %get3A_106 = vector.shape_cast %get3A_105 : vector<1x16xf32> to vector<16xf32>
      %get3A_107 = arith.index_cast %add3A_60 : i32 to index
      %get3A_108 = arith.constant 32 : index
      %get3A_109 = tpu.vector_load %arg9[%get3A_107, %get3A_108] {strides = array<i32>} : memref<80x128xf32, #tpu.memory_space<vmem>>, vector<1x16xf32>,
      %get3A_110 = vector.shape_cast %get3A_109 : vector<1x16xf32> to vector<16xf32>
      %get3A_111 = arith.index_cast %add3A_60 : i32 to index
      %get3A_112 = arith.constant 32 : index
      %get3A_113 = tpu.vector_load %arg10[%get3A_111, %get3A_112] {strides = array<i32>} : memref<80x256xf32, #tpu.memory_space<vmem>>, vector<1x16xf32>,
      %get3A_114 = vector.shape_cast %get3A_113 : vector<1x16xf32> to vector<16xf32>
      %get3A_115 = arith.index_cast %add3A_60 : i32 to index
      %get3A_116 = arith.constant 160 : index
      %get3A_117 = tpu.vector_load %arg10[%get3A_115, %get3A_116] {strides = array<i32>} : memref<80x256xf32, #tpu.memory_space<vmem>>, vector<1x16xf32>,
      %get3A_118 = vector.shape_cast %get3A_117 : vector<1x16xf32> to vector<16xf32>
      %mul3A_119 = arith.mulf %get3A_106, %get3A_114 : vector<16xf32>
      %mul3A_120 = arith.mulf %get3A_110, %get3A_118 : vector<16xf32>
      %sub3A_121 = arith.subf %mul3A_119, %mul3A_120 : vector<16xf32>
      %abs3A_122 = math.absf %sub3A_121 : vector<16xf32>
      %add3A_123 = arith.addf %add3A_81, %abs3A_122 : vector<16xf32>
      %get3A_124 = arith.index_cast %add3A_60 : i32 to index
      %get3A_125 = arith.constant 48 : index
      %get3A_126 = tpu.vector_load %arg8[%get3A_124, %get3A_125] {strides = array<i32>} : memref<80x128xf32, #tpu.memory_space<vmem>>, vector<1x16xf32>,
      %get3A_127 = vector.shape_cast %get3A_126 : vector<1x16xf32> to vector<16xf32>
      %get3A_128 = arith.index_cast %add3A_60 : i32 to index
      %get3A_129 = arith.constant 48 : index
      %get3A_130 = tpu.vector_load %arg9[%get3A_128, %get3A_129] {strides = array<i32>} : memref<80x128xf32, #tpu.memory_space<vmem>>, vector<1x16xf32>,
      %get3A_131 = vector.shape_cast %get3A_130 : vector<1x16xf32> to vector<16xf32>
      %get3A_132 = arith.index_cast %add3A_60 : i32 to index
      %get3A_133 = arith.constant 48 : index
      %get3A_134 = tpu.vector_load %arg10[%get3A_132, %get3A_133] {strides = array<i32>} : memref<80x256xf32, #tpu.memory_space<vmem>>, vector<1x16xf32>,
      %get3A_135 = vector.shape_cast %get3A_134 : vector<1x16xf32> to vector<16xf32>
      %get3A_136 = arith.index_cast %add3A_60 : i32 to index
      %get3A_137 = arith.constant 176 : index
      %get3A_138 = tpu.vector_load %arg10[%get3A_136, %get3A_137] {strides = array<i32>} : memref<80x256xf32, #tpu.memory_space<vmem>>, vector<1x16xf32>,
      %get3A_139 = vector.shape_cast %get3A_138 : vector<1x16xf32> to vector<16xf32>
      %mul3A_140 = arith.mulf %get3A_127, %get3A_135 : vector<16xf32>
      %mul3A_141 = arith.mulf %get3A_131, %get3A_139 : vector<16xf32>
      %sub3A_142 = arith.subf %mul3A_140, %mul3A_141 : vector<16xf32>
      %abs3A_143 = math.absf %sub3A_142 : vector<16xf32>
      %add3A_144 = arith.addf %add3A_102, %abs3A_143 : vector<16xf32>
      %get3A_145 = arith.index_cast %add3A_60 : i32 to index
      %get3A_146 = arith.constant 64 : index
      %get3A_147 = tpu.vector_load %arg8[%get3A_145, %get3A_146] {strides = array<i32>} : memref<80x128xf32, #tpu.memory_space<vmem>>, vector<1x16xf32>,
      %get3A_148 = vector.shape_cast %get3A_147 : vector<1x16xf32> to vector<16xf32>
      %get3A_149 = arith.index_cast %add3A_60 : i32 to index
      %get3A_150 = arith.constant 64 : index
      %get3A_151 = tpu.vector_load %arg9[%get3A_149, %get3A_150] {strides = array<i32>} : memref<80x128xf32, #tpu.memory_space<vmem>>, vector<1x16xf32>,
      %get3A_152 = vector.shape_cast %get3A_151 : vector<1x16xf32> to vector<16xf32>
      %get3A_153 = arith.index_cast %add3A_60 : i32 to index
      %get3A_154 = arith.constant 64 : index
      %get3A_155 = tpu.vector_load %arg10[%get3A_153, %get3A_154] {strides = array<i32>} : memref<80x256xf32, #tpu.memory_space<vmem>>, vector<1x16xf32>,
      %get3A_156 = vector.shape_cast %get3A_155 : vector<1x16xf32> to vector<16xf32>
      %get3A_157 = arith.index_cast %add3A_60 : i32 to index
      %get3A_158 = arith.constant 192 : index
      %get3A_159 = tpu.vector_load %arg10[%get3A_157, %get3A_158] {strides = array<i32>} : memref<80x256xf32, #tpu.memory_space<vmem>>, vector<1x16xf32>,
      %get3A_160 = vector.shape_cast %get3A_159 : vector<1x16xf32> to vector<16xf32>
      %mul3A_161 = arith.mulf %get3A_148, %get3A_156 : vector<16xf32>
      %mul3A_162 = arith.mulf %get3A_152, %get3A_160 : vector<16xf32>
      %sub3A_163 = arith.subf %mul3A_161, %mul3A_162 : vector<16xf32>
      %abs3A_164 = math.absf %sub3A_163 : vector<16xf32>
      %add3A_165 = arith.addf %add3A_123, %abs3A_164 : vector<16xf32>
      %get3A_166 = arith.index_cast %add3A_60 : i32 to index
      %get3A_167 = arith.constant 80 : index
      %get3A_168 = tpu.vector_load %arg8[%get3A_166, %get3A_167] {strides = array<i32>} : memref<80x128xf32, #tpu.memory_space<vmem>>, vector<1x16xf32>,
      %get3A_169 = vector.shape_cast %get3A_168 : vector<1x16xf32> to vector<16xf32>
      %get3A_170 = arith.index_cast %add3A_60 : i32 to index
      %get3A_171 = arith.constant 80 : index
      %get3A_172 = tpu.vector_load %arg9[%get3A_170, %get3A_171] {strides = array<i32>} : memref<80x128xf32, #tpu.memory_space<vmem>>, vector<1x16xf32>,
      %get3A_173 = vector.shape_cast %get3A_172 : vector<1x16xf32> to vector<16xf32>
      %get3A_174 = arith.index_cast %add3A_60 : i32 to index
      %get3A_175 = arith.constant 80 : index
      %get3A_176 = tpu.vector_load %arg10[%get3A_174, %get3A_175] {strides = array<i32>} : memref<80x256xf32, #tpu.memory_space<vmem>>, vector<1x16xf32>,
      %get3A_177 = vector.shape_cast %get3A_176 : vector<1x16xf32> to vector<16xf32>
      %get3A_178 = arith.index_cast %add3A_60 : i32 to index
      %get3A_179 = arith.constant 208 : index
      %get3A_180 = tpu.vector_load %arg10[%get3A_178, %get3A_179] {strides = array<i32>} : memref<80x256xf32, #tpu.memory_space<vmem>>, vector<1x16xf32>,
      %get3A_181 = vector.shape_cast %get3A_180 : vector<1x16xf32> to vector<16xf32>
      %mul3A_182 = arith.mulf %get3A_169, %get3A_177 : vector<16xf32>
      %mul3A_183 = arith.mulf %get3A_173, %get3A_181 : vector<16xf32>
      %sub3A_184 = arith.subf %mul3A_182, %mul3A_183 : vector<16xf32>
      %abs3A_185 = math.absf %sub3A_184 : vector<16xf32>
      %add3A_186 = arith.addf %add3A_144, %abs3A_185 : vector<16xf32>
      %get3A_187 = arith.index_cast %add3A_60 : i32 to index
      %get3A_188 = arith.constant 96 : index
      %get3A_189 = tpu.vector_load %arg8[%get3A_187, %get3A_188] {strides = array<i32>} : memref<80x128xf32, #tpu.memory_space<vmem>>, vector<1x16xf32>,
      %get3A_190 = vector.shape_cast %get3A_189 : vector<1x16xf32> to vector<16xf32>
      %get3A_191 = arith.index_cast %add3A_60 : i32 to index
      %get3A_192 = arith.constant 96 : index
      %get3A_193 = tpu.vector_load %arg9[%get3A_191, %get3A_192] {strides = array<i32>} : memref<80x128xf32, #tpu.memory_space<vmem>>, vector<1x16xf32>,
      %get3A_194 = vector.shape_cast %get3A_193 : vector<1x16xf32> to vector<16xf32>
      %get3A_195 = arith.index_cast %add3A_60 : i32 to index
      %get3A_196 = arith.constant 96 : index
      %get3A_197 = tpu.vector_load %arg10[%get3A_195, %get3A_196] {strides = array<i32>} : memref<80x256xf32, #tpu.memory_space<vmem>>, vector<1x16xf32>,
      %get3A_198 = vector.shape_cast %get3A_197 : vector<1x16xf32> to vector<16xf32>
      %get3A_199 = arith.index_cast %add3A_60 : i32 to index
      %get3A_200 = arith.constant 224 : index
      %get3A_201 = tpu.vector_load %arg10[%get3A_199, %get3A_200] {strides = array<i32>} : memref<80x256xf32, #tpu.memory_space<vmem>>, vector<1x16xf32>,
      %get3A_202 = vector.shape_cast %get3A_201 : vector<1x16xf32> to vector<16xf32>
      %mul3A_203 = arith.mulf %get3A_190, %get3A_198 : vector<16xf32>
      %mul3A_204 = arith.mulf %get3A_194, %get3A_202 : vector<16xf32>
      %sub3A_205 = arith.subf %mul3A_203, %mul3A_204 : vector<16xf32>
      %abs3A_206 = math.absf %sub3A_205 : vector<16xf32>
      %add3A_207 = arith.addf %add3A_165, %abs3A_206 : vector<16xf32>
      %get3A_208 = arith.index_cast %add3A_60 : i32 to index
      %get3A_209 = arith.constant 112 : index
      %get3A_210 = tpu.vector_load %arg8[%get3A_208, %get3A_209] {strides = array<i32>} : memref<80x128xf32, #tpu.memory_space<vmem>>, vector<1x16xf32>,
      %get3A_211 = vector.shape_cast %get3A_210 : vector<1x16xf32> to vector<16xf32>
      %get3A_212 = arith.index_cast %add3A_60 : i32 to index
      %get3A_213 = arith.constant 112 : index
      %get3A_214 = tpu.vector_load %arg9[%get3A_212, %get3A_213] {strides = array<i32>} : memref<80x128xf32, #tpu.memory_space<vmem>>, vector<1x16xf32>,
      %get3A_215 = vector.shape_cast %get3A_214 : vector<1x16xf32> to vector<16xf32>
      %get3A_216 = arith.index_cast %add3A_60 : i32 to index
      %get3A_217 = arith.constant 112 : index
      %get3A_218 = tpu.vector_load %arg10[%get3A_216, %get3A_217] {strides = array<i32>} : memref<80x256xf32, #tpu.memory_space<vmem>>, vector<1x16xf32>,
      %get3A_219 = vector.shape_cast %get3A_218 : vector<1x16xf32> to vector<16xf32>
      %get3A_220 = arith.index_cast %add3A_60 : i32 to index
      %get3A_221 = arith.constant 240 : index
      %get3A_222 = tpu.vector_load %arg10[%get3A_220, %get3A_221] {strides = array<i32>} : memref<80x256xf32, #tpu.memory_space<vmem>>, vector<1x16xf32>,
      %get3A_223 = vector.shape_cast %get3A_222 : vector<1x16xf32> to vector<16xf32>
      %mul3A_224 = arith.mulf %get3A_211, %get3A_219 : vector<16xf32>
      %mul3A_225 = arith.mulf %get3A_215, %get3A_223 : vector<16xf32>
      %sub3A_226 = arith.subf %mul3A_224, %mul3A_225 : vector<16xf32>
      %abs3A_227 = math.absf %sub3A_226 : vector<16xf32>
      %add3A_228 = arith.addf %add3A_186, %abs3A_227 : vector<16xf32>
      %add3A_229 = arith.addf %add3A_207, %add3A_228 : vector<16xf32>
      %mul3A_230 = arith.constant 16 : i32
      %mul3A_231 = arith.muli %add3A_60, %mul3A_230 : i32
      %swap3A = arith.index_cast %mul3A_231 : i32 to index
      %swap3A_232 = tpu.vector_load %arg11[%swap3A] {strides = array<i32>} : memref<1280xf32, #tpu.memory_space<vmem>>, vector<16xf32>,
      %swap3A_233 = vector.shape_cast %swap3A_232 : vector<16xf32> to vector<16xf32>
      %swap3A_234 = vector.shape_cast %add3A_229 : vector<16xf32> to vector<16xf32>
      tpu.vector_store %arg11[%swap3A], %swap3A_234 {strides = array<i32>} : memref<1280xf32, #tpu.memory_space<vmem>>, vector<16xf32>,
      %mul3A_235 = arith.constant 4 : i32
      %mul3A_236 = arith.muli %scan3A_56, %mul3A_235 : i32
      %add3A_237 = arith.constant 1 : i32
      %add3A_238 = arith.addi %mul3A_236, %add3A_237 : i32
      %broadcast_in_dim3A_239 = arith.constant 0.000000e+00 : f32
      %broadcast_in_dim3A_240 = vector.broadcast %broadcast_in_dim3A_239 : f32 to vector<16xf32>
      %broadcast_in_dim3A_241 = arith.constant 0.000000e+00 : f32
      %broadcast_in_dim3A_242 = vector.broadcast %broadcast_in_dim3A_241 : f32 to vector<16xf32>
      %get3A_243 = arith.index_cast %add3A_238 : i32 to index
      %get3A_244 = arith.constant 0 : index
      %get3A_245 = tpu.vector_load %arg8[%get3A_243, %get3A_244] {strides = array<i32>} : memref<80x128xf32, #tpu.memory_space<vmem>>, vector<1x16xf32>,
      %get3A_246 = vector.shape_cast %get3A_245 : vector<1x16xf32> to vector<16xf32>
      %get3A_247 = arith.index_cast %add3A_238 : i32 to index
      %get3A_248 = arith.constant 0 : index
      %get3A_249 = tpu.vector_load %arg9[%get3A_247, %get3A_248] {strides = array<i32>} : memref<80x128xf32, #tpu.memory_space<vmem>>, vector<1x16xf32>,
      %get3A_250 = vector.shape_cast %get3A_249 : vector<1x16xf32> to vector<16xf32>
      %get3A_251 = arith.index_cast %add3A_238 : i32 to index
      %get3A_252 = arith.constant 0 : index
      %get3A_253 = tpu.vector_load %arg10[%get3A_251, %get3A_252] {strides = array<i32>} : memref<80x256xf32, #tpu.memory_space<vmem>>, vector<1x16xf32>,
      %get3A_254 = vector.shape_cast %get3A_253 : vector<1x16xf32> to vector<16xf32>
      %get3A_255 = arith.index_cast %add3A_238 : i32 to index
      %get3A_256 = arith.constant 128 : index
      %get3A_257 = tpu.vector_load %arg10[%get3A_255, %get3A_256] {strides = array<i32>} : memref<80x256xf32, #tpu.memory_space<vmem>>, vector<1x16xf32>,
      %get3A_258 = vector.shape_cast %get3A_257 : vector<1x16xf32> to vector<16xf32>
      %mul3A_259 = arith.mulf %get3A_246, %get3A_254 : vector<16xf32>
      %mul3A_260 = arith.mulf %get3A_250, %get3A_258 : vector<16xf32>
      %sub3A_261 = arith.subf %mul3A_259, %mul3A_260 : vector<16xf32>
      %abs3A_262 = math.absf %sub3A_261 : vector<16xf32>
      %add3A_263 = arith.addf %broadcast_in_dim3A_240, %abs3A_262 : vector<16xf32>
      %get3A_264 = arith.index_cast %add3A_238 : i32 to index
      %get3A_265 = arith.constant 16 : index
      %get3A_266 = tpu.vector_load %arg8[%get3A_264, %get3A_265] {strides = array<i32>} : memref<80x128xf32, #tpu.memory_space<vmem>>, vector<1x16xf32>,
      %get3A_267 = vector.shape_cast %get3A_266 : vector<1x16xf32> to vector<16xf32>
      %get3A_268 = arith.index_cast %add3A_238 : i32 to index
      %get3A_269 = arith.constant 16 : index
      %get3A_270 = tpu.vector_load %arg9[%get3A_268, %get3A_269] {strides = array<i32>} : memref<80x128xf32, #tpu.memory_space<vmem>>, vector<1x16xf32>,
      %get3A_271 = vector.shape_cast %get3A_270 : vector<1x16xf32> to vector<16xf32>
      %get3A_272 = arith.index_cast %add3A_238 : i32 to index
      %get3A_273 = arith.constant 16 : index
      %get3A_274 = tpu.vector_load %arg10[%get3A_272, %get3A_273] {strides = array<i32>} : memref<80x256xf32, #tpu.memory_space<vmem>>, vector<1x16xf32>,
      %get3A_275 = vector.shape_cast %get3A_274 : vector<1x16xf32> to vector<16xf32>
      %get3A_276 = arith.index_cast %add3A_238 : i32 to index
      %get3A_277 = arith.constant 144 : index
      %get3A_278 = tpu.vector_load %arg10[%get3A_276, %get3A_277] {strides = array<i32>} : memref<80x256xf32, #tpu.memory_space<vmem>>, vector<1x16xf32>,
      %get3A_279 = vector.shape_cast %get3A_278 : vector<1x16xf32> to vector<16xf32>
      %mul3A_280 = arith.mulf %get3A_267, %get3A_275 : vector<16xf32>
      %mul3A_281 = arith.mulf %get3A_271, %get3A_279 : vector<16xf32>
      %sub3A_282 = arith.subf %mul3A_280, %mul3A_281 : vector<16xf32>
      %abs3A_283 = math.absf %sub3A_282 : vector<16xf32>
      %add3A_284 = arith.addf %broadcast_in_dim3A_242, %abs3A_283 : vector<16xf32>
      %get3A_285 = arith.index_cast %add3A_238 : i32 to index
      %get3A_286 = arith.constant 32 : index
      %get3A_287 = tpu.vector_load %arg8[%get3A_285, %get3A_286] {strides = array<i32>} : memref<80x128xf32, #tpu.memory_space<vmem>>, vector<1x16xf32>,
      %get3A_288 = vector.shape_cast %get3A_287 : vector<1x16xf32> to vector<16xf32>
      %get3A_289 = arith.index_cast %add3A_238 : i32 to index
      %get3A_290 = arith.constant 32 : index
      %get3A_291 = tpu.vector_load %arg9[%get3A_289, %get3A_290] {strides = array<i32>} : memref<80x128xf32, #tpu.memory_space<vmem>>, vector<1x16xf32>,
      %get3A_292 = vector.shape_cast %get3A_291 : vector<1x16xf32> to vector<16xf32>
      %get3A_293 = arith.index_cast %add3A_238 : i32 to index
      %get3A_294 = arith.constant 32 : index
      %get3A_295 = tpu.vector_load %arg10[%get3A_293, %get3A_294] {strides = array<i32>} : memref<80x256xf32, #tpu.memory_space<vmem>>, vector<1x16xf32>,
      %get3A_296 = vector.shape_cast %get3A_295 : vector<1x16xf32> to vector<16xf32>
      %get3A_297 = arith.index_cast %add3A_238 : i32 to index
      %get3A_298 = arith.constant 160 : index
      %get3A_299 = tpu.vector_load %arg10[%get3A_297, %get3A_298] {strides = array<i32>} : memref<80x256xf32, #tpu.memory_space<vmem>>, vector<1x16xf32>,
      %get3A_300 = vector.shape_cast %get3A_299 : vector<1x16xf32> to vector<16xf32>
      %mul3A_301 = arith.mulf %get3A_288, %get3A_296 : vector<16xf32>
      %mul3A_302 = arith.mulf %get3A_292, %get3A_300 : vector<16xf32>
      %sub3A_303 = arith.subf %mul3A_301, %mul3A_302 : vector<16xf32>
      %abs3A_304 = math.absf %sub3A_303 : vector<16xf32>
      %add3A_305 = arith.addf %add3A_263, %abs3A_304 : vector<16xf32>
      %get3A_306 = arith.index_cast %add3A_238 : i32 to index
      %get3A_307 = arith.constant 48 : index
      %get3A_308 = tpu.vector_load %arg8[%get3A_306, %get3A_307] {strides = array<i32>} : memref<80x128xf32, #tpu.memory_space<vmem>>, vector<1x16xf32>,
      %get3A_309 = vector.shape_cast %get3A_308 : vector<1x16xf32> to vector<16xf32>
      %get3A_310 = arith.index_cast %add3A_238 : i32 to index
      %get3A_311 = arith.constant 48 : index
      %get3A_312 = tpu.vector_load %arg9[%get3A_310, %get3A_311] {strides = array<i32>} : memref<80x128xf32, #tpu.memory_space<vmem>>, vector<1x16xf32>,
      %get3A_313 = vector.shape_cast %get3A_312 : vector<1x16xf32> to vector<16xf32>
      %get3A_314 = arith.index_cast %add3A_238 : i32 to index
      %get3A_315 = arith.constant 48 : index
      %get3A_316 = tpu.vector_load %arg10[%get3A_314, %get3A_315] {strides = array<i32>} : memref<80x256xf32, #tpu.memory_space<vmem>>, vector<1x16xf32>,
      %get3A_317 = vector.shape_cast %get3A_316 : vector<1x16xf32> to vector<16xf32>
      %get3A_318 = arith.index_cast %add3A_238 : i32 to index
      %get3A_319 = arith.constant 176 : index
      %get3A_320 = tpu.vector_load %arg10[%get3A_318, %get3A_319] {strides = array<i32>} : memref<80x256xf32, #tpu.memory_space<vmem>>, vector<1x16xf32>,
      %get3A_321 = vector.shape_cast %get3A_320 : vector<1x16xf32> to vector<16xf32>
      %mul3A_322 = arith.mulf %get3A_309, %get3A_317 : vector<16xf32>
      %mul3A_323 = arith.mulf %get3A_313, %get3A_321 : vector<16xf32>
      %sub3A_324 = arith.subf %mul3A_322, %mul3A_323 : vector<16xf32>
      %abs3A_325 = math.absf %sub3A_324 : vector<16xf32>
      %add3A_326 = arith.addf %add3A_284, %abs3A_325 : vector<16xf32>
      %get3A_327 = arith.index_cast %add3A_238 : i32 to index
      %get3A_328 = arith.constant 64 : index
      %get3A_329 = tpu.vector_load %arg8[%get3A_327, %get3A_328] {strides = array<i32>} : memref<80x128xf32, #tpu.memory_space<vmem>>, vector<1x16xf32>,
      %get3A_330 = vector.shape_cast %get3A_329 : vector<1x16xf32> to vector<16xf32>
      %get3A_331 = arith.index_cast %add3A_238 : i32 to index
      %get3A_332 = arith.constant 64 : index
      %get3A_333 = tpu.vector_load %arg9[%get3A_331, %get3A_332] {strides = array<i32>} : memref<80x128xf32, #tpu.memory_space<vmem>>, vector<1x16xf32>,
      %get3A_334 = vector.shape_cast %get3A_333 : vector<1x16xf32> to vector<16xf32>
      %get3A_335 = arith.index_cast %add3A_238 : i32 to index
      %get3A_336 = arith.constant 64 : index
      %get3A_337 = tpu.vector_load %arg10[%get3A_335, %get3A_336] {strides = array<i32>} : memref<80x256xf32, #tpu.memory_space<vmem>>, vector<1x16xf32>,
      %get3A_338 = vector.shape_cast %get3A_337 : vector<1x16xf32> to vector<16xf32>
      %get3A_339 = arith.index_cast %add3A_238 : i32 to index
      %get3A_340 = arith.constant 192 : index
      %get3A_341 = tpu.vector_load %arg10[%get3A_339, %get3A_340] {strides = array<i32>} : memref<80x256xf32, #tpu.memory_space<vmem>>, vector<1x16xf32>,
      %get3A_342 = vector.shape_cast %get3A_341 : vector<1x16xf32> to vector<16xf32>
      %mul3A_343 = arith.mulf %get3A_330, %get3A_338 : vector<16xf32>
      %mul3A_344 = arith.mulf %get3A_334, %get3A_342 : vector<16xf32>
      %sub3A_345 = arith.subf %mul3A_343, %mul3A_344 : vector<16xf32>
      %abs3A_346 = math.absf %sub3A_345 : vector<16xf32>
      %add3A_347 = arith.addf %add3A_305, %abs3A_346 : vector<16xf32>
      %get3A_348 = arith.index_cast %add3A_238 : i32 to index
      %get3A_349 = arith.constant 80 : index
      %get3A_350 = tpu.vector_load %arg8[%get3A_348, %get3A_349] {strides = array<i32>} : memref<80x128xf32, #tpu.memory_space<vmem>>, vector<1x16xf32>,
      %get3A_351 = vector.shape_cast %get3A_350 : vector<1x16xf32> to vector<16xf32>
      %get3A_352 = arith.index_cast %add3A_238 : i32 to index
      %get3A_353 = arith.constant 80 : index
      %get3A_354 = tpu.vector_load %arg9[%get3A_352, %get3A_353] {strides = array<i32>} : memref<80x128xf32, #tpu.memory_space<vmem>>, vector<1x16xf32>,
      %get3A_355 = vector.shape_cast %get3A_354 : vector<1x16xf32> to vector<16xf32>
      %get3A_356 = arith.index_cast %add3A_238 : i32 to index
      %get3A_357 = arith.constant 80 : index
      %get3A_358 = tpu.vector_load %arg10[%get3A_356, %get3A_357] {strides = array<i32>} : memref<80x256xf32, #tpu.memory_space<vmem>>, vector<1x16xf32>,
      %get3A_359 = vector.shape_cast %get3A_358 : vector<1x16xf32> to vector<16xf32>
      %get3A_360 = arith.index_cast %add3A_238 : i32 to index
      %get3A_361 = arith.constant 208 : index
      %get3A_362 = tpu.vector_load %arg10[%get3A_360, %get3A_361] {strides = array<i32>} : memref<80x256xf32, #tpu.memory_space<vmem>>, vector<1x16xf32>,
      %get3A_363 = vector.shape_cast %get3A_362 : vector<1x16xf32> to vector<16xf32>
      %mul3A_364 = arith.mulf %get3A_351, %get3A_359 : vector<16xf32>
      %mul3A_365 = arith.mulf %get3A_355, %get3A_363 : vector<16xf32>
      %sub3A_366 = arith.subf %mul3A_364, %mul3A_365 : vector<16xf32>
      %abs3A_367 = math.absf %sub3A_366 : vector<16xf32>
      %add3A_368 = arith.addf %add3A_326, %abs3A_367 : vector<16xf32>
      %get3A_369 = arith.index_cast %add3A_238 : i32 to index
      %get3A_370 = arith.constant 96 : index
      %get3A_371 = tpu.vector_load %arg8[%get3A_369, %get3A_370] {strides = array<i32>} : memref<80x128xf32, #tpu.memory_space<vmem>>, vector<1x16xf32>,
      %get3A_372 = vector.shape_cast %get3A_371 : vector<1x16xf32> to vector<16xf32>
      %get3A_373 = arith.index_cast %add3A_238 : i32 to index
      %get3A_374 = arith.constant 96 : index
      %get3A_375 = tpu.vector_load %arg9[%get3A_373, %get3A_374] {strides = array<i32>} : memref<80x128xf32, #tpu.memory_space<vmem>>, vector<1x16xf32>,
      %get3A_376 = vector.shape_cast %get3A_375 : vector<1x16xf32> to vector<16xf32>
      %get3A_377 = arith.index_cast %add3A_238 : i32 to index
      %get3A_378 = arith.constant 96 : index
      %get3A_379 = tpu.vector_load %arg10[%get3A_377, %get3A_378] {strides = array<i32>} : memref<80x256xf32, #tpu.memory_space<vmem>>, vector<1x16xf32>,
      %get3A_380 = vector.shape_cast %get3A_379 : vector<1x16xf32> to vector<16xf32>
      %get3A_381 = arith.index_cast %add3A_238 : i32 to index
      %get3A_382 = arith.constant 224 : index
      %get3A_383 = tpu.vector_load %arg10[%get3A_381, %get3A_382] {strides = array<i32>} : memref<80x256xf32, #tpu.memory_space<vmem>>, vector<1x16xf32>,
      %get3A_384 = vector.shape_cast %get3A_383 : vector<1x16xf32> to vector<16xf32>
      %mul3A_385 = arith.mulf %get3A_372, %get3A_380 : vector<16xf32>
      %mul3A_386 = arith.mulf %get3A_376, %get3A_384 : vector<16xf32>
      %sub3A_387 = arith.subf %mul3A_385, %mul3A_386 : vector<16xf32>
      %abs3A_388 = math.absf %sub3A_387 : vector<16xf32>
      %add3A_389 = arith.addf %add3A_347, %abs3A_388 : vector<16xf32>
      %get3A_390 = arith.index_cast %add3A_238 : i32 to index
      %get3A_391 = arith.constant 112 : index
      %get3A_392 = tpu.vector_load %arg8[%get3A_390, %get3A_391] {strides = array<i32>} : memref<80x128xf32, #tpu.memory_space<vmem>>, vector<1x16xf32>,
      %get3A_393 = vector.shape_cast %get3A_392 : vector<1x16xf32> to vector<16xf32>
      %get3A_394 = arith.index_cast %add3A_238 : i32 to index
      %get3A_395 = arith.constant 112 : index
      %get3A_396 = tpu.vector_load %arg9[%get3A_394, %get3A_395] {strides = array<i32>} : memref<80x128xf32, #tpu.memory_space<vmem>>, vector<1x16xf32>,
      %get3A_397 = vector.shape_cast %get3A_396 : vector<1x16xf32> to vector<16xf32>
      %get3A_398 = arith.index_cast %add3A_238 : i32 to index
      %get3A_399 = arith.constant 112 : index
      %get3A_400 = tpu.vector_load %arg10[%get3A_398, %get3A_399] {strides = array<i32>} : memref<80x256xf32, #tpu.memory_space<vmem>>, vector<1x16xf32>,
      %get3A_401 = vector.shape_cast %get3A_400 : vector<1x16xf32> to vector<16xf32>
      %get3A_402 = arith.index_cast %add3A_238 : i32 to index
      %get3A_403 = arith.constant 240 : index
      %get3A_404 = tpu.vector_load %arg10[%get3A_402, %get3A_403] {strides = array<i32>} : memref<80x256xf32, #tpu.memory_space<vmem>>, vector<1x16xf32>,
      %get3A_405 = vector.shape_cast %get3A_404 : vector<1x16xf32> to vector<16xf32>
      %mul3A_406 = arith.mulf %get3A_393, %get3A_401 : vector<16xf32>
      %mul3A_407 = arith.mulf %get3A_397, %get3A_405 : vector<16xf32>
      %sub3A_408 = arith.subf %mul3A_406, %mul3A_407 : vector<16xf32>
      %abs3A_409 = math.absf %sub3A_408 : vector<16xf32>
      %add3A_410 = arith.addf %add3A_368, %abs3A_409 : vector<16xf32>
      %add3A_411 = arith.addf %add3A_389, %add3A_410 : vector<16xf32>
      %mul3A_412 = arith.constant 16 : i32
      %mul3A_413 = arith.muli %add3A_238, %mul3A_412 : i32
      %swap3A_414 = arith.index_cast %mul3A_413 : i32 to index
      %swap3A_415 = tpu.vector_load %arg11[%swap3A_414] {strides = array<i32>} : memref<1280xf32, #tpu.memory_space<vmem>>, vector<16xf32>,
      %swap3A_416 = vector.shape_cast %swap3A_415 : vector<16xf32> to vector<16xf32>
      %swap3A_417 = vector.shape_cast %add3A_411 : vector<16xf32> to vector<16xf32>
      tpu.vector_store %arg11[%swap3A_414], %swap3A_417 {strides = array<i32>} : memref<1280xf32, #tpu.memory_space<vmem>>, vector<16xf32>,
      %mul3A_418 = arith.constant 4 : i32
      %mul3A_419 = arith.muli %scan3A_56, %mul3A_418 : i32
      %add3A_420 = arith.constant 2 : i32
      %add3A_421 = arith.addi %mul3A_419, %add3A_420 : i32
      %broadcast_in_dim3A_422 = arith.constant 0.000000e+00 : f32
      %broadcast_in_dim3A_423 = vector.broadcast %broadcast_in_dim3A_422 : f32 to vector<16xf32>
      %broadcast_in_dim3A_424 = arith.constant 0.000000e+00 : f32
      %broadcast_in_dim3A_425 = vector.broadcast %broadcast_in_dim3A_424 : f32 to vector<16xf32>
      %get3A_426 = arith.index_cast %add3A_421 : i32 to index
      %get3A_427 = arith.constant 0 : index
      %get3A_428 = tpu.vector_load %arg8[%get3A_426, %get3A_427] {strides = array<i32>} : memref<80x128xf32, #tpu.memory_space<vmem>>, vector<1x16xf32>,
      %get3A_429 = vector.shape_cast %get3A_428 : vector<1x16xf32> to vector<16xf32>
      %get3A_430 = arith.index_cast %add3A_421 : i32 to index
      %get3A_431 = arith.constant 0 : index
      %get3A_432 = tpu.vector_load %arg9[%get3A_430, %get3A_431] {strides = array<i32>} : memref<80x128xf32, #tpu.memory_space<vmem>>, vector<1x16xf32>,
      %get3A_433 = vector.shape_cast %get3A_432 : vector<1x16xf32> to vector<16xf32>
      %get3A_434 = arith.index_cast %add3A_421 : i32 to index
      %get3A_435 = arith.constant 0 : index
      %get3A_436 = tpu.vector_load %arg10[%get3A_434, %get3A_435] {strides = array<i32>} : memref<80x256xf32, #tpu.memory_space<vmem>>, vector<1x16xf32>,
      %get3A_437 = vector.shape_cast %get3A_436 : vector<1x16xf32> to vector<16xf32>
      %get3A_438 = arith.index_cast %add3A_421 : i32 to index
      %get3A_439 = arith.constant 128 : index
      %get3A_440 = tpu.vector_load %arg10[%get3A_438, %get3A_439] {strides = array<i32>} : memref<80x256xf32, #tpu.memory_space<vmem>>, vector<1x16xf32>,
      %get3A_441 = vector.shape_cast %get3A_440 : vector<1x16xf32> to vector<16xf32>
      %mul3A_442 = arith.mulf %get3A_429, %get3A_437 : vector<16xf32>
      %mul3A_443 = arith.mulf %get3A_433, %get3A_441 : vector<16xf32>
      %sub3A_444 = arith.subf %mul3A_442, %mul3A_443 : vector<16xf32>
      %abs3A_445 = math.absf %sub3A_444 : vector<16xf32>
      %add3A_446 = arith.addf %broadcast_in_dim3A_423, %abs3A_445 : vector<16xf32>
      %get3A_447 = arith.index_cast %add3A_421 : i32 to index
      %get3A_448 = arith.constant 16 : index
      %get3A_449 = tpu.vector_load %arg8[%get3A_447, %get3A_448] {strides = array<i32>} : memref<80x128xf32, #tpu.memory_space<vmem>>, vector<1x16xf32>,
      %get3A_450 = vector.shape_cast %get3A_449 : vector<1x16xf32> to vector<16xf32>
      %get3A_451 = arith.index_cast %add3A_421 : i32 to index
      %get3A_452 = arith.constant 16 : index
      %get3A_453 = tpu.vector_load %arg9[%get3A_451, %get3A_452] {strides = array<i32>} : memref<80x128xf32, #tpu.memory_space<vmem>>, vector<1x16xf32>,
      %get3A_454 = vector.shape_cast %get3A_453 : vector<1x16xf32> to vector<16xf32>
      %get3A_455 = arith.index_cast %add3A_421 : i32 to index
      %get3A_456 = arith.constant 16 : index
      %get3A_457 = tpu.vector_load %arg10[%get3A_455, %get3A_456] {strides = array<i32>} : memref<80x256xf32, #tpu.memory_space<vmem>>, vector<1x16xf32>,
      %get3A_458 = vector.shape_cast %get3A_457 : vector<1x16xf32> to vector<16xf32>
      %get3A_459 = arith.index_cast %add3A_421 : i32 to index
      %get3A_460 = arith.constant 144 : index
      %get3A_461 = tpu.vector_load %arg10[%get3A_459, %get3A_460] {strides = array<i32>} : memref<80x256xf32, #tpu.memory_space<vmem>>, vector<1x16xf32>,
      %get3A_462 = vector.shape_cast %get3A_461 : vector<1x16xf32> to vector<16xf32>
      %mul3A_463 = arith.mulf %get3A_450, %get3A_458 : vector<16xf32>
      %mul3A_464 = arith.mulf %get3A_454, %get3A_462 : vector<16xf32>
      %sub3A_465 = arith.subf %mul3A_463, %mul3A_464 : vector<16xf32>
      %abs3A_466 = math.absf %sub3A_465 : vector<16xf32>
      %add3A_467 = arith.addf %broadcast_in_dim3A_425, %abs3A_466 : vector<16xf32>
      %get3A_468 = arith.index_cast %add3A_421 : i32 to index
      %get3A_469 = arith.constant 32 : index
      %get3A_470 = tpu.vector_load %arg8[%get3A_468, %get3A_469] {strides = array<i32>} : memref<80x128xf32, #tpu.memory_space<vmem>>, vector<1x16xf32>,
      %get3A_471 = vector.shape_cast %get3A_470 : vector<1x16xf32> to vector<16xf32>
      %get3A_472 = arith.index_cast %add3A_421 : i32 to index
      %get3A_473 = arith.constant 32 : index
      %get3A_474 = tpu.vector_load %arg9[%get3A_472, %get3A_473] {strides = array<i32>} : memref<80x128xf32, #tpu.memory_space<vmem>>, vector<1x16xf32>,
      %get3A_475 = vector.shape_cast %get3A_474 : vector<1x16xf32> to vector<16xf32>
      %get3A_476 = arith.index_cast %add3A_421 : i32 to index
      %get3A_477 = arith.constant 32 : index
      %get3A_478 = tpu.vector_load %arg10[%get3A_476, %get3A_477] {strides = array<i32>} : memref<80x256xf32, #tpu.memory_space<vmem>>, vector<1x16xf32>,
      %get3A_479 = vector.shape_cast %get3A_478 : vector<1x16xf32> to vector<16xf32>
      %get3A_480 = arith.index_cast %add3A_421 : i32 to index
      %get3A_481 = arith.constant 160 : index
      %get3A_482 = tpu.vector_load %arg10[%get3A_480, %get3A_481] {strides = array<i32>} : memref<80x256xf32, #tpu.memory_space<vmem>>, vector<1x16xf32>,
      %get3A_483 = vector.shape_cast %get3A_482 : vector<1x16xf32> to vector<16xf32>
      %mul3A_484 = arith.mulf %get3A_471, %get3A_479 : vector<16xf32>
      %mul3A_485 = arith.mulf %get3A_475, %get3A_483 : vector<16xf32>
      %sub3A_486 = arith.subf %mul3A_484, %mul3A_485 : vector<16xf32>
      %abs3A_487 = math.absf %sub3A_486 : vector<16xf32>
      %add3A_488 = arith.addf %add3A_446, %abs3A_487 : vector<16xf32>
      %get3A_489 = arith.index_cast %add3A_421 : i32 to index
      %get3A_490 = arith.constant 48 : index
      %get3A_491 = tpu.vector_load %arg8[%get3A_489, %get3A_490] {strides = array<i32>} : memref<80x128xf32, #tpu.memory_space<vmem>>, vector<1x16xf32>,
      %get3A_492 = vector.shape_cast %get3A_491 : vector<1x16xf32> to vector<16xf32>
      %get3A_493 = arith.index_cast %add3A_421 : i32 to index
      %get3A_494 = arith.constant 48 : index
      %get3A_495 = tpu.vector_load %arg9[%get3A_493, %get3A_494] {strides = array<i32>} : memref<80x128xf32, #tpu.memory_space<vmem>>, vector<1x16xf32>,
      %get3A_496 = vector.shape_cast %get3A_495 : vector<1x16xf32> to vector<16xf32>
      %get3A_497 = arith.index_cast %add3A_421 : i32 to index
      %get3A_498 = arith.constant 48 : index
      %get3A_499 = tpu.vector_load %arg10[%get3A_497, %get3A_498] {strides = array<i32>} : memref<80x256xf32, #tpu.memory_space<vmem>>, vector<1x16xf32>,
      %get3A_500 = vector.shape_cast %get3A_499 : vector<1x16xf32> to vector<16xf32>
      %get3A_501 = arith.index_cast %add3A_421 : i32 to index
      %get3A_502 = arith.constant 176 : index
      %get3A_503 = tpu.vector_load %arg10[%get3A_501, %get3A_502] {strides = array<i32>} : memref<80x256xf32, #tpu.memory_space<vmem>>, vector<1x16xf32>,
      %get3A_504 = vector.shape_cast %get3A_503 : vector<1x16xf32> to vector<16xf32>
      %mul3A_505 = arith.mulf %get3A_492, %get3A_500 : vector<16xf32>
      %mul3A_506 = arith.mulf %get3A_496, %get3A_504 : vector<16xf32>
      %sub3A_507 = arith.subf %mul3A_505, %mul3A_506 : vector<16xf32>
      %abs3A_508 = math.absf %sub3A_507 : vector<16xf32>
      %add3A_509 = arith.addf %add3A_467, %abs3A_508 : vector<16xf32>
      %get3A_510 = arith.index_cast %add3A_421 : i32 to index
      %get3A_511 = arith.constant 64 : index
      %get3A_512 = tpu.vector_load %arg8[%get3A_510, %get3A_511] {strides = array<i32>} : memref<80x128xf32, #tpu.memory_space<vmem>>, vector<1x16xf32>,
      %get3A_513 = vector.shape_cast %get3A_512 : vector<1x16xf32> to vector<16xf32>
      %get3A_514 = arith.index_cast %add3A_421 : i32 to index
      %get3A_515 = arith.constant 64 : index
      %get3A_516 = tpu.vector_load %arg9[%get3A_514, %get3A_515] {strides = array<i32>} : memref<80x128xf32, #tpu.memory_space<vmem>>, vector<1x16xf32>,
      %get3A_517 = vector.shape_cast %get3A_516 : vector<1x16xf32> to vector<16xf32>
      %get3A_518 = arith.index_cast %add3A_421 : i32 to index
      %get3A_519 = arith.constant 64 : index
      %get3A_520 = tpu.vector_load %arg10[%get3A_518, %get3A_519] {strides = array<i32>} : memref<80x256xf32, #tpu.memory_space<vmem>>, vector<1x16xf32>,
      %get3A_521 = vector.shape_cast %get3A_520 : vector<1x16xf32> to vector<16xf32>
      %get3A_522 = arith.index_cast %add3A_421 : i32 to index
      %get3A_523 = arith.constant 192 : index
      %get3A_524 = tpu.vector_load %arg10[%get3A_522, %get3A_523] {strides = array<i32>} : memref<80x256xf32, #tpu.memory_space<vmem>>, vector<1x16xf32>,
      %get3A_525 = vector.shape_cast %get3A_524 : vector<1x16xf32> to vector<16xf32>
      %mul3A_526 = arith.mulf %get3A_513, %get3A_521 : vector<16xf32>
      %mul3A_527 = arith.mulf %get3A_517, %get3A_525 : vector<16xf32>
      %sub3A_528 = arith.subf %mul3A_526, %mul3A_527 : vector<16xf32>
      %abs3A_529 = math.absf %sub3A_528 : vector<16xf32>
      %add3A_530 = arith.addf %add3A_488, %abs3A_529 : vector<16xf32>
      %get3A_531 = arith.index_cast %add3A_421 : i32 to index
      %get3A_532 = arith.constant 80 : index
      %get3A_533 = tpu.vector_load %arg8[%get3A_531, %get3A_532] {strides = array<i32>} : memref<80x128xf32, #tpu.memory_space<vmem>>, vector<1x16xf32>,
      %get3A_534 = vector.shape_cast %get3A_533 : vector<1x16xf32> to vector<16xf32>
      %get3A_535 = arith.index_cast %add3A_421 : i32 to index
      %get3A_536 = arith.constant 80 : index
      %get3A_537 = tpu.vector_load %arg9[%get3A_535, %get3A_536] {strides = array<i32>} : memref<80x128xf32, #tpu.memory_space<vmem>>, vector<1x16xf32>,
      %get3A_538 = vector.shape_cast %get3A_537 : vector<1x16xf32> to vector<16xf32>
      %get3A_539 = arith.index_cast %add3A_421 : i32 to index
      %get3A_540 = arith.constant 80 : index
      %get3A_541 = tpu.vector_load %arg10[%get3A_539, %get3A_540] {strides = array<i32>} : memref<80x256xf32, #tpu.memory_space<vmem>>, vector<1x16xf32>,
      %get3A_542 = vector.shape_cast %get3A_541 : vector<1x16xf32> to vector<16xf32>
      %get3A_543 = arith.index_cast %add3A_421 : i32 to index
      %get3A_544 = arith.constant 208 : index
      %get3A_545 = tpu.vector_load %arg10[%get3A_543, %get3A_544] {strides = array<i32>} : memref<80x256xf32, #tpu.memory_space<vmem>>, vector<1x16xf32>,
      %get3A_546 = vector.shape_cast %get3A_545 : vector<1x16xf32> to vector<16xf32>
      %mul3A_547 = arith.mulf %get3A_534, %get3A_542 : vector<16xf32>
      %mul3A_548 = arith.mulf %get3A_538, %get3A_546 : vector<16xf32>
      %sub3A_549 = arith.subf %mul3A_547, %mul3A_548 : vector<16xf32>
      %abs3A_550 = math.absf %sub3A_549 : vector<16xf32>
      %add3A_551 = arith.addf %add3A_509, %abs3A_550 : vector<16xf32>
      %get3A_552 = arith.index_cast %add3A_421 : i32 to index
      %get3A_553 = arith.constant 96 : index
      %get3A_554 = tpu.vector_load %arg8[%get3A_552, %get3A_553] {strides = array<i32>} : memref<80x128xf32, #tpu.memory_space<vmem>>, vector<1x16xf32>,
      %get3A_555 = vector.shape_cast %get3A_554 : vector<1x16xf32> to vector<16xf32>
      %get3A_556 = arith.index_cast %add3A_421 : i32 to index
      %get3A_557 = arith.constant 96 : index
      %get3A_558 = tpu.vector_load %arg9[%get3A_556, %get3A_557] {strides = array<i32>} : memref<80x128xf32, #tpu.memory_space<vmem>>, vector<1x16xf32>,
      %get3A_559 = vector.shape_cast %get3A_558 : vector<1x16xf32> to vector<16xf32>
      %get3A_560 = arith.index_cast %add3A_421 : i32 to index
      %get3A_561 = arith.constant 96 : index
      %get3A_562 = tpu.vector_load %arg10[%get3A_560, %get3A_561] {strides = array<i32>} : memref<80x256xf32, #tpu.memory_space<vmem>>, vector<1x16xf32>,
      %get3A_563 = vector.shape_cast %get3A_562 : vector<1x16xf32> to vector<16xf32>
      %get3A_564 = arith.index_cast %add3A_421 : i32 to index
      %get3A_565 = arith.constant 224 : index
      %get3A_566 = tpu.vector_load %arg10[%get3A_564, %get3A_565] {strides = array<i32>} : memref<80x256xf32, #tpu.memory_space<vmem>>, vector<1x16xf32>,
      %get3A_567 = vector.shape_cast %get3A_566 : vector<1x16xf32> to vector<16xf32>
      %mul3A_568 = arith.mulf %get3A_555, %get3A_563 : vector<16xf32>
      %mul3A_569 = arith.mulf %get3A_559, %get3A_567 : vector<16xf32>
      %sub3A_570 = arith.subf %mul3A_568, %mul3A_569 : vector<16xf32>
      %abs3A_571 = math.absf %sub3A_570 : vector<16xf32>
      %add3A_572 = arith.addf %add3A_530, %abs3A_571 : vector<16xf32>
      %get3A_573 = arith.index_cast %add3A_421 : i32 to index
      %get3A_574 = arith.constant 112 : index
      %get3A_575 = tpu.vector_load %arg8[%get3A_573, %get3A_574] {strides = array<i32>} : memref<80x128xf32, #tpu.memory_space<vmem>>, vector<1x16xf32>,
      %get3A_576 = vector.shape_cast %get3A_575 : vector<1x16xf32> to vector<16xf32>
      %get3A_577 = arith.index_cast %add3A_421 : i32 to index
      %get3A_578 = arith.constant 112 : index
      %get3A_579 = tpu.vector_load %arg9[%get3A_577, %get3A_578] {strides = array<i32>} : memref<80x128xf32, #tpu.memory_space<vmem>>, vector<1x16xf32>,
      %get3A_580 = vector.shape_cast %get3A_579 : vector<1x16xf32> to vector<16xf32>
      %get3A_581 = arith.index_cast %add3A_421 : i32 to index
      %get3A_582 = arith.constant 112 : index
      %get3A_583 = tpu.vector_load %arg10[%get3A_581, %get3A_582] {strides = array<i32>} : memref<80x256xf32, #tpu.memory_space<vmem>>, vector<1x16xf32>,
      %get3A_584 = vector.shape_cast %get3A_583 : vector<1x16xf32> to vector<16xf32>
      %get3A_585 = arith.index_cast %add3A_421 : i32 to index
      %get3A_586 = arith.constant 240 : index
      %get3A_587 = tpu.vector_load %arg10[%get3A_585, %get3A_586] {strides = array<i32>} : memref<80x256xf32, #tpu.memory_space<vmem>>, vector<1x16xf32>,
      %get3A_588 = vector.shape_cast %get3A_587 : vector<1x16xf32> to vector<16xf32>
      %mul3A_589 = arith.mulf %get3A_576, %get3A_584 : vector<16xf32>
      %mul3A_590 = arith.mulf %get3A_580, %get3A_588 : vector<16xf32>
      %sub3A_591 = arith.subf %mul3A_589, %mul3A_590 : vector<16xf32>
      %abs3A_592 = math.absf %sub3A_591 : vector<16xf32>
      %add3A_593 = arith.addf %add3A_551, %abs3A_592 : vector<16xf32>
      %add3A_594 = arith.addf %add3A_572, %add3A_593 : vector<16xf32>
      %mul3A_595 = arith.constant 16 : i32
      %mul3A_596 = arith.muli %add3A_421, %mul3A_595 : i32
      %swap3A_597 = arith.index_cast %mul3A_596 : i32 to index
      %swap3A_598 = tpu.vector_load %arg11[%swap3A_597] {strides = array<i32>} : memref<1280xf32, #tpu.memory_space<vmem>>, vector<16xf32>,
      %swap3A_599 = vector.shape_cast %swap3A_598 : vector<16xf32> to vector<16xf32>
      %swap3A_600 = vector.shape_cast %add3A_594 : vector<16xf32> to vector<16xf32>
      tpu.vector_store %arg11[%swap3A_597], %swap3A_600 {strides = array<i32>} : memref<1280xf32, #tpu.memory_space<vmem>>, vector<16xf32>,
      %mul3A_601 = arith.constant 4 : i32
      %mul3A_602 = arith.muli %scan3A_56, %mul3A_601 : i32
      %add3A_603 = arith.constant 3 : i32
      %add3A_604 = arith.addi %mul3A_602, %add3A_603 : i32
      %broadcast_in_dim3A_605 = arith.constant 0.000000e+00 : f32
      %broadcast_in_dim3A_606 = vector.broadcast %broadcast_in_dim3A_605 : f32 to vector<16xf32>
      %broadcast_in_dim3A_607 = arith.constant 0.000000e+00 : f32
      %broadcast_in_dim3A_608 = vector.broadcast %broadcast_in_dim3A_607 : f32 to vector<16xf32>
      %get3A_609 = arith.index_cast %add3A_604 : i32 to index
      %get3A_610 = arith.constant 0 : index
      %get3A_611 = tpu.vector_load %arg8[%get3A_609, %get3A_610] {strides = array<i32>} : memref<80x128xf32, #tpu.memory_space<vmem>>, vector<1x16xf32>,
      %get3A_612 = vector.shape_cast %get3A_611 : vector<1x16xf32> to vector<16xf32>
      %get3A_613 = arith.index_cast %add3A_604 : i32 to index
      %get3A_614 = arith.constant 0 : index
      %get3A_615 = tpu.vector_load %arg9[%get3A_613, %get3A_614] {strides = array<i32>} : memref<80x128xf32, #tpu.memory_space<vmem>>, vector<1x16xf32>,
      %get3A_616 = vector.shape_cast %get3A_615 : vector<1x16xf32> to vector<16xf32>
      %get3A_617 = arith.index_cast %add3A_604 : i32 to index
      %get3A_618 = arith.constant 0 : index
      %get3A_619 = tpu.vector_load %arg10[%get3A_617, %get3A_618] {strides = array<i32>} : memref<80x256xf32, #tpu.memory_space<vmem>>, vector<1x16xf32>,
      %get3A_620 = vector.shape_cast %get3A_619 : vector<1x16xf32> to vector<16xf32>
      %get3A_621 = arith.index_cast %add3A_604 : i32 to index
      %get3A_622 = arith.constant 128 : index
      %get3A_623 = tpu.vector_load %arg10[%get3A_621, %get3A_622] {strides = array<i32>} : memref<80x256xf32, #tpu.memory_space<vmem>>, vector<1x16xf32>,
      %get3A_624 = vector.shape_cast %get3A_623 : vector<1x16xf32> to vector<16xf32>
      %mul3A_625 = arith.mulf %get3A_612, %get3A_620 : vector<16xf32>
      %mul3A_626 = arith.mulf %get3A_616, %get3A_624 : vector<16xf32>
      %sub3A_627 = arith.subf %mul3A_625, %mul3A_626 : vector<16xf32>
      %abs3A_628 = math.absf %sub3A_627 : vector<16xf32>
      %add3A_629 = arith.addf %broadcast_in_dim3A_606, %abs3A_628 : vector<16xf32>
      %get3A_630 = arith.index_cast %add3A_604 : i32 to index
      %get3A_631 = arith.constant 16 : index
      %get3A_632 = tpu.vector_load %arg8[%get3A_630, %get3A_631] {strides = array<i32>} : memref<80x128xf32, #tpu.memory_space<vmem>>, vector<1x16xf32>,
      %get3A_633 = vector.shape_cast %get3A_632 : vector<1x16xf32> to vector<16xf32>
      %get3A_634 = arith.index_cast %add3A_604 : i32 to index
      %get3A_635 = arith.constant 16 : index
      %get3A_636 = tpu.vector_load %arg9[%get3A_634, %get3A_635] {strides = array<i32>} : memref<80x128xf32, #tpu.memory_space<vmem>>, vector<1x16xf32>,
      %get3A_637 = vector.shape_cast %get3A_636 : vector<1x16xf32> to vector<16xf32>
      %get3A_638 = arith.index_cast %add3A_604 : i32 to index
      %get3A_639 = arith.constant 16 : index
      %get3A_640 = tpu.vector_load %arg10[%get3A_638, %get3A_639] {strides = array<i32>} : memref<80x256xf32, #tpu.memory_space<vmem>>, vector<1x16xf32>,
      %get3A_641 = vector.shape_cast %get3A_640 : vector<1x16xf32> to vector<16xf32>
      %get3A_642 = arith.index_cast %add3A_604 : i32 to index
      %get3A_643 = arith.constant 144 : index
      %get3A_644 = tpu.vector_load %arg10[%get3A_642, %get3A_643] {strides = array<i32>} : memref<80x256xf32, #tpu.memory_space<vmem>>, vector<1x16xf32>,
      %get3A_645 = vector.shape_cast %get3A_644 : vector<1x16xf32> to vector<16xf32>
      %mul3A_646 = arith.mulf %get3A_633, %get3A_641 : vector<16xf32>
      %mul3A_647 = arith.mulf %get3A_637, %get3A_645 : vector<16xf32>
      %sub3A_648 = arith.subf %mul3A_646, %mul3A_647 : vector<16xf32>
      %abs3A_649 = math.absf %sub3A_648 : vector<16xf32>
      %add3A_650 = arith.addf %broadcast_in_dim3A_608, %abs3A_649 : vector<16xf32>
      %get3A_651 = arith.index_cast %add3A_604 : i32 to index
      %get3A_652 = arith.constant 32 : index
      %get3A_653 = tpu.vector_load %arg8[%get3A_651, %get3A_652] {strides = array<i32>} : memref<80x128xf32, #tpu.memory_space<vmem>>, vector<1x16xf32>,
      %get3A_654 = vector.shape_cast %get3A_653 : vector<1x16xf32> to vector<16xf32>
      %get3A_655 = arith.index_cast %add3A_604 : i32 to index
      %get3A_656 = arith.constant 32 : index
      %get3A_657 = tpu.vector_load %arg9[%get3A_655, %get3A_656] {strides = array<i32>} : memref<80x128xf32, #tpu.memory_space<vmem>>, vector<1x16xf32>,
      %get3A_658 = vector.shape_cast %get3A_657 : vector<1x16xf32> to vector<16xf32>
      %get3A_659 = arith.index_cast %add3A_604 : i32 to index
      %get3A_660 = arith.constant 32 : index
      %get3A_661 = tpu.vector_load %arg10[%get3A_659, %get3A_660] {strides = array<i32>} : memref<80x256xf32, #tpu.memory_space<vmem>>, vector<1x16xf32>,
      %get3A_662 = vector.shape_cast %get3A_661 : vector<1x16xf32> to vector<16xf32>
      %get3A_663 = arith.index_cast %add3A_604 : i32 to index
      %get3A_664 = arith.constant 160 : index
      %get3A_665 = tpu.vector_load %arg10[%get3A_663, %get3A_664] {strides = array<i32>} : memref<80x256xf32, #tpu.memory_space<vmem>>, vector<1x16xf32>,
      %get3A_666 = vector.shape_cast %get3A_665 : vector<1x16xf32> to vector<16xf32>
      %mul3A_667 = arith.mulf %get3A_654, %get3A_662 : vector<16xf32>
      %mul3A_668 = arith.mulf %get3A_658, %get3A_666 : vector<16xf32>
      %sub3A_669 = arith.subf %mul3A_667, %mul3A_668 : vector<16xf32>
      %abs3A_670 = math.absf %sub3A_669 : vector<16xf32>
      %add3A_671 = arith.addf %add3A_629, %abs3A_670 : vector<16xf32>
      %get3A_672 = arith.index_cast %add3A_604 : i32 to index
      %get3A_673 = arith.constant 48 : index
      %get3A_674 = tpu.vector_load %arg8[%get3A_672, %get3A_673] {strides = array<i32>} : memref<80x128xf32, #tpu.memory_space<vmem>>, vector<1x16xf32>,
      %get3A_675 = vector.shape_cast %get3A_674 : vector<1x16xf32> to vector<16xf32>
      %get3A_676 = arith.index_cast %add3A_604 : i32 to index
      %get3A_677 = arith.constant 48 : index
      %get3A_678 = tpu.vector_load %arg9[%get3A_676, %get3A_677] {strides = array<i32>} : memref<80x128xf32, #tpu.memory_space<vmem>>, vector<1x16xf32>,
      %get3A_679 = vector.shape_cast %get3A_678 : vector<1x16xf32> to vector<16xf32>
      %get3A_680 = arith.index_cast %add3A_604 : i32 to index
      %get3A_681 = arith.constant 48 : index
      %get3A_682 = tpu.vector_load %arg10[%get3A_680, %get3A_681] {strides = array<i32>} : memref<80x256xf32, #tpu.memory_space<vmem>>, vector<1x16xf32>,
      %get3A_683 = vector.shape_cast %get3A_682 : vector<1x16xf32> to vector<16xf32>
      %get3A_684 = arith.index_cast %add3A_604 : i32 to index
      %get3A_685 = arith.constant 176 : index
      %get3A_686 = tpu.vector_load %arg10[%get3A_684, %get3A_685] {strides = array<i32>} : memref<80x256xf32, #tpu.memory_space<vmem>>, vector<1x16xf32>,
      %get3A_687 = vector.shape_cast %get3A_686 : vector<1x16xf32> to vector<16xf32>
      %mul3A_688 = arith.mulf %get3A_675, %get3A_683 : vector<16xf32>
      %mul3A_689 = arith.mulf %get3A_679, %get3A_687 : vector<16xf32>
      %sub3A_690 = arith.subf %mul3A_688, %mul3A_689 : vector<16xf32>
      %abs3A_691 = math.absf %sub3A_690 : vector<16xf32>
      %add3A_692 = arith.addf %add3A_650, %abs3A_691 : vector<16xf32>
      %get3A_693 = arith.index_cast %add3A_604 : i32 to index
      %get3A_694 = arith.constant 64 : index
      %get3A_695 = tpu.vector_load %arg8[%get3A_693, %get3A_694] {strides = array<i32>} : memref<80x128xf32, #tpu.memory_space<vmem>>, vector<1x16xf32>,
      %get3A_696 = vector.shape_cast %get3A_695 : vector<1x16xf32> to vector<16xf32>
      %get3A_697 = arith.index_cast %add3A_604 : i32 to index
      %get3A_698 = arith.constant 64 : index
      %get3A_699 = tpu.vector_load %arg9[%get3A_697, %get3A_698] {strides = array<i32>} : memref<80x128xf32, #tpu.memory_space<vmem>>, vector<1x16xf32>,
      %get3A_700 = vector.shape_cast %get3A_699 : vector<1x16xf32> to vector<16xf32>
      %get3A_701 = arith.index_cast %add3A_604 : i32 to index
      %get3A_702 = arith.constant 64 : index
      %get3A_703 = tpu.vector_load %arg10[%get3A_701, %get3A_702] {strides = array<i32>} : memref<80x256xf32, #tpu.memory_space<vmem>>, vector<1x16xf32>,
      %get3A_704 = vector.shape_cast %get3A_703 : vector<1x16xf32> to vector<16xf32>
      %get3A_705 = arith.index_cast %add3A_604 : i32 to index
      %get3A_706 = arith.constant 192 : index
      %get3A_707 = tpu.vector_load %arg10[%get3A_705, %get3A_706] {strides = array<i32>} : memref<80x256xf32, #tpu.memory_space<vmem>>, vector<1x16xf32>,
      %get3A_708 = vector.shape_cast %get3A_707 : vector<1x16xf32> to vector<16xf32>
      %mul3A_709 = arith.mulf %get3A_696, %get3A_704 : vector<16xf32>
      %mul3A_710 = arith.mulf %get3A_700, %get3A_708 : vector<16xf32>
      %sub3A_711 = arith.subf %mul3A_709, %mul3A_710 : vector<16xf32>
      %abs3A_712 = math.absf %sub3A_711 : vector<16xf32>
      %add3A_713 = arith.addf %add3A_671, %abs3A_712 : vector<16xf32>
      %get3A_714 = arith.index_cast %add3A_604 : i32 to index
      %get3A_715 = arith.constant 80 : index
      %get3A_716 = tpu.vector_load %arg8[%get3A_714, %get3A_715] {strides = array<i32>} : memref<80x128xf32, #tpu.memory_space<vmem>>, vector<1x16xf32>,
      %get3A_717 = vector.shape_cast %get3A_716 : vector<1x16xf32> to vector<16xf32>
      %get3A_718 = arith.index_cast %add3A_604 : i32 to index
      %get3A_719 = arith.constant 80 : index
      %get3A_720 = tpu.vector_load %arg9[%get3A_718, %get3A_719] {strides = array<i32>} : memref<80x128xf32, #tpu.memory_space<vmem>>, vector<1x16xf32>,
      %get3A_721 = vector.shape_cast %get3A_720 : vector<1x16xf32> to vector<16xf32>
      %get3A_722 = arith.index_cast %add3A_604 : i32 to index
      %get3A_723 = arith.constant 80 : index
      %get3A_724 = tpu.vector_load %arg10[%get3A_722, %get3A_723] {strides = array<i32>} : memref<80x256xf32, #tpu.memory_space<vmem>>, vector<1x16xf32>,
      %get3A_725 = vector.shape_cast %get3A_724 : vector<1x16xf32> to vector<16xf32>
      %get3A_726 = arith.index_cast %add3A_604 : i32 to index
      %get3A_727 = arith.constant 208 : index
      %get3A_728 = tpu.vector_load %arg10[%get3A_726, %get3A_727] {strides = array<i32>} : memref<80x256xf32, #tpu.memory_space<vmem>>, vector<1x16xf32>,
      %get3A_729 = vector.shape_cast %get3A_728 : vector<1x16xf32> to vector<16xf32>
      %mul3A_730 = arith.mulf %get3A_717, %get3A_725 : vector<16xf32>
      %mul3A_731 = arith.mulf %get3A_721, %get3A_729 : vector<16xf32>
      %sub3A_732 = arith.subf %mul3A_730, %mul3A_731 : vector<16xf32>
      %abs3A_733 = math.absf %sub3A_732 : vector<16xf32>
      %add3A_734 = arith.addf %add3A_692, %abs3A_733 : vector<16xf32>
      %get3A_735 = arith.index_cast %add3A_604 : i32 to index
      %get3A_736 = arith.constant 96 : index
      %get3A_737 = tpu.vector_load %arg8[%get3A_735, %get3A_736] {strides = array<i32>} : memref<80x128xf32, #tpu.memory_space<vmem>>, vector<1x16xf32>,
      %get3A_738 = vector.shape_cast %get3A_737 : vector<1x16xf32> to vector<16xf32>
      %get3A_739 = arith.index_cast %add3A_604 : i32 to index
      %get3A_740 = arith.constant 96 : index
      %get3A_741 = tpu.vector_load %arg9[%get3A_739, %get3A_740] {strides = array<i32>} : memref<80x128xf32, #tpu.memory_space<vmem>>, vector<1x16xf32>,
      %get3A_742 = vector.shape_cast %get3A_741 : vector<1x16xf32> to vector<16xf32>
      %get3A_743 = arith.index_cast %add3A_604 : i32 to index
      %get3A_744 = arith.constant 96 : index
      %get3A_745 = tpu.vector_load %arg10[%get3A_743, %get3A_744] {strides = array<i32>} : memref<80x256xf32, #tpu.memory_space<vmem>>, vector<1x16xf32>,
      %get3A_746 = vector.shape_cast %get3A_745 : vector<1x16xf32> to vector<16xf32>
      %get3A_747 = arith.index_cast %add3A_604 : i32 to index
      %get3A_748 = arith.constant 224 : index
      %get3A_749 = tpu.vector_load %arg10[%get3A_747, %get3A_748] {strides = array<i32>} : memref<80x256xf32, #tpu.memory_space<vmem>>, vector<1x16xf32>,
      %get3A_750 = vector.shape_cast %get3A_749 : vector<1x16xf32> to vector<16xf32>
      %mul3A_751 = arith.mulf %get3A_738, %get3A_746 : vector<16xf32>
      %mul3A_752 = arith.mulf %get3A_742, %get3A_750 : vector<16xf32>
      %sub3A_753 = arith.subf %mul3A_751, %mul3A_752 : vector<16xf32>
      %abs3A_754 = math.absf %sub3A_753 : vector<16xf32>
      %add3A_755 = arith.addf %add3A_713, %abs3A_754 : vector<16xf32>
      %get3A_756 = arith.index_cast %add3A_604 : i32 to index
      %get3A_757 = arith.constant 112 : index
      %get3A_758 = tpu.vector_load %arg8[%get3A_756, %get3A_757] {strides = array<i32>} : memref<80x128xf32, #tpu.memory_space<vmem>>, vector<1x16xf32>,
      %get3A_759 = vector.shape_cast %get3A_758 : vector<1x16xf32> to vector<16xf32>
      %get3A_760 = arith.index_cast %add3A_604 : i32 to index
      %get3A_761 = arith.constant 112 : index
      %get3A_762 = tpu.vector_load %arg9[%get3A_760, %get3A_761] {strides = array<i32>} : memref<80x128xf32, #tpu.memory_space<vmem>>, vector<1x16xf32>,
      %get3A_763 = vector.shape_cast %get3A_762 : vector<1x16xf32> to vector<16xf32>
      %get3A_764 = arith.index_cast %add3A_604 : i32 to index
      %get3A_765 = arith.constant 112 : index
      %get3A_766 = tpu.vector_load %arg10[%get3A_764, %get3A_765] {strides = array<i32>} : memref<80x256xf32, #tpu.memory_space<vmem>>, vector<1x16xf32>,
      %get3A_767 = vector.shape_cast %get3A_766 : vector<1x16xf32> to vector<16xf32>
      %get3A_768 = arith.index_cast %add3A_604 : i32 to index
      %get3A_769 = arith.constant 240 : index
      %get3A_770 = tpu.vector_load %arg10[%get3A_768, %get3A_769] {strides = array<i32>} : memref<80x256xf32, #tpu.memory_space<vmem>>, vector<1x16xf32>,
      %get3A_771 = vector.shape_cast %get3A_770 : vector<1x16xf32> to vector<16xf32>
      %mul3A_772 = arith.mulf %get3A_759, %get3A_767 : vector<16xf32>
      %mul3A_773 = arith.mulf %get3A_763, %get3A_771 : vector<16xf32>
      %sub3A_774 = arith.subf %mul3A_772, %mul3A_773 : vector<16xf32>
      %abs3A_775 = math.absf %sub3A_774 : vector<16xf32>
      %add3A_776 = arith.addf %add3A_734, %abs3A_775 : vector<16xf32>
      %add3A_777 = arith.addf %add3A_755, %add3A_776 : vector<16xf32>
      %mul3A_778 = arith.constant 16 : i32
      %mul3A_779 = arith.muli %add3A_604, %mul3A_778 : i32
      %swap3A_780 = arith.index_cast %mul3A_779 : i32 to index
      %swap3A_781 = tpu.vector_load %arg11[%swap3A_780] {strides = array<i32>} : memref<1280xf32, #tpu.memory_space<vmem>>, vector<16xf32>,
      %swap3A_782 = vector.shape_cast %swap3A_781 : vector<16xf32> to vector<16xf32>
      %swap3A_783 = vector.shape_cast %add3A_777 : vector<16xf32> to vector<16xf32>
      tpu.vector_store %arg11[%swap3A_780], %swap3A_783 {strides = array<i32>} : memref<1280xf32, #tpu.memory_space<vmem>>, vector<16xf32>,
    }
    %scan3A_49 = arith.constant 20 : i32
    %mul3A_50 = arith.constant 10000 : i32
    %mul3A_51 = arith.muli %add3A, %mul3A_50 : i32
    %add3A_52 = arith.constant 9920 : i32
    %add3A_53 = arith.addi %mul3A_51, %add3A_52 : i32
    %mul3A_54 = arith.constant 16 : i32
    %mul3A_55 = arith.muli %add3A_53, %mul3A_54 : i32
    "tpu.region"() ({
      %run_scoped3A = tpu.sem_alloc : memref<!tpu.dma_semaphore, #tpu.memory_space<semaphore_mem>>
      %dma_start3A_56 = tpu.memref_slice %arg5[%mul3A_55] : memref<5120000xf32, #tpu.memory_space<hbm>> -> memref<1280xf32, #tpu.memory_space<hbm>>
      %dma_start3A_57 = tpu.memref_slice %arg5[%mul3A_55] : memref<5120000xf32, #tpu.memory_space<hbm>> -> memref<1280xf32, #tpu.memory_space<hbm>>
      tpu.enqueue_dma source(%arg11 : memref<1280xf32, #tpu.memory_space<vmem>>) target(%dma_start3A_57 : memref<1280xf32, #tpu.memory_space<hbm>>) target_semaphore(%run_scoped3A : memref<!tpu.dma_semaphore, #tpu.memory_space<semaphore_mem>>)
      %dma_wait3A_58 = tpu.memref_slice %arg5[%mul3A_55] : memref<5120000xf32, #tpu.memory_space<hbm>> -> memref<1280xf32, #tpu.memory_space<hbm>>
      %dma_wait3A_59 = tpu.memref_slice %arg5[%mul3A_55] : memref<5120000xf32, #tpu.memory_space<hbm>> -> memref<1280xf32, #tpu.memory_space<hbm>>
      tpu.wait_dma2 semaphore(%run_scoped3A : memref<!tpu.dma_semaphore, #tpu.memory_space<semaphore_mem>>) src(%arg11 : memref<1280xf32, #tpu.memory_space<vmem>>) dst(%dma_wait3A_59 : memref<1280xf32, #tpu.memory_space<hbm>>)
      tpu.yield
    }) : () -> ()
    return
  }
}

module attributes {stable_mosaic.version = 14 : i64} {
  func.func @_normalize_body(%arg0: i32, %arg1: memref<1000x128xf32, #tpu.memory_space<vmem>>, %arg2: memref<1000x128xf32, #tpu.memory_space<vmem>>) attributes {dimension_semantics = [#tpu.dimension_semantics<arbitrary>], iteration_bounds = array<i64: 10>, scalar_prefetch = 0 : i64, scratch_operands = 0 : i64, tpu.core_type = #tpu.core_type<tc>, window_params = [{transform_indices = @transform_0, window_bounds = array<i64: 1000, 128>}, {transform_indices = @transform_1, window_bounds = array<i64: 1000, 128>}]} {
    %get3A = arith.constant 0 : index
    %get3A_0 = arith.constant 0 : index
    %get3A_1 = vector.load %arg1[%get3A, %get3A_0] : memref<1000x128xf32, #tpu.memory_space<vmem>>, vector<1000x128xf32>
    %mul3A = arith.mulf %get3A_1, %get3A_1 : vector<1000x128xf32>
    %reduce_sum3A = arith.constant dense<0.000000e+00> : vector<1000xf32>
    %reduce_sum3A_2 = vector.multi_reduction <add>, %mul3A, %reduce_sum3A [1] : vector<1000x128xf32> to vector<1000xf32>
    %broadcast_in_dim3A = vector.shape_cast %reduce_sum3A_2 : vector<1000xf32> to vector<1000x1xf32>
    %sqrt3A = math.sqrt %broadcast_in_dim3A : vector<1000x1xf32>
    %max3A = arith.constant 9.99999996E-13 : f32
    %max3A_3 = vector.broadcast %max3A : f32 to vector<1000x1xf32>
    %max3A_4 = arith.maximumf %sqrt3A, %max3A_3 : vector<1000x1xf32>
    %div3A = vector.broadcast %max3A_4 : vector<1000x1xf32> to vector<1000x128xf32>
    %div3A_5 = arith.divf %get3A_1, %div3A : vector<1000x128xf32>
    %swap3A = arith.constant 0 : index
    %swap3A_6 = arith.constant 0 : index
    %swap3A_7 = vector.load %arg2[%swap3A, %swap3A_6] : memref<1000x128xf32, #tpu.memory_space<vmem>>, vector<1000x128xf32>
    tpu.vector_store %arg2[%swap3A, %swap3A_6], %div3A_5 {strides = array<i32>} : memref<1000x128xf32, #tpu.memory_space<vmem>>, vector<1000x128xf32>,
    return
  }
  func.func @transform_0(%arg0: i32) -> (i32, i32) {
    %c0_i32 = arith.constant 0 : i32
    %c0_i32_0 = arith.constant 0 : i32
    return %arg0, %c0_i32 : i32, i32
  }
  func.func @transform_1(%arg0: i32) -> (i32, i32) {
    %c0_i32 = arith.constant 0 : i32
    %c0_i32_0 = arith.constant 0 : i32
    return %arg0, %c0_i32 : i32, i32
  }
}

module attributes {stable_mosaic.version = 14 : i64} {
  func.func @_finish_body(%arg0: memref<2500x2048xf32, #tpu.memory_space<vmem>>, %arg1: memref<2500x128xf32, #tpu.memory_space<vmem>>) attributes {dimension_semantics = [], scalar_prefetch = 0 : i64, scratch_operands = 0 : i64, tpu.core_type = #tpu.core_type<tc>} {
    %get3A = arith.constant 0 : index
    %get3A_0 = arith.constant 0 : index
    %get3A_1 = vector.load %arg0[%get3A, %get3A_0] : memref<2500x2048xf32, #tpu.memory_space<vmem>>, vector<2500x2048xf32>
    %iota3A = tpu.iota {dimensions = array<i32: 0>} : vector<2048x128xi32>
    %iota3A_2 = tpu.iota {dimensions = array<i32: 1>} : vector<2048x128xi32>
    %jit3A = arith.constant 16 : i32
    %div3A = vector.broadcast %jit3A : i32 to vector<2048x128xi32>
    %div3A_3 = arith.divsi %iota3A, %div3A : vector<2048x128xi32>
    %sign3A = arith.constant 0 : i32
    %sign3A_4 = vector.broadcast %sign3A : i32 to vector<2048x128xi32>
    %sign3A_5 = arith.cmpi sgt, %iota3A, %sign3A_4 : vector<2048x128xi32>
    %sign3A_6 = arith.extui %sign3A_5 : vector<2048x128xi1> to vector<2048x128xi32>
    %sign3A_7 = arith.constant 0 : i32
    %sign3A_8 = vector.broadcast %sign3A_7 : i32 to vector<2048x128xi32>
    %sign3A_9 = arith.cmpi slt, %iota3A, %sign3A_8 : vector<2048x128xi32>
    %sign3A_10 = arith.extui %sign3A_9 : vector<2048x128xi1> to vector<2048x128xi32>
    %sign3A_11 = arith.subi %sign3A_6, %sign3A_10 : vector<2048x128xi32>
    %sign3A_12 = arith.constant 0 : i32
    %sign3A_13 = arith.cmpi sgt, %jit3A, %sign3A_12 : i32
    %sign3A_14 = arith.extui %sign3A_13 : i1 to i32
    %sign3A_15 = arith.constant 0 : i32
    %sign3A_16 = arith.cmpi slt, %jit3A, %sign3A_15 : i32
    %sign3A_17 = arith.extui %sign3A_16 : i1 to i32
    %sign3A_18 = arith.subi %sign3A_14, %sign3A_17 : i32
    %ne3A = vector.broadcast %sign3A_18 : i32 to vector<2048x128xi32>
    %ne3A_19 = arith.cmpi ne, %sign3A_11, %ne3A : vector<2048x128xi32>
    %rem3A = vector.broadcast %jit3A : i32 to vector<2048x128xi32>
    %rem3A_20 = arith.remsi %iota3A, %rem3A : vector<2048x128xi32>
    %ne3A_21 = arith.constant 0 : i32
    %ne3A_22 = vector.broadcast %ne3A_21 : i32 to vector<2048x128xi32>
    %ne3A_23 = arith.cmpi ne, %rem3A_20, %ne3A_22 : vector<2048x128xi32>
    %and3A = arith.andi %ne3A_19, %ne3A_23 : vector<2048x128xi1>
    %sub3A = arith.constant 1 : i32
    %sub3A_24 = vector.broadcast %sub3A : i32 to vector<2048x128xi32>
    %sub3A_25 = arith.subi %div3A_3, %sub3A_24 : vector<2048x128xi32>
    %select_n3A = arith.select %and3A, %sub3A_25, %div3A_3 : vector<2048x128xi1>, vector<2048x128xi32>
    %eq3A = arith.cmpi eq, %select_n3A, %iota3A_2 : vector<2048x128xi32>
    %jit3A_26 = arith.constant 1.000000e+00 : f32
    %jit3A_27 = arith.constant 0.000000e+00 : f32
    %broadcast_in_dim3A = vector.broadcast %jit3A_26 : f32 to vector<2048x128xf32>
    %broadcast_in_dim3A_28 = vector.broadcast %jit3A_27 : f32 to vector<2048x128xf32>
    %select_n3A_29 = arith.select %eq3A, %broadcast_in_dim3A, %broadcast_in_dim3A_28 : vector<2048x128xi1>, vector<2048x128xf32>
    %dot_general3A = arith.constant dense<0.000000e+00> : vector<2500x128xf32>
    %dot_general3A_30 = tpu.matmul %get3A_1, %select_n3A_29, %dot_general3A {dimension_numbers = #tpu.dot_dimension_numbers<[1], [0], [0], [1], [0, 0, 1, 1], [], []>, precision = #tpu.contract_precision<fp32>, transpose_lhs_hint = false} : vector<2500x2048xf32>, vector<2048x128xf32>, vector<2500x128xf32> -> vector<2500x128xf32>
    %sub3A_31 = arith.constant 1.200000e+01 : f32
    %sub3A_32 = vector.broadcast %sub3A_31 : f32 to vector<2500x128xf32>
    %sub3A_33 = arith.subf %sub3A_32, %dot_general3A_30 : vector<2500x128xf32>
    %swap3A = arith.constant 0 : index
    %swap3A_34 = arith.constant 0 : index
    %swap3A_35 = vector.load %arg1[%swap3A, %swap3A_34] : memref<2500x128xf32, #tpu.memory_space<vmem>>, vector<2500x128xf32>
    tpu.vector_store %arg1[%swap3A, %swap3A_34], %sub3A_33 {strides = array<i32>} : memref<2500x128xf32, #tpu.memory_space<vmem>>, vector<2500x128xf32>,
    return
  }
}

</mosaic_0001>

<sc_bundles>
// kernel: kernel.5.cloned.1.call-start
scs
__scs_entry_jumppad:
0x0: {  	(pc) =	sbr.rel $0x88, $3  }
0x1: {  	(tag) =	ssettag $0x0;
	lr =	simm.s32 $0x1  }
0x2: {  	[smem:$0x3F9E] =	sst lr;
	_ =	strace $0xD0000000  }
0x3: {  	_ = 	snop  }
0x4: {  	_ = 	snop  }
0x5: {  	_ = 	snop  }
0x6: {  	_ = 	snop  }
0x7: {  	_ = 	snop  }
__scs_overlays_trampoline_lowered:
0x8: {  	[smem:$0x3FAD] =	sst s0  }
0x9: {  	[smem:$0x3FAE] =	sst s1  }
0xa: {  	[smem:$0x3FAF] =	sst s2  }
0xb: {  	[smem:$0x3FB0] =	sst s3  }
0xc: {  	[smem:$0x3FB1] =	sst s4  }
0xd: {  	[smem:$0x3FB2] =	sst s5  }
0xe: {  	[smem:$0x3FB3] =	sst s6  }
0xf: {  	[smem:$0x3FB4] =	sst s7  }
0x10: {  	[smem:$0x3FB5] =	sst s8  }
0x11: {  	[smem:$0x3FB6] =	sst s9;
	s0 =	simm.s32 @!p0 $0x0  }
0x12: {  	s1 =	sld [smem:$0x3F9C];
	s0 =	simm.s32 @p0 $0x1  }
0x13: {  	[smem:$0x3FB7] =	sst s0;
	s0 =	simm.s32 @!p1 $0x0  }
0x14: {  	s2 =	sld [smem:$0x3F9B];
	s0 =	simm.s32 @p1 $0x1  }
0x15: {  	[smem:$0x3FB8] =	sst s0;
	s0 =	simm.s32 @!p2 $0x0  }
0x16: {  	s3 =	sld [smem:$0x3FDB];
	s0 =	simm.s32 @p2 $0x1  }
0x17: {  	s4 =	simm.s32 $0x1BF5;
	[smem:$0x3FBA] =	sst s0  }
0x18: {  	s0 =	sld [smem:$0x3F9D];
	_ =	swait.ge [sflag:s4], $0x0  }
0x19: {  	s7 =	sld [smem:$0x3F9E]  }
0x1a: {  	s8 =	sadd.s32 $0xFFFFE003, lr  }
0x1b: {  	s9 =	sadd.s32 $0xFFFFFEF7, lr;
	s5 =	simm.s32 $0xFFFFFFFF;
	p2 =	slt.u32 s8, $0xFFFFF086  }
0x1c: {  	p1 =	slt.u32 s9, $0xF7A;
	s5 =	simm.s32 @!p2 $0x0  }
0x1d: {  	s5 =	simm.s32 @p1 $0x1;
	p0 =	seq.s32 s7, s2  }
0x1e: {  	s7 =	smul.u32 @!p0 $0xF7A, s2;
	p2 =	seq.s32 @!p0 s5, $0x0  }
0x1f: {  	s9 =	smul.u32 $0xF7A, s1;
	s8 =	simm.s32 @!p0 $0x1BF5;
	p2 =	por !p2, p0  }
0x20: {  	[sflag:s8] =	ssyncset.s32 @!p0 $0xFFFFF086;
	s6 =	sadd.s32 @!p0 s3, s7;
	s7 =	simm.s32 @!p0 $0x108  }
0x21: {  	s3 =	sadd.s32 s3, s9;
	s6 =	sadd.s32 @!p0 $0x88, s6;
	s7 =	simm.s32 @p2 $0x1082  }
0x22: {  	[simem:s7], [sflag:s8] =	dma.local @!p0 [hbm:s6], $0xF7A  }
0x23: {  	s9 =	sor.u32 $0xD0000000, s2;
	s6 =	simm.s32 $0x108;
	_ =	swait.ge @!p0 [sflag:s8], $0x0  }
0x24: {  	s3 =	sadd.s32 $0x88, s3;
	s6 =	simm.s32 @!p1 $0x1082;
	[sflag:s4] =	ssyncset.s32 $0xFFFFF086  }
0x25: {  	[simem:s6], [sflag:s4] =	dma.local [hbm:s3], $0xF7A  }
0x26: {  	[smem:$0x3F9E] =	sst s1;
	(tag) =	ssettag s2;
	_ =	strace s9  }
0x27: {  	s1 =	sld [smem:$0x3FAE]  }
0x28: {  	s2 =	sld [smem:$0x3FAF]  }
0x29: {  	s4 =	sld [smem:$0x3FB1]  }
0x2a: {  	p0 =	seq.s32 s5, $0x0;
	s5 =	sld [smem:$0x3FB2]  }
0x2b: {  	s6 =	sld [smem:$0x3FB3]  }
0x2c: {  	s7 =	sld [smem:$0x3FB4]  }
0x2d: {  	s3 =	simm.s32 $0x108;
	s8 =	sld [smem:$0x3FB5]  }
0x2e: {  	s3 =	simm.s32 @!p0 $0x1082;
	s9 =	sld [smem:$0x3FB6]  }
0x2f: {  	lr =	sadd.s32 s0, s3;
	s0 =	sld [smem:$0x3FAD]  }
0x30: {  	s3 =	sld [smem:$0x3FB0]  }
0x31: {  	[smem:$0x3FB9] =	sst s10  }
0x32: {  	s10 =	sld [smem:$0x3FB7];
	_ =	sdelay $0x3  }
0x33: {  	p0 =	seq.s32 s10, $0x1;
	s10 =	sld [smem:$0x3FB9];
	_ =	sdelay $0x3  }
0x34: {  	[smem:$0x3FB9] =	sst s10  }
0x35: {  	s10 =	sld [smem:$0x3FB8];
	_ =	sdelay $0x3  }
0x36: {  	p1 =	seq.s32 s10, $0x1;
	s10 =	sld [smem:$0x3FB9];
	_ =	sdelay $0x3  }
0x37: {  	[smem:$0x3FB9] =	sst s10  }
0x38: {  	s10 =	sld [smem:$0x3FBA]  }
0x39: {  	_ = 	snop;
	(pc) =	sbr.ind lr, $3  }
0x3a: {  	_ = 	snop  }
0x3b: {  	_ = 	snop  }
0x3c: {  	p2 =	seq.s32 s10, $0x1;
	s10 =	sld [smem:$0x3FB9]  }
0x3d: {  	_ =	shalt  }
0x3e: {  	_ =	shalt  }
0x3f: {  	_ =	shalt  }
0x40: {  	_ =	shalt  }
0x41: {  	_ =	shalt  }
0x42: {  	_ =	shalt  }
0x43: {  	_ =	shalt  }
0x44: {  	_ =	shalt  }
0x45: {  	_ =	shalt  }
0x46: {  	_ =	shalt  }
0x47: {  	_ =	shalt  }
0x48: {  	_ =	shalt  }
0x49: {  	_ =	shalt  }
0x4a: {  	_ =	shalt  }
0x4b: {  	_ =	shalt  }
0x4c: {  	_ =	shalt  }
0x4d: {  	_ =	shalt  }
0x4e: {  	_ =	shalt  }
0x4f: {  	_ =	shalt  }
0x50: {  	_ =	shalt  }
0x51: {  	_ =	shalt  }
0x52: {  	_ =	shalt  }
0x53: {  	_ =	shalt  }
0x54: {  	_ =	shalt  }
0x55: {  	_ =	shalt  }
0x56: {  	_ =	shalt  }
0x57: {  	_ =	shalt  }
0x58: {  	_ =	shalt  }
0x59: {  	_ =	shalt  }
0x5a: {  	_ =	shalt  }
0x5b: {  	_ =	shalt  }
0x5c: {  	_ =	shalt  }
0x5d: {  	_ =	shalt  }
0x5e: {  	_ =	shalt  }
0x5f: {  	_ =	shalt  }
0x60: {  	_ =	shalt  }
0x61: {  	_ =	shalt  }
0x62: {  	_ =	shalt  }
0x63: {  	_ =	shalt  }
0x64: {  	_ =	shalt  }
0x65: {  	_ =	shalt  }
0x66: {  	_ =	shalt  }
0x67: {  	_ =	shalt  }
0x68: {  	_ =	shalt  }
0x69: {  	_ =	shalt  }
0x6a: {  	_ =	shalt  }
0x6b: {  	_ =	shalt  }
0x6c: {  	_ =	shalt  }
0x6d: {  	_ =	shalt  }
0x6e: {  	_ =	shalt  }
0x6f: {  	_ =	shalt  }
0x70: {  	_ =	shalt  }
0x71: {  	_ =	shalt  }
0x72: {  	_ =	shalt  }
0x73: {  	_ =	shalt  }
0x74: {  	_ =	shalt  }
0x75: {  	_ =	shalt  }
0x76: {  	_ =	shalt  }
0x77: {  	_ =	shalt  }
0x78: {  	_ =	shalt  }
0x79: {  	_ =	shalt  }
0x7a: {  	_ =	shalt  }
0x7b: {  	_ =	shalt  }
0x7c: {  	_ =	shalt  }
0x7d: {  	_ =	shalt  }
0x7e: {  	_ =	shalt  }
0x7f: {  	_ =	shalt  }
0x80: {  	_ =	shalt  }
0x81: {  	_ =	shalt  }
0x82: {  	_ =	shalt  }
0x83: {  	_ =	shalt  }
0x84: {  	_ =	shalt  }
0x85: {  	_ =	shalt  }
0x86: {  	_ =	shalt  }
0x87: {  	_ =	shalt  }
.Lfunc_end0:
.L_simem_size_0:
called_computation_lowered:
.L_overlay_start_0:
0x88: {  	s2 =	sld [smem:$0x3FD9]  }
0x89: {  	s3 =	sld [smem:$0x3FFE];
	_ =	sdelay $0x1  }
0x8a: {  	s1 =	srdreg.scid  }
0x8b: {  	s0 =	sand.u32 $0x1, s1  }
0x8c: {  	s17 =	sshll.u32 s0, $0xA;
	s2 =	sadd.s32 s3, s2  }
0x8d: {  	s2 =	sadd.s32 s2, s17  }
0x8e: {  	[smem:$0x3FC5] =	sst s2  }
0x8f: {  	_ = 	snop  }
0x90: {  	s2 =	sld [smem:$0x3FC7];
	(tm) =	ssettm $0x1  }
0x91: {  	s18 =	sld [smem:$0x3FFB];
	_ =	sdelay $0x3  }
0x92: {  	_ =	strace s18  }
0x93: {  	s3 =	sld [smem:$0x3FFC];
	_ =	sdelay $0x3  }
0x94: {  	_ =	strace s3  }
0x95: {  	s3 =	sld [smem:$0x3FFD];
	_ =	sdelay $0x3  }
0x96: {  	_ =	strace s3  }
0x97: {  	_ =	strace $0x8FFFFFFF  }
0x98: {  	s19 =	sld [smem:$0x3FDB];
	_ =	sdelay $0x1  }
0x99: {  	s4 =	simm.s32 $_scs_section_size  }
0x9a: {  	s5 =	simm.s32 $_size__tile_overlayer_lowered;
	s6 =	simm.s32 $_tile_overlayer_lowered  }
0x9b: {  	s22 =	simm.s32 $0x1BFF;
	s21 =	sshll.u32 s6, $0x1;
	s3 =	sadd.s32 s4, s19  }
0x9c: {  	s7 =	simm.s32 $0x0;
	s20 =	sshll.u32 s5, $0x1;
	s5 =	sadd.s32 s21, s3  }
0x9d: {  	[timem:s7], [sflag:s22] =	dma.local [hbm:s5], s20  }
0x9e: {  	_ =	swait.ge [sflag:s22], s20  }
0x9f: {  	s4 =	ssub.s32 $0x0, s20;
	[sflag:s22] =	ssyncset.done $0x0  }
0xa0: {  	[sflag:s22] =	ssyncadd.s32 s4;
	_ =	sdelay $0x1  }
0xa1: {  	s23 =	simm.s32 $0x1B8B  }
0xa2: {  	_ =	swait.ge [sflag:s23], $0x1  }
0xa3: {  	[sflag:s23] =	ssyncset.done $0x0  }
0xa4: {  	s25 =	simm.s32 $0x1B8E;
	s24 =	sld [smem:$0x3FFE];
	[sflag:s23] =	ssyncadd.s32 $0xFFFFFFFF  }
0xa5: {  	s26 =	simm.s32 $execute0_lowered;
	[smem:$0x3FD2] =	sst s25  }
0xa6: {  	s5 =	sshll.u32 s26, $0x1;
	_ =	strace $0x80000046;
	[dreg:$0x1] =	wrdreg $0xFFFFFFFF  }
0xa7: {  	s28 =	simm.s32 $_size_execute0_lowered;
	s3 =	sadd.s32 s3, s5;
	[dreg:$0x0] =	wrdreg $0x0  }
0xa8: {  	s5 =	sshll.u32 s28, $0x1;
	[dreg:$0x2] =	wrdreg s3  }
0xa9: {  	[dreg:$0x3] =	wrdreg s5  }
0xaa: {  	[dreg:$0x4] =	wrdreg $0xC0  }
0xab: {  	_ =	task [dreg:s7], $0x5FFFF  }
0xac: {  	[dreg:$0x1] =	wrdreg $0xFFFFFFFF  }
0xad: {  	[dreg:$0x0] =	wrdreg $0x60  }
0xae: {  	[dreg:$0x2] =	wrdreg s24  }
0xaf: {  	[dreg:$0x3] =	wrdreg s2  }
0xb0: {  	[dreg:$0x4] =	wrdreg $0x9  }
0xb1: {  	_ =	task.clear_ibuf [dreg:s7], $0x5FFFF;
	_ =	strace $0x90000046  }
0xb2: {  	s29 =	simm.s32 $0x9;
	_ =	strace $0x80000048  }
0xb3: {  	_ =	swait.ge [sflag:s29], $0x1  }
0xb4: {  	[sflag:s29] =	ssyncadd.s32 $0xFFFFFFFF  }
0xb5: {  	_ =	strace $0x90000048  }
0xb6: {  	_ =	sfence  }
0xb7: {  	s30 =	sld [smem:$0x0];
	_ =	sdelay $0x2  }
0xb8: {  	s31 =	sshll.u32 s1, $0xD;
	s1 =	sshrl.u32 s1, $0x2  }
0xb9: {  	s3 =	sand.u32 $0x4000, s31;
	s1 =	sadd.s32 s1, s30  }
0xba: {  	s0 =	sor.u32 s3, s0;
	s1 =	sshll.u32 s1, $0x11  }
0xbb: {  	s0 =	sor.u32 s1, s0  }
0xbc: {  	s0 =	sadd.s32 $0x8F2B, s0  }
0xbd: {  	[sflag:s0] =	ssyncadd.remote.s32 $0x1  }
0xbe: {  	_ =	sfence.sel $0xFFFF  }
0xbf: {  	[dreg:$0x0] =	wrdreg $0xFFFFFFFF;
	(pc) =	sbr.abs _section_cstart, $3  }
0xc0: {  	[dreg:$0x1] =	wrdreg $0xFFFFFFFF  }
0xc1: {  	_ =	task.clear_ibuf [dreg:s7], $0x2FFFF;
	_ =	strace $0x9FFFFFFF  }
0xc2: {  	(tm) =	ssettm $0x7FFFFFFF  }
0xc3: {  	_ =	shalt  }
tec
execute0_lowered:
.L_overlay_start_1:
0x0: {  	(tag) =	ssettag $0x1  }
0x1: {  	s0 =	rddreg [dreg:$0x0];
	s1 =	srdreg.scid  }
0x2: {  	s3 =	stileid.u32;
	s2 =	rddreg [dreg:$0x1];
	s12 =	simm.s32 $0x7  }
0x3: {  	s14 =	simm.s32 $0x50;
	s16 =	simm.s32 $0x7700;
	s17 =	simm.s32 $0x9F00  }
0x4: {  	s18 =	simm.s32 $0x1;
	s1 =	sand.u32 $0x1, s1;
	s4 =	sshll.u32 s3, $0x1  }
0x5: {  	s19 =	simm.s32 $0x2;
	s20 =	simm.s32 $0x3;
	s7 =	sor.u32 s1, s4  }
0x6: {  	s28 =	simm.s32 $0x6;
	s3 =	simm.s32 $0x0;
	s4 =	smul.u32 $0x2710, s7  }
0x7: {  	s5 =	sadd.s32 $0x14200, s0;
	[smem:$0x7FF] =	sst s3;
	s1 =	ssub.s32 $0x2, s1  }
0x8: {  	_ =	strace $0x80000047;
	s25 =	smul.u32 $0x4E200, s7;
	s6 =	sshrl.u32 s4, $0x3  }
0x9: {  	s8 =	smul.u32 $0x27100, s7;
	s24 =	sshrl.u32 s1, $0x1;
	s9 =	sadd.s32 s6, s0  }
0xa: {  	s6 =	sadd.s32 $0x3B400, s0;
	s0 =	ssub.s32 s1, s24;
	s1 =	sadd.s32 s2, s25  }
0xb: {  	s26 =	sshrl.u32 s8, $0x3;
	s29 =	sadd.s32 $0x800, s9;
	[dreg:$0x5] =	wrdreg s1  }
0xc: {  	s24 =	simm.s32 $0xEF00;
	s30 =	sadd.s32 $0xA440, s9;
	[dreg:$0x3] =	wrdreg s29  }
0xd: {  	s7 =	sadd.s32 s6, s26;
	s0 =	smax.u32 s0, $0x1;
	[dreg:$0x4] =	wrdreg s30  }
0xe: {  	s25 =	simm.s32 $0x4;
	s31 =	sadd.s32 $0x4D80, s7;
	[dreg:$0x7] =	wrdreg s0  }
0xf: {  	s26 =	simm.s32 $0x5;
	s1 =	simm.s32 $0x0;
	[dreg:$0x6] =	wrdreg s31  }
.LBB2_1:
0x10: {  	[dreg:$0x8] =	wrdreg s1  }
0x11: {  	s0 =	rddreg [dreg:$0x3]  }
0x12: {  	[tilespmem:s3], [sflag:$0x7] =	stream.linear.gather [hbm4b:s0+s3], $0x2710, $0x38;
	[tilespmem:$0x19900] =	vst v63  }
0x13: {  	_ =	swait.ge [sflag:s12], $0x2710  }
0x14: {  	[sflag:s12] =	ssyncset.done $0x0  }
0x15: {  	s23 =	simm.s32 $0x2780;
	s22 =	rddreg [dreg:$0x4];
	[sflag:s12] =	ssyncadd.s32 $0xFFFFD8F0  }
0x16: {  	[tilespmem:s23], [sflag:$0x7] =	stream.linear.gather [hbm4b:s22+s3], $0x2710, $0x38;
	[tilespmem:$0x19900] =	vst v63  }
0x17: {  	_ =	swait.ge [sflag:s12], $0x2710  }
0x18: {  	[sflag:s12] =	ssyncset.done $0x0  }
0x19: {  	s29 =	simm.s32 $0x4F00;
	[sflag:s12] =	ssyncadd.s32 $0xFFFFD8F0  }
0x1a: {  	[tilespmem:s29], [sflag:$0x1] =	stream.indirect.gather [hbm4b:s5+s14], $0x80, s3, s14, $0xb8;
	[tilespmem:$0x19900] =	vst v63  }
0x1b: {  	_ = 	snop  }
0x1c: {  	[tilespmem:s16], [sflag:$0x2] =	stream.indirect.gather [hbm4b:s5+s14], $0x80, s23, s14, $0xb8;
	[tilespmem:$0x19900] =	vst v63  }
0x1d: {  	s31 =	simm.s32 $0x0;
	s30 =	rddreg [dreg:$0x5]  }
0x1e: {  	[tilespmem:s17], [sflag:$0x3] =	stream.linear.gather [hbm4b:s30+s3], $0x5000, $0x38;
	[tilespmem:$0x19900] =	vst v63  }
.LBB2_2:
0x1f: {  	_ =	swait.ge [sflag:s18], $0x2800  }
0x20: {  	[sflag:s18] =	ssyncset.done $0x0  }
0x21: {  	[sflag:s18] =	ssyncadd.s32 $0xFFFFD800  }
0x22: {  	_ =	swait.ge [sflag:s19], $0x2800  }
0x23: {  	[sflag:s19] =	ssyncset.done $0x0  }
0x24: {  	[sflag:s19] =	ssyncadd.s32 $0xFFFFD800  }
0x25: {  	s0 =	smul.u32 $0xA0, s31;
	_ =	swait.ge [sflag:s20], $0x5000  }
0x26: {  	s7 =	simm.s32 $0xF400;
	s8 =	simm.s32 $0x11C00;
	[sflag:s20] =	ssyncset.done $0x0  }
0x27: {  	s13 =	simm.s32 $0x0;
	s1 =	sadd.s32 $0x50, s0;
	[sflag:s20] =	ssyncadd.s32 $0xFFFFB000  }
0x28: {  	[tilespmem:s7], [sflag:$0x4] =	stream.indirect.gather [hbm4b:s5+s14], $0x80, s1, s14, $0xb8;
	[tilespmem:$0x19900] =	vst v63  }
0x29: {  	s29 =	simm.s32 $0x14400;
	p0 =	por $0x0, $0x0;
	s1 =	sadd.s32 s4, s1  }
0x2a: {  	s9 =	simm.s32 $0x7800;
	s22 =	sadd.s32 $0x27D0, s0;
	s23 =	sshll.u32 s1, $0x5  }
0x2b: {  	[tilespmem:s8], [sflag:$0x5] =	stream.indirect.gather [hbm4b:s5+s14], $0x80, s22, s14, $0xb8;
	[tilespmem:$0x19900] =	vst v63  }
0x2c: {  	s10 =	simm.s32 $0x0;
	s11 =	simm.s32 $0x0;
	s7 =	sadd.s32 s2, s23  }
0x2d: {  	[tilespmem:s29], [sflag:$0x6] =	stream.linear.gather [hbm4b:s7+s13], $0x5000, $0x38;
	[tilespmem:$0x19900] =	vst v63  }
0x2e: {  	s30 =	simm.s32 $0x0;
	s8 =	simm.s32 $0x5000;
	s7 =	simm.s32 $0xEF20  }
.LBB2_3:
0x2f: {  	v0 =	vld [tilespmem:s8+$0xFFFFFF00]  }
0x30: {  	v1 =	vld [tilespmem:s9+$0xFFFFFF00]  }
0x31: {  	v4 =	vld [tilespmem:s8+$0xFFFFFF10]  }
0x32: {  	v5 =	vld [tilespmem:s9+$0xFFFFFF10]  }
0x33: {  	v8 =	vld [tilespmem:s8+$0xFFFFFF20]  }
0x34: {  	v9 =	vld [tilespmem:s9+$0xFFFFFF20]  }
0x35: {  	v12 =	vld [tilespmem:s8+$0xFFFFFF30]  }
0x36: {  	v13 =	vld [tilespmem:s9+$0xFFFFFF30]  }
0x37: {  	v16 =	vld [tilespmem:s8+$0xFFFFFF40]  }
0x38: {  	v17 =	vld [tilespmem:s9+$0xFFFFFF40]  }
0x39: {  	v20 =	vld [tilespmem:s8+$0xFFFFFF50]  }
0x3a: {  	v21 =	vld [tilespmem:s9+$0xFFFFFF50]  }
0x3b: {  	s21 =	simm.s32 $0x1;
	v24 =	vld [tilespmem:s8+$0xFFFFFF60]  }
0x3c: {  	s22 =	sand.u32 $0x7800, s30;
	v25 =	vld [tilespmem:s9+$0xFFFFFF60];
	s21 =	simm.s32 @!p0 $0x0  }
0x3d: {  	s29 =	sand.u32 $0x200, s11;
	v57 =	vld [tilespmem:s8+$0xFFFFFF70];
	s23 =	sshll.u32 s21, $0x9;
	s21 =	sadd.s32 $0x9F00, s22  }
0x3e: {  	v60 =	vld [tilespmem:s9+$0xFFFFFF70];
	s22 =	sadd.s32 s29, s21  }
0x3f: {  	v2 =	vld [tilespmem:s22+$0x0]  }
0x40: {  	v6 =	vld [tilespmem:s22+$0x10]  }
0x41: {  	v10 =	vld [tilespmem:s22+$0x20]  }
0x42: {  	v14 =	vld [tilespmem:s22+$0x30]  }
0x43: {  	v18 =	vld [tilespmem:s22+$0x40]  }
0x44: {  	v22 =	vld [tilespmem:s22+$0x50]  }
0x45: {  	s23 =	sadd.s32 s23, s30;
	v26 =	vld [tilespmem:s22+$0x60]  }
0x46: {  	s15 =	sor.u32 $0x400, s23;
	v63 =	vld [tilespmem:s22+$0x70]  }
0x47: {  	v3 =	vld [tilespmem:s15+$0x9F00];
	s15 =	sor.u32 $0x410, s23  }
0x48: {  	v7 =	vld [tilespmem:s15+$0x9F00];
	s15 =	sor.u32 $0x420, s23  }
0x49: {  	v11 =	vld [tilespmem:s15+$0x9F00];
	s15 =	sor.u32 $0x430, s23  }
0x4a: {  	v15 =	vld [tilespmem:s15+$0x9F00];
	s15 =	sor.u32 $0x440, s23;
	v0 =	vmul.f32 v2, v0;
	v55 =	vmul.f32 v6, v4  }
0x4b: {  	v19 =	vld [tilespmem:s15+$0x9F00];
	s15 =	sor.u32 $0x450, s23;
	v58 =	vmul.f32 v10, v8;
	v61 =	vmul.f32 v14, v12  }
0x4c: {  	v28 =	vmul.f32 v18, v16;
	v23 =	vld [tilespmem:s15+$0x9F00];
	s15 =	sor.u32 $0x460, s23;
	v1 =	vmul.f32 v3, v1  }
0x4d: {  	v30 =	vmul.f32 v22, v20;
	s23 =	sor.u32 $0x470, s23;
	v54 =	vld [tilespmem:s15+$0x9F00];
	v56 =	vmul.f32 v7, v5  }
0x4e: {  	v32 =	vmul.f32 v26, v24;
	v27 =	vld [tilespmem:s23+$0x9F00];
	v0 =	vsub.f32 v0, v1;
	v59 =	vmul.f32 v11, v9  }
0x4f: {  	v5 =	vmul.f32 v63, v57;
	v3 =	vsub.f32 v55, v56;
	v62 =	vmul.f32 v15, v13  }
0x50: {  	v1 =	vsub.f32 v58, v59;
	v0 =	vand.u32 $0x7FFFFFFF, v0;
	v29 =	vmul.f32 v19, v17  }
0x51: {  	v3 =	vand.u32 $0x7FFFFFFF, v3;
	v4 =	vsub.f32 v61, v62;
	v31 =	vmul.f32 v23, v21  }
0x52: {  	v1 =	vand.u32 $0x7FFFFFFF, v1;
	v8 =	vsub.f32 v28, v29;
	v2 =	vmul.f32 v54, v25  }
0x53: {  	v6 =	vmul.f32 v27, v60;
	v4 =	vand.u32 $0x7FFFFFFF, v4;
	v11 =	vsub.f32 v30, v31  }
0x54: {  	v0 =	vadd.f32 v1, v0;
	v33 =	vadd.f32 v4, v3;
	v34 =	vand.u32 $0x7FFFFFFF, v8  }
0x55: {  	v2 =	vsub.f32 v32, v2;
	v5 =	vsub.f32 v5, v6;
	v35 =	vand.u32 $0x7FFFFFFF, v11  }
0x56: {  	v0 =	vadd.f32 v34, v0;
	v1 =	vadd.f32 v35, v33  }
0x57: {  	v2 =	vand.u32 $0x7FFFFFFF, v2;
	v36 =	vand.u32 $0x7FFFFFFF, v5  }
0x58: {  	v0 =	vadd.f32 v2, v0;
	v1 =	vadd.f32 v36, v1;
	_ =	sdelay $0x1  }
0x59: {  	v0 =	vadd.f32 v1, v0  }
0x5a: {  	s29 =	sand.u32 $0x7, s10  }
0x5b: {  	s22 =	sshll.u32 s29, $0x7;
	s15 =	sadd.s32 $0x80, s11;
	[tilespmem:s7+$0xFFFFFFE0] =	vst v0  }
0x5c: {  	s22 =	sadd.s32 s30, s22;
	s23 =	sand.u32 $0x280, s15;
	v0 =	vld [tilespmem:s8+$0xFFFFFF80]  }
0x5d: {  	s29 =	sadd.s32 $0x80, s22;
	s23 =	sadd.s32 s23, s21;
	v37 =	vld [tilespmem:s9+$0xFFFFFF80]  }
0x5e: {  	s15 =	sor.u32 $0x400, s29;
	v38 =	vld [tilespmem:s23+$0x0]  }
0x5f: {  	v39 =	vld [tilespmem:s15+$0x9F00]  }
0x60: {  	v40 =	vld [tilespmem:s8+$0xFFFFFF90]  }
0x61: {  	v41 =	vld [tilespmem:s9+$0xFFFFFF90]  }
0x62: {  	v42 =	vld [tilespmem:s23+$0x10]  }
0x63: {  	v44 =	vld [tilespmem:s8+$0xFFFFFFA0]  }
0x64: {  	v45 =	vld [tilespmem:s9+$0xFFFFFFA0]  }
0x65: {  	v46 =	vld [tilespmem:s23+$0x20]  }
0x66: {  	v48 =	vld [tilespmem:s8+$0xFFFFFFB0]  }
0x67: {  	v49 =	vld [tilespmem:s9+$0xFFFFFFB0]  }
0x68: {  	v50 =	vld [tilespmem:s23+$0x30]  }
0x69: {  	v52 =	vld [tilespmem:s8+$0xFFFFFFC0]  }
0x6a: {  	v53 =	vld [tilespmem:s9+$0xFFFFFFC0]  }
0x6b: {  	v54 =	vld [tilespmem:s23+$0x40]  }
0x6c: {  	v56 =	vld [tilespmem:s8+$0xFFFFFFD0]  }
0x6d: {  	v57 =	vld [tilespmem:s9+$0xFFFFFFD0]  }
0x6e: {  	v58 =	vld [tilespmem:s23+$0x50]  }
0x6f: {  	v60 =	vld [tilespmem:s8+$0xFFFFFFE0]  }
0x70: {  	v61 =	vld [tilespmem:s9+$0xFFFFFFE0]  }
0x71: {  	v62 =	vld [tilespmem:s23+$0x60]  }
0x72: {  	v29 =	vld [tilespmem:s8+$0xFFFFFFF0]  }
0x73: {  	v32 =	vld [tilespmem:s9+$0xFFFFFFF0]  }
0x74: {  	s15 =	sor.u32 $0x410, s29;
	v35 =	vld [tilespmem:s23+$0x70]  }
0x75: {  	v43 =	vld [tilespmem:s15+$0x9F00];
	s15 =	sor.u32 $0x420, s29  }
0x76: {  	v47 =	vld [tilespmem:s15+$0x9F00];
	s15 =	sor.u32 $0x430, s29  }
0x77: {  	v51 =	vld [tilespmem:s15+$0x9F00];
	s15 =	sor.u32 $0x440, s29;
	v0 =	vmul.f32 v38, v0;
	v1 =	vmul.f32 v39, v37  }
0x78: {  	v55 =	vld [tilespmem:s15+$0x9F00];
	s15 =	sor.u32 $0x450, s29;
	v27 =	vmul.f32 v42, v40;
	v30 =	vmul.f32 v46, v44  }
0x79: {  	v59 =	vld [tilespmem:s15+$0x9F00];
	s15 =	sor.u32 $0x460, s29;
	v33 =	vmul.f32 v50, v48;
	v37 =	vmul.f32 v54, v52  }
0x7a: {  	s29 =	sor.u32 $0x470, s29;
	v39 =	vmul.f32 v58, v56;
	v63 =	vld [tilespmem:s15+$0x9F00];
	v28 =	vmul.f32 v43, v41  }
0x7b: {  	v5 =	vmul.f32 v35, v29;
	v36 =	vld [tilespmem:s29+$0x9F00];
	v0 =	vsub.f32 v0, v1;
	v31 =	vmul.f32 v47, v45  }
0x7c: {  	v41 =	vmul.f32 v62, v60;
	v3 =	vsub.f32 v27, v28;
	v34 =	vmul.f32 v51, v49  }
0x7d: {  	v1 =	vsub.f32 v30, v31;
	v0 =	vand.u32 $0x7FFFFFFF, v0;
	v38 =	vmul.f32 v55, v53  }
0x7e: {  	v3 =	vand.u32 $0x7FFFFFFF, v3;
	v4 =	vsub.f32 v33, v34;
	v40 =	vmul.f32 v59, v57  }
0x7f: {  	v1 =	vand.u32 $0x7FFFFFFF, v1;
	v8 =	vsub.f32 v37, v38;
	v2 =	vmul.f32 v63, v61  }
0x80: {  	v6 =	vmul.f32 v36, v32;
	v4 =	vand.u32 $0x7FFFFFFF, v4;
	v11 =	vsub.f32 v39, v40  }
0x81: {  	v0 =	vadd.f32 v1, v0;
	v42 =	vadd.f32 v4, v3;
	v43 =	vand.u32 $0x7FFFFFFF, v8  }
0x82: {  	v2 =	vsub.f32 v41, v2;
	v5 =	vsub.f32 v5, v6;
	v44 =	vand.u32 $0x7FFFFFFF, v11  }
0x83: {  	v0 =	vadd.f32 v43, v0;
	v1 =	vadd.f32 v44, v42  }
0x84: {  	v2 =	vand.u32 $0x7FFFFFFF, v2;
	v45 =	vand.u32 $0x7FFFFFFF, v5  }
0x85: {  	v0 =	vadd.f32 v2, v0;
	v1 =	vadd.f32 v45, v1;
	_ =	sdelay $0x1  }
0x86: {  	v0 =	vadd.f32 v1, v0  }
0x87: {  	s23 =	sand.u32 $0x3, s13  }
0x88: {  	s15 =	sshll.u32 s23, $0x8;
	s29 =	sadd.s32 $0x100, s11;
	[tilespmem:s7+$0xFFFFFFF0] =	vst v0  }
0x89: {  	s15 =	sadd.s32 s30, s15;
	s23 =	sand.u32 $0x300, s29;
	v0 =	vld [tilespmem:s8+$0x0]  }
0x8a: {  	s23 =	sadd.s32 s23, s21;
	s15 =	sadd.s32 $0x100, s15;
	v46 =	vld [tilespmem:s9+$0x0]  }
0x8b: {  	s29 =	sor.u32 $0x400, s15;
	v47 =	vld [tilespmem:s23+$0x0]  }
0x8c: {  	v48 =	vld [tilespmem:s29+$0x9F00]  }
0x8d: {  	v49 =	vld [tilespmem:s8+$0x10]  }
0x8e: {  	v50 =	vld [tilespmem:s9+$0x10]  }
0x8f: {  	v51 =	vld [tilespmem:s23+$0x10]  }
0x90: {  	v53 =	vld [tilespmem:s8+$0x20]  }
0x91: {  	v54 =	vld [tilespmem:s9+$0x20]  }
0x92: {  	v55 =	vld [tilespmem:s23+$0x20]  }
0x93: {  	v57 =	vld [tilespmem:s8+$0x30]  }
0x94: {  	v58 =	vld [tilespmem:s9+$0x30]  }
0x95: {  	v59 =	vld [tilespmem:s23+$0x30]  }
0x96: {  	v61 =	vld [tilespmem:s8+$0x40]  }
0x97: {  	v62 =	vld [tilespmem:s9+$0x40]  }
0x98: {  	v63 =	vld [tilespmem:s23+$0x40]  }
0x99: {  	v29 =	vld [tilespmem:s8+$0x50]  }
0x9a: {  	v30 =	vld [tilespmem:s9+$0x50]  }
0x9b: {  	v31 =	vld [tilespmem:s23+$0x50]  }
0x9c: {  	v33 =	vld [tilespmem:s8+$0x60]  }
0x9d: {  	v34 =	vld [tilespmem:s9+$0x60]  }
0x9e: {  	v35 =	vld [tilespmem:s23+$0x60]  }
0x9f: {  	v39 =	vld [tilespmem:s8+$0x70]  }
0xa0: {  	v42 =	vld [tilespmem:s9+$0x70]  }
0xa1: {  	s29 =	sor.u32 $0x410, s15;
	v45 =	vld [tilespmem:s23+$0x70]  }
0xa2: {  	v52 =	vld [tilespmem:s29+$0x9F00];
	s29 =	sor.u32 $0x420, s15  }
0xa3: {  	v56 =	vld [tilespmem:s29+$0x9F00];
	s29 =	sor.u32 $0x430, s15  }
0xa4: {  	v60 =	vld [tilespmem:s29+$0x9F00];
	s29 =	sor.u32 $0x440, s15;
	v0 =	vmul.f32 v47, v0;
	v1 =	vmul.f32 v48, v46  }
0xa5: {  	v28 =	vld [tilespmem:s29+$0x9F00];
	s29 =	sor.u32 $0x450, s15;
	v37 =	vmul.f32 v51, v49;
	v40 =	vmul.f32 v55, v53  }
0xa6: {  	v32 =	vld [tilespmem:s29+$0x9F00];
	s29 =	sor.u32 $0x460, s15;
	v43 =	vmul.f32 v59, v57;
	v47 =	vmul.f32 v63, v61  }
0xa7: {  	s15 =	sor.u32 $0x470, s15;
	v49 =	vmul.f32 v31, v29;
	v36 =	vld [tilespmem:s29+$0x9F00];
	v38 =	vmul.f32 v52, v50  }
0xa8: {  	v51 =	vmul.f32 v35, v33;
	v46 =	vld [tilespmem:s15+$0x9F00];
	v0 =	vsub.f32 v0, v1;
	v41 =	vmul.f32 v56, v54  }
0xa9: {  	v5 =	vmul.f32 v45, v39;
	v3 =	vsub.f32 v37, v38;
	v44 =	vmul.f32 v60, v58  }
0xaa: {  	v1 =	vsub.f32 v40, v41;
	v0 =	vand.u32 $0x7FFFFFFF, v0;
	v48 =	vmul.f32 v28, v62  }
0xab: {  	v3 =	vand.u32 $0x7FFFFFFF, v3;
	v4 =	vsub.f32 v43, v44;
	v50 =	vmul.f32 v32, v30  }
0xac: {  	v1 =	vand.u32 $0x7FFFFFFF, v1;
	v8 =	vsub.f32 v47, v48;
	v2 =	vmul.f32 v36, v34  }
0xad: {  	v6 =	vmul.f32 v46, v42;
	v4 =	vand.u32 $0x7FFFFFFF, v4;
	v11 =	vsub.f32 v49, v50  }
0xae: {  	v0 =	vadd.f32 v1, v0;
	v52 =	vadd.f32 v4, v3;
	v53 =	vand.u32 $0x7FFFFFFF, v8  }
0xaf: {  	v2 =	vsub.f32 v51, v2;
	v5 =	vsub.f32 v5, v6;
	v54 =	vand.u32 $0x7FFFFFFF, v11  }
0xb0: {  	v0 =	vadd.f32 v53, v0;
	v1 =	vadd.f32 v54, v52  }
0xb1: {  	v2 =	vand.u32 $0x7FFFFFFF, v2;
	v55 =	vand.u32 $0x7FFFFFFF, v5  }
0xb2: {  	v0 =	vadd.f32 v2, v0;
	v1 =	vadd.f32 v55, v1;
	_ =	sdelay $0x1  }
0xb3: {  	v0 =	vadd.f32 v1, v0;
	_ =	sdelay $0x1  }
0xb4: {  	s23 =	sadd.s32 $0x180, s11;
	[tilespmem:s7+$0x0] =	vst v0  }
0xb5: {  	s15 =	sand.u32 $0x380, s23;
	v0 =	vld [tilespmem:s8+$0x80]  }
0xb6: {  	s15 =	sadd.s32 s15, s21;
	s21 =	sadd.s32 $0x180, s22;
	v56 =	vld [tilespmem:s9+$0x80]  }
0xb7: {  	s22 =	sor.u32 $0x400, s21;
	v57 =	vld [tilespmem:s15+$0x0]  }
0xb8: {  	v58 =	vld [tilespmem:s22+$0x9F00]  }
0xb9: {  	v59 =	vld [tilespmem:s8+$0x90]  }
0xba: {  	v60 =	vld [tilespmem:s9+$0x90]  }
0xbb: {  	s29 =	sor.u32 $0x410, s21;
	v61 =	vld [tilespmem:s15+$0x10]  }
0xbc: {  	v62 =	vld [tilespmem:s29+$0x9F00]  }
0xbd: {  	v63 =	vld [tilespmem:s8+$0xA0]  }
0xbe: {  	v28 =	vld [tilespmem:s9+$0xA0]  }
0xbf: {  	s23 =	sor.u32 $0x420, s21;
	v29 =	vld [tilespmem:s15+$0x20]  }
0xc0: {  	v30 =	vld [tilespmem:s23+$0x9F00]  }
0xc1: {  	v31 =	vld [tilespmem:s8+$0xB0]  }
0xc2: {  	v32 =	vld [tilespmem:s9+$0xB0]  }
0xc3: {  	v33 =	vld [tilespmem:s15+$0x30]  }
0xc4: {  	v35 =	vld [tilespmem:s8+$0xC0]  }
0xc5: {  	v36 =	vld [tilespmem:s9+$0xC0]  }
0xc6: {  	v37 =	vld [tilespmem:s15+$0x40]  }
0xc7: {  	v39 =	vld [tilespmem:s8+$0xD0]  }
0xc8: {  	v40 =	vld [tilespmem:s9+$0xD0]  }
0xc9: {  	v41 =	vld [tilespmem:s15+$0x50]  }
0xca: {  	v43 =	vld [tilespmem:s8+$0xE0]  }
0xcb: {  	v44 =	vld [tilespmem:s9+$0xE0]  }
0xcc: {  	v45 =	vld [tilespmem:s15+$0x60]  }
0xcd: {  	v49 =	vld [tilespmem:s8+$0xF0]  }
0xce: {  	s29 =	sor.u32 $0x430, s21;
	v53 =	vld [tilespmem:s15+$0x70]  }
0xcf: {  	s23 =	sor.u32 $0x440, s21;
	v34 =	vld [tilespmem:s29+$0x9F00]  }
0xd0: {  	v38 =	vld [tilespmem:s23+$0x9F00];
	s29 =	sor.u32 $0x450, s21;
	v0 =	vmul.f32 v57, v0;
	v1 =	vmul.f32 v58, v56  }
0xd1: {  	s23 =	sor.u32 $0x460, s21;
	v42 =	vld [tilespmem:s29+$0x9F00];
	v47 =	vmul.f32 v29, v63;
	v48 =	vmul.f32 v30, v28  }
0xd2: {  	v46 =	vld [tilespmem:s23+$0x9F00];
	v4 =	vmul.f32 v61, v59;
	v5 =	vmul.f32 v62, v60  }
0xd3: {  	v52 =	vmul.f32 v33, v31;
	v55 =	vmul.f32 v37, v35  }
0xd4: {  	v50 =	vld [tilespmem:s9+$0xF0];
	s29 =	sor.u32 $0x470, s21;
	v58 =	vmul.f32 v41, v39;
	v61 =	vmul.f32 v45, v43  }
0xd5: {  	v56 =	vld [tilespmem:s29+$0x9F00];
	v7 =	vmul.f32 v53, v49;
	v54 =	vmul.f32 v34, v32  }
0xd6: {  	v57 =	vmul.f32 v38, v36;
	v0 =	vsub.f32 v0, v1;
	v51 =	vsub.f32 v47, v48  }
0xd7: {  	v4 =	vsub.f32 v4, v5;
	v59 =	vmul.f32 v42, v40;
	v2 =	vmul.f32 v46, v44  }
0xd8: {  	v3 =	vsub.f32 v52, v54;
	v0 =	vand.u32 $0x7FFFFFFF, v0;
	v1 =	vand.u32 $0x7FFFFFFF, v51  }
0xd9: {  	v60 =	vsub.f32 v55, v57;
	v4 =	vand.u32 $0x7FFFFFFF, v4;
	v0 =	vadd.f32 v1, v0  }
0xda: {  	v1 =	vsub.f32 v58, v59;
	v6 =	vmul.f32 v56, v50;
	v3 =	vand.u32 $0x7FFFFFFF, v3  }
0xdb: {  	v2 =	vsub.f32 v61, v2;
	v3 =	vadd.f32 v3, v4  }
0xdc: {  	v5 =	vand.u32 $0x7FFFFFFF, v60;
	v62 =	vsub.f32 v7, v6;
	v1 =	vand.u32 $0x7FFFFFFF, v1  }
0xdd: {  	v0 =	vadd.f32 v5, v0;
	v1 =	vadd.f32 v1, v3  }
0xde: {  	p1 =	sne.s32 s30, $0x4C00;
	v2 =	vand.u32 $0x7FFFFFFF, v2;
	v63 =	vand.u32 $0x7FFFFFFF, v62  }
.Ltmp0:
0xdf: {  	v0 =	vadd.f32 v2, v0;
	v1 =	vadd.f32 v63, v1;
	(pc) =	sbr.rel @p1 .LBB2_3-.Ltmp0, $4  }
0xe0: {  	_ = 	snop  }
0xe1: {  	p0 =	por !p0, !p0;
	s10 =	sadd.s32 $0x4, s10;
	v0 =	vadd.f32 v1, v0  }
0xe2: {  	s13 =	sadd.s32 $0x2, s13;
	s30 =	sadd.s32 $0x400, s30;
	s11 =	sadd.s32 $0x200, s11  }
0xe3: {  	s8 =	sadd.s32 $0x200, s8;
	s9 =	sadd.s32 $0x200, s9;
	[tilespmem:s7+$0x10] =	vst v0;
	s7 =	sadd.s32 $0x40, s7  }
0xe4: {  	s7 =	sadd.s32 s4, s0  }
0xe5: {  	s7 =	sshll.u32 s7, $0x1  }
0xe6: {  	s13 =	simm.s32 $0x0;
	s7 =	sadd.s32 s6, s7  }
0xe7: {  	[hbm4b:s7+s13] =	stream.linear.scatter [tilespmem:s24], [sflag:$0x7], $0x500, $0x38;
	[tilespmem:$0x19900] =	vst v63  }
0xe8: {  	_ =	swait.ge [sflag:s12], $0x500  }
0xe9: {  	[sflag:s12] =	ssyncset.done $0x0  }
0xea: {  	[sflag:s12] =	ssyncadd.s32 $0xFFFFFB00  }
0xeb: {  	_ =	swait.ge [sflag:s25], $0x2800  }
0xec: {  	[sflag:s25] =	ssyncset.done $0x0  }
0xed: {  	[sflag:s25] =	ssyncadd.s32 $0xFFFFD800  }
0xee: {  	_ =	swait.ge [sflag:s26], $0x2800  }
0xef: {  	[sflag:s26] =	ssyncset.done $0x0  }
0xf0: {  	[sflag:s26] =	ssyncadd.s32 $0xFFFFD800  }
0xf1: {  	_ =	swait.ge [sflag:s28], $0x5000  }
0xf2: {  	s23 =	sadd.s32 $0xA0, s0;
	s8 =	simm.s32 $0x4F00;
	[sflag:s28] =	ssyncset.done $0x0  }
0xf3: {  	s29 =	sadd.s32 $0x2820, s0;
	s30 =	sadd.s32 s4, s23;
	[sflag:s28] =	ssyncadd.s32 $0xFFFFB000  }
0xf4: {  	[tilespmem:s8], [sflag:$0x1] =	stream.indirect.gather [hbm4b:s5+s14], $0x80, s23, s14, $0xb8;
	[tilespmem:$0x19900] =	vst v63  }
0xf5: {  	p0 =	por $0x0, $0x0;
	s9 =	simm.s32 $0x0;
	s0 =	sshll.u32 s30, $0x5  }
0xf6: {  	[tilespmem:s16], [sflag:$0x2] =	stream.indirect.gather [hbm4b:s5+s14], $0x80, s29, s14, $0xb8;
	[tilespmem:$0x19900] =	vst v63  }
0xf7: {  	s10 =	simm.s32 $0x0;
	s11 =	simm.s32 $0x0;
	s0 =	sadd.s32 s2, s0  }
0xf8: {  	[tilespmem:s17], [sflag:$0x3] =	stream.linear.gather [hbm4b:s0+s13], $0x5000, $0x38;
	[tilespmem:$0x19900] =	vst v63  }
0xf9: {  	s7 =	simm.s32 $0xF500;
	s8 =	simm.s32 $0x11D00;
	s0 =	simm.s32 $0x19420  }
.LBB2_5:
0xfa: {  	v0 =	vld [tilespmem:s7+$0xFFFFFF00]  }
0xfb: {  	v1 =	vld [tilespmem:s8+$0xFFFFFF00]  }
0xfc: {  	v4 =	vld [tilespmem:s7+$0xFFFFFF10]  }
0xfd: {  	v5 =	vld [tilespmem:s8+$0xFFFFFF10]  }
0xfe: {  	v8 =	vld [tilespmem:s7+$0xFFFFFF20]  }
0xff: {  	v9 =	vld [tilespmem:s8+$0xFFFFFF20]  }
0x100: {  	v12 =	vld [tilespmem:s7+$0xFFFFFF30]  }
0x101: {  	v13 =	vld [tilespmem:s8+$0xFFFFFF30]  }
0x102: {  	v16 =	vld [tilespmem:s7+$0xFFFFFF40]  }
0x103: {  	v17 =	vld [tilespmem:s8+$0xFFFFFF40]  }
0x104: {  	v20 =	vld [tilespmem:s7+$0xFFFFFF50]  }
0x105: {  	v21 =	vld [tilespmem:s8+$0xFFFFFF50]  }
0x106: {  	v24 =	vld [tilespmem:s7+$0xFFFFFF60]  }
0x107: {  	s21 =	sand.u32 $0x7800, s11;
	v25 =	vld [tilespmem:s8+$0xFFFFFF60]  }
0x108: {  	s22 =	sand.u32 $0x200, s10;
	v57 =	vld [tilespmem:s7+$0xFFFFFF70];
	s21 =	sadd.s32 $0x14400, s21  }
0x109: {  	v60 =	vld [tilespmem:s8+$0xFFFFFF70];
	s22 =	sor.u32 s22, s21  }
0x10a: {  	v2 =	vld [tilespmem:s22+$0x0]  }
0x10b: {  	v6 =	vld [tilespmem:s22+$0x10]  }
0x10c: {  	v10 =	vld [tilespmem:s22+$0x20]  }
0x10d: {  	s15 =	simm.s32 $0x1;
	v14 =	vld [tilespmem:s22+$0x30]  }
0x10e: {  	s15 =	simm.s32 @!p0 $0x0;
	v18 =	vld [tilespmem:s22+$0x40]  }
0x10f: {  	s15 =	sshll.u32 s15, $0x9;
	v22 =	vld [tilespmem:s22+$0x50]  }
0x110: {  	s15 =	sadd.s32 s15, s11;
	v26 =	vld [tilespmem:s22+$0x60]  }
0x111: {  	v63 =	vld [tilespmem:s22+$0x70];
	s23 =	sor.u32 $0x400, s15  }
0x112: {  	s29 =	sor.u32 $0x410, s15;
	v3 =	vld [tilespmem:s23+$0x14400]  }
0x113: {  	s30 =	sor.u32 $0x420, s15;
	v7 =	vld [tilespmem:s29+$0x14400]  }
0x114: {  	v11 =	vld [tilespmem:s30+$0x14400];
	s29 =	sor.u32 $0x430, s15  }
0x115: {  	s30 =	sor.u32 $0x440, s15;
	v15 =	vld [tilespmem:s29+$0x14400]  }
0x116: {  	v19 =	vld [tilespmem:s30+$0x14400];
	s29 =	sor.u32 $0x450, s15;
	v0 =	vmul.f32 v2, v0;
	v55 =	vmul.f32 v6, v4  }
0x117: {  	s30 =	sor.u32 $0x460, s15;
	v23 =	vld [tilespmem:s29+$0x14400];
	v58 =	vmul.f32 v10, v8;
	v61 =	vmul.f32 v14, v12  }
0x118: {  	s15 =	sor.u32 $0x470, s15;
	v54 =	vld [tilespmem:s30+$0x14400];
	v28 =	vmul.f32 v18, v16;
	v30 =	vmul.f32 v22, v20  }
0x119: {  	v27 =	vld [tilespmem:s15+$0x14400];
	v32 =	vmul.f32 v26, v24;
	v1 =	vmul.f32 v3, v1  }
0x11a: {  	v56 =	vmul.f32 v7, v5;
	v59 =	vmul.f32 v11, v9  }
0x11b: {  	v5 =	vmul.f32 v63, v57;
	v62 =	vmul.f32 v15, v13  }
0x11c: {  	v29 =	vmul.f32 v19, v17;
	v0 =	vsub.f32 v0, v1;
	v3 =	vsub.f32 v55, v56  }
0x11d: {  	v1 =	vsub.f32 v58, v59;
	v31 =	vmul.f32 v23, v21;
	v2 =	vmul.f32 v54, v25  }
0x11e: {  	v6 =	vmul.f32 v27, v60;
	v4 =	vsub.f32 v61, v62;
	v8 =	vsub.f32 v28, v29  }
0x11f: {  	v0 =	vand.u32 $0x7FFFFFFF, v0;
	v3 =	vand.u32 $0x7FFFFFFF, v3;
	v1 =	vand.u32 $0x7FFFFFFF, v1  }
0x120: {  	v11 =	vsub.f32 v30, v31;
	v2 =	vsub.f32 v32, v2;
	v4 =	vand.u32 $0x7FFFFFFF, v4  }
0x121: {  	v0 =	vadd.f32 v1, v0;
	v33 =	vadd.f32 v4, v3  }
0x122: {  	v5 =	vsub.f32 v5, v6;
	v34 =	vand.u32 $0x7FFFFFFF, v8;
	v35 =	vand.u32 $0x7FFFFFFF, v11  }
0x123: {  	v0 =	vadd.f32 v34, v0;
	v1 =	vadd.f32 v35, v33  }
0x124: {  	v2 =	vand.u32 $0x7FFFFFFF, v2;
	v36 =	vand.u32 $0x7FFFFFFF, v5  }
0x125: {  	v0 =	vadd.f32 v2, v0;
	v1 =	vadd.f32 v36, v1;
	_ =	sdelay $0x1  }
0x126: {  	v0 =	vadd.f32 v1, v0  }
0x127: {  	s29 =	sand.u32 $0x7, s9  }
0x128: {  	s30 =	sadd.s32 $0x80, s10;
	s15 =	sshll.u32 s29, $0x7;
	[tilespmem:s0+$0xFFFFFFE0] =	vst v0  }
0x129: {  	s29 =	sand.u32 $0x280, s30;
	s22 =	sadd.s32 s11, s15;
	v0 =	vld [tilespmem:s7+$0xFFFFFF80]  }
0x12a: {  	s15 =	sor.u32 s29, s21;
	s23 =	sadd.s32 $0x80, s22;
	v37 =	vld [tilespmem:s8+$0xFFFFFF80]  }
0x12b: {  	s29 =	sor.u32 $0x400, s23;
	v38 =	vld [tilespmem:s15+$0x0]  }
0x12c: {  	v39 =	vld [tilespmem:s29+$0x14400]  }
0x12d: {  	v40 =	vld [tilespmem:s7+$0xFFFFFF90]  }
0x12e: {  	v41 =	vld [tilespmem:s8+$0xFFFFFF90]  }
0x12f: {  	s30 =	sor.u32 $0x410, s23;
	v42 =	vld [tilespmem:s15+$0x10]  }
0x130: {  	v43 =	vld [tilespmem:s30+$0x14400]  }
0x131: {  	v44 =	vld [tilespmem:s7+$0xFFFFFFA0]  }
0x132: {  	v45 =	vld [tilespmem:s8+$0xFFFFFFA0]  }
0x133: {  	v46 =	vld [tilespmem:s15+$0x20]  }
0x134: {  	v48 =	vld [tilespmem:s7+$0xFFFFFFB0]  }
0x135: {  	v49 =	vld [tilespmem:s8+$0xFFFFFFB0]  }
0x136: {  	v50 =	vld [tilespmem:s15+$0x30]  }
0x137: {  	v52 =	vld [tilespmem:s7+$0xFFFFFFC0]  }
0x138: {  	v53 =	vld [tilespmem:s8+$0xFFFFFFC0]  }
0x139: {  	v54 =	vld [tilespmem:s15+$0x40]  }
0x13a: {  	v56 =	vld [tilespmem:s7+$0xFFFFFFD0]  }
0x13b: {  	v57 =	vld [tilespmem:s8+$0xFFFFFFD0]  }
0x13c: {  	v58 =	vld [tilespmem:s15+$0x50]  }
0x13d: {  	v60 =	vld [tilespmem:s7+$0xFFFFFFE0]  }
0x13e: {  	v61 =	vld [tilespmem:s8+$0xFFFFFFE0]  }
0x13f: {  	v62 =	vld [tilespmem:s15+$0x60]  }
0x140: {  	v29 =	vld [tilespmem:s7+$0xFFFFFFF0]  }
0x141: {  	v32 =	vld [tilespmem:s8+$0xFFFFFFF0]  }
0x142: {  	s30 =	sor.u32 $0x420, s23;
	v35 =	vld [tilespmem:s15+$0x70]  }
0x143: {  	v47 =	vld [tilespmem:s30+$0x14400];
	s30 =	sor.u32 $0x430, s23  }
0x144: {  	v51 =	vld [tilespmem:s30+$0x14400];
	s30 =	sor.u32 $0x440, s23;
	v0 =	vmul.f32 v38, v0;
	v1 =	vmul.f32 v39, v37  }
0x145: {  	v55 =	vld [tilespmem:s30+$0x14400];
	s30 =	sor.u32 $0x450, s23;
	v27 =	vmul.f32 v42, v40;
	v28 =	vmul.f32 v43, v41  }
0x146: {  	v59 =	vld [tilespmem:s30+$0x14400];
	s30 =	sor.u32 $0x460, s23;
	v30 =	vmul.f32 v46, v44;
	v33 =	vmul.f32 v50, v48  }
0x147: {  	v63 =	vld [tilespmem:s30+$0x14400];
	s30 =	sor.u32 $0x470, s23;
	v37 =	vmul.f32 v54, v52;
	v39 =	vmul.f32 v58, v56  }
0x148: {  	v41 =	vmul.f32 v62, v60;
	v31 =	vmul.f32 v47, v45;
	v36 =	vld [tilespmem:s30+$0x14400];
	v0 =	vsub.f32 v0, v1  }
0x149: {  	v5 =	vmul.f32 v35, v29;
	v3 =	vsub.f32 v27, v28;
	v34 =	vmul.f32 v51, v49  }
0x14a: {  	v1 =	vsub.f32 v30, v31;
	v38 =	vmul.f32 v55, v53;
	v0 =	vand.u32 $0x7FFFFFFF, v0  }
0x14b: {  	v3 =	vand.u32 $0x7FFFFFFF, v3;
	v4 =	vsub.f32 v33, v34;
	v40 =	vmul.f32 v59, v57  }
0x14c: {  	v1 =	vand.u32 $0x7FFFFFFF, v1;
	v8 =	vsub.f32 v37, v38;
	v2 =	vmul.f32 v63, v61  }
0x14d: {  	v4 =	vand.u32 $0x7FFFFFFF, v4;
	v11 =	vsub.f32 v39, v40;
	v6 =	vmul.f32 v36, v32  }
0x14e: {  	v0 =	vadd.f32 v1, v0;
	v42 =	vadd.f32 v4, v3;
	v43 =	vand.u32 $0x7FFFFFFF, v8  }
0x14f: {  	v2 =	vsub.f32 v41, v2;
	v44 =	vand.u32 $0x7FFFFFFF, v11;
	v5 =	vsub.f32 v5, v6  }
0x150: {  	v0 =	vadd.f32 v43, v0;
	v1 =	vadd.f32 v44, v42  }
0x151: {  	v2 =	vand.u32 $0x7FFFFFFF, v2;
	v45 =	vand.u32 $0x7FFFFFFF, v5  }
0x152: {  	v0 =	vadd.f32 v2, v0;
	v1 =	vadd.f32 v45, v1;
	_ =	sdelay $0x1  }
0x153: {  	v0 =	vadd.f32 v1, v0  }
0x154: {  	s23 =	sand.u32 $0x3, s13  }
0x155: {  	s29 =	sadd.s32 $0x100, s10;
	s15 =	sshll.u32 s23, $0x8;
	[tilespmem:s0+$0xFFFFFFF0] =	vst v0  }
0x156: {  	s23 =	sand.u32 $0x300, s29;
	s15 =	sadd.s32 s11, s15;
	v0 =	vld [tilespmem:s7+$0x0]  }
0x157: {  	s23 =	sor.u32 s23, s21;
	s15 =	sadd.s32 $0x100, s15;
	v46 =	vld [tilespmem:s8+$0x0]  }
0x158: {  	s30 =	sor.u32 $0x400, s15;
	v47 =	vld [tilespmem:s23+$0x0]  }
0x159: {  	v48 =	vld [tilespmem:s30+$0x14400]  }
0x15a: {  	v49 =	vld [tilespmem:s7+$0x10]  }
0x15b: {  	v50 =	vld [tilespmem:s8+$0x10]  }
0x15c: {  	v51 =	vld [tilespmem:s23+$0x10]  }
0x15d: {  	v53 =	vld [tilespmem:s7+$0x20]  }
0x15e: {  	v54 =	vld [tilespmem:s8+$0x20]  }
0x15f: {  	v55 =	vld [tilespmem:s23+$0x20]  }
0x160: {  	v57 =	vld [tilespmem:s7+$0x30]  }
0x161: {  	v58 =	vld [tilespmem:s8+$0x30]  }
0x162: {  	v59 =	vld [tilespmem:s23+$0x30]  }
0x163: {  	v61 =	vld [tilespmem:s7+$0x40]  }
0x164: {  	v62 =	vld [tilespmem:s8+$0x40]  }
0x165: {  	v63 =	vld [tilespmem:s23+$0x40]  }
0x166: {  	v29 =	vld [tilespmem:s7+$0x50]  }
0x167: {  	v30 =	vld [tilespmem:s8+$0x50]  }
0x168: {  	v31 =	vld [tilespmem:s23+$0x50]  }
0x169: {  	v33 =	vld [tilespmem:s7+$0x60]  }
0x16a: {  	v34 =	vld [tilespmem:s8+$0x60]  }
0x16b: {  	v35 =	vld [tilespmem:s23+$0x60]  }
0x16c: {  	v39 =	vld [tilespmem:s7+$0x70]  }
0x16d: {  	v42 =	vld [tilespmem:s8+$0x70]  }
0x16e: {  	s30 =	sor.u32 $0x410, s15;
	v45 =	vld [tilespmem:s23+$0x70]  }
0x16f: {  	v52 =	vld [tilespmem:s30+$0x14400];
	s30 =	sor.u32 $0x420, s15  }
0x170: {  	v56 =	vld [tilespmem:s30+$0x14400];
	s30 =	sor.u32 $0x430, s15  }
0x171: {  	v60 =	vld [tilespmem:s30+$0x14400];
	s30 =	sor.u32 $0x440, s15;
	v0 =	vmul.f32 v47, v0;
	v1 =	vmul.f32 v48, v46  }
0x172: {  	v28 =	vld [tilespmem:s30+$0x14400];
	s30 =	sor.u32 $0x450, s15;
	v37 =	vmul.f32 v51, v49;
	v40 =	vmul.f32 v55, v53  }
0x173: {  	v32 =	vld [tilespmem:s30+$0x14400];
	s30 =	sor.u32 $0x460, s15;
	v43 =	vmul.f32 v59, v57;
	v47 =	vmul.f32 v63, v61  }
0x174: {  	s15 =	sor.u32 $0x470, s15;
	v49 =	vmul.f32 v31, v29;
	v36 =	vld [tilespmem:s30+$0x14400];
	v38 =	vmul.f32 v52, v50  }
0x175: {  	v51 =	vmul.f32 v35, v33;
	v46 =	vld [tilespmem:s15+$0x14400];
	v0 =	vsub.f32 v0, v1;
	v41 =	vmul.f32 v56, v54  }
0x176: {  	v5 =	vmul.f32 v45, v39;
	v3 =	vsub.f32 v37, v38;
	v44 =	vmul.f32 v60, v58  }
0x177: {  	v1 =	vsub.f32 v40, v41;
	v0 =	vand.u32 $0x7FFFFFFF, v0;
	v48 =	vmul.f32 v28, v62  }
0x178: {  	v3 =	vand.u32 $0x7FFFFFFF, v3;
	v4 =	vsub.f32 v43, v44;
	v50 =	vmul.f32 v32, v30  }
0x179: {  	v1 =	vand.u32 $0x7FFFFFFF, v1;
	v8 =	vsub.f32 v47, v48;
	v2 =	vmul.f32 v36, v34  }
0x17a: {  	v6 =	vmul.f32 v46, v42;
	v4 =	vand.u32 $0x7FFFFFFF, v4;
	v11 =	vsub.f32 v49, v50  }
0x17b: {  	v0 =	vadd.f32 v1, v0;
	v52 =	vadd.f32 v4, v3;
	v53 =	vand.u32 $0x7FFFFFFF, v8  }
0x17c: {  	v2 =	vsub.f32 v51, v2;
	v5 =	vsub.f32 v5, v6;
	v54 =	vand.u32 $0x7FFFFFFF, v11  }
0x17d: {  	v0 =	vadd.f32 v53, v0;
	v1 =	vadd.f32 v54, v52  }
0x17e: {  	v2 =	vand.u32 $0x7FFFFFFF, v2;
	v55 =	vand.u32 $0x7FFFFFFF, v5  }
0x17f: {  	v0 =	vadd.f32 v2, v0;
	v1 =	vadd.f32 v55, v1;
	_ =	sdelay $0x1  }
0x180: {  	v0 =	vadd.f32 v1, v0;
	_ =	sdelay $0x1  }
0x181: {  	s29 =	sadd.s32 $0x180, s10;
	[tilespmem:s0+$0x0] =	vst v0  }
0x182: {  	s15 =	sand.u32 $0x380, s29;
	v0 =	vld [tilespmem:s7+$0x80]  }
0x183: {  	s15 =	sor.u32 s15, s21;
	s21 =	sadd.s32 $0x180, s22;
	v56 =	vld [tilespmem:s8+$0x80]  }
0x184: {  	s22 =	sor.u32 $0x400, s21;
	v57 =	vld [tilespmem:s15+$0x0]  }
0x185: {  	v58 =	vld [tilespmem:s22+$0x14400]  }
0x186: {  	v59 =	vld [tilespmem:s7+$0x90]  }
0x187: {  	v60 =	vld [tilespmem:s8+$0x90]  }
0x188: {  	s30 =	sor.u32 $0x410, s21;
	v61 =	vld [tilespmem:s15+$0x10]  }
0x189: {  	v62 =	vld [tilespmem:s30+$0x14400]  }
0x18a: {  	v63 =	vld [tilespmem:s7+$0xA0]  }
0x18b: {  	v28 =	vld [tilespmem:s8+$0xA0]  }
0x18c: {  	s23 =	sor.u32 $0x420, s21;
	v29 =	vld [tilespmem:s15+$0x20]  }
0x18d: {  	v30 =	vld [tilespmem:s23+$0x14400]  }
0x18e: {  	v31 =	vld [tilespmem:s7+$0xB0]  }
0x18f: {  	v32 =	vld [tilespmem:s8+$0xB0]  }
0x190: {  	s29 =	sor.u32 $0x430, s21;
	v33 =	vld [tilespmem:s15+$0x30]  }
0x191: {  	v34 =	vld [tilespmem:s29+$0x14400]  }
0x192: {  	v35 =	vld [tilespmem:s7+$0xC0]  }
0x193: {  	v36 =	vld [tilespmem:s8+$0xC0]  }
0x194: {  	v37 =	vld [tilespmem:s15+$0x40]  }
0x195: {  	v39 =	vld [tilespmem:s7+$0xD0]  }
0x196: {  	v40 =	vld [tilespmem:s8+$0xD0]  }
0x197: {  	v41 =	vld [tilespmem:s15+$0x50]  }
0x198: {  	v43 =	vld [tilespmem:s7+$0xE0]  }
0x199: {  	v44 =	vld [tilespmem:s8+$0xE0]  }
0x19a: {  	v45 =	vld [tilespmem:s15+$0x60]  }
0x19b: {  	v49 =	vld [tilespmem:s7+$0xF0]  }
0x19c: {  	s30 =	sor.u32 $0x440, s21;
	v53 =	vld [tilespmem:s15+$0x70];
	v0 =	vmul.f32 v57, v0;
	v1 =	vmul.f32 v58, v56  }
0x19d: {  	s23 =	sor.u32 $0x450, s21;
	v38 =	vld [tilespmem:s30+$0x14400];
	v47 =	vmul.f32 v29, v63;
	v48 =	vmul.f32 v30, v28  }
0x19e: {  	s29 =	sor.u32 $0x460, s21;
	v42 =	vld [tilespmem:s23+$0x14400];
	v4 =	vmul.f32 v61, v59;
	v5 =	vmul.f32 v62, v60  }
0x19f: {  	v46 =	vld [tilespmem:s29+$0x14400];
	v52 =	vmul.f32 v33, v31;
	v54 =	vmul.f32 v34, v32  }
0x1a0: {  	v50 =	vld [tilespmem:s8+$0xF0];
	s30 =	sor.u32 $0x470, s21;
	v55 =	vmul.f32 v37, v35;
	v58 =	vmul.f32 v41, v39  }
0x1a1: {  	v56 =	vld [tilespmem:s30+$0x14400];
	v61 =	vmul.f32 v45, v43;
	v7 =	vmul.f32 v53, v49  }
0x1a2: {  	v57 =	vmul.f32 v38, v36;
	v0 =	vsub.f32 v0, v1;
	v51 =	vsub.f32 v47, v48  }
0x1a3: {  	v59 =	vmul.f32 v42, v40;
	v4 =	vsub.f32 v4, v5;
	v3 =	vsub.f32 v52, v54  }
0x1a4: {  	v2 =	vmul.f32 v46, v44;
	v60 =	vsub.f32 v55, v57;
	v0 =	vand.u32 $0x7FFFFFFF, v0  }
0x1a5: {  	v1 =	vand.u32 $0x7FFFFFFF, v51;
	v4 =	vand.u32 $0x7FFFFFFF, v4;
	v3 =	vand.u32 $0x7FFFFFFF, v3  }
0x1a6: {  	v0 =	vadd.f32 v1, v0;
	v1 =	vsub.f32 v58, v59;
	v6 =	vmul.f32 v56, v50  }
0x1a7: {  	v2 =	vsub.f32 v61, v2;
	v3 =	vadd.f32 v3, v4  }
0x1a8: {  	v5 =	vand.u32 $0x7FFFFFFF, v60;
	v62 =	vsub.f32 v7, v6;
	v1 =	vand.u32 $0x7FFFFFFF, v1  }
0x1a9: {  	v0 =	vadd.f32 v5, v0;
	v1 =	vadd.f32 v1, v3  }
0x1aa: {  	p1 =	sne.s32 s11, $0x4C00;
	v2 =	vand.u32 $0x7FFFFFFF, v2;
	v63 =	vand.u32 $0x7FFFFFFF, v62  }
.Ltmp1:
0x1ab: {  	v0 =	vadd.f32 v2, v0;
	v1 =	vadd.f32 v63, v1;
	(pc) =	sbr.rel @p1 .LBB2_5-.Ltmp1, $4  }
0x1ac: {  	_ = 	snop  }
0x1ad: {  	p0 =	por !p0, !p0;
	s9 =	sadd.s32 $0x4, s9;
	v0 =	vadd.f32 v1, v0  }
0x1ae: {  	s13 =	sadd.s32 $0x2, s13;
	s10 =	sadd.s32 $0x200, s10;
	s11 =	sadd.s32 $0x400, s11  }
0x1af: {  	s7 =	sadd.s32 $0x200, s7;
	s8 =	sadd.s32 $0x200, s8;
	[tilespmem:s0+$0x10] =	vst v0;
	s0 =	sadd.s32 $0x40, s0  }
0x1b0: {  	s0 =	sshll.u32 s1, $0x1;
	s31 =	sadd.s32 $0x1, s31  }
0x1b1: {  	s0 =	sand.u32 $0x1FFFFFE0, s0;
	p0 =	sne.s32 s31, $0x3E  }
.Ltmp2:
0x1b2: {  	s30 =	simm.s32 $0x19400;
	s0 =	sadd.s32 s6, s0;
	(pc) =	sbr.rel @p0 .LBB2_2-.Ltmp2, $4  }
0x1b3: {  	[hbm4b:s0+s3] =	stream.linear.scatter [tilespmem:s30], [sflag:$0x7], $0x500, $0x38;
	[tilespmem:$0x19900] =	vst v63  }
0x1b4: {  	_ =	swait.ge [sflag:s12], $0x500  }
0x1b5: {  	[sflag:s12] =	ssyncset.done $0x0  }
0x1b6: {  	[sflag:s12] =	ssyncadd.s32 $0xFFFFFB00  }
0x1b7: {  	_ =	swait.ge [sflag:s18], $0x2800  }
0x1b8: {  	[sflag:s18] =	ssyncset.done $0x0  }
0x1b9: {  	[sflag:s18] =	ssyncadd.s32 $0xFFFFD800  }
0x1ba: {  	_ =	swait.ge [sflag:s19], $0x2800  }
0x1bb: {  	[sflag:s19] =	ssyncset.done $0x0  }
0x1bc: {  	s0 =	simm.s32 $0x0;
	p0 =	por $0x0, $0x0;
	[sflag:s19] =	ssyncadd.s32 $0xFFFFD800  }
0x1bd: {  	s1 =	simm.s32 $0xEF20;
	s7 =	simm.s32 $0x5000;
	_ =	swait.ge [sflag:s20], $0x5000  }
0x1be: {  	s8 =	simm.s32 $0x7800;
	s9 =	simm.s32 $0x0;
	[sflag:s20] =	ssyncset.done $0x0  }
0x1bf: {  	s10 =	simm.s32 $0x0;
	s11 =	simm.s32 $0x0;
	[sflag:s20] =	ssyncadd.s32 $0xFFFFB000  }
.LBB2_8:
0x1c0: {  	v0 =	vld [tilespmem:s7+$0xFFFFFF00]  }
0x1c1: {  	v1 =	vld [tilespmem:s8+$0xFFFFFF00]  }
0x1c2: {  	v4 =	vld [tilespmem:s7+$0xFFFFFF10]  }
0x1c3: {  	v5 =	vld [tilespmem:s8+$0xFFFFFF10]  }
0x1c4: {  	v8 =	vld [tilespmem:s7+$0xFFFFFF20]  }
0x1c5: {  	v9 =	vld [tilespmem:s8+$0xFFFFFF20]  }
0x1c6: {  	v12 =	vld [tilespmem:s7+$0xFFFFFF30]  }
0x1c7: {  	v13 =	vld [tilespmem:s8+$0xFFFFFF30]  }
0x1c8: {  	v16 =	vld [tilespmem:s7+$0xFFFFFF40]  }
0x1c9: {  	v17 =	vld [tilespmem:s8+$0xFFFFFF40]  }
0x1ca: {  	v20 =	vld [tilespmem:s7+$0xFFFFFF50]  }
0x1cb: {  	v21 =	vld [tilespmem:s8+$0xFFFFFF50]  }
0x1cc: {  	s13 =	simm.s32 $0x1;
	v24 =	vld [tilespmem:s7+$0xFFFFFF60]  }
0x1cd: {  	s15 =	sand.u32 $0x7800, s11;
	v25 =	vld [tilespmem:s8+$0xFFFFFF60];
	s13 =	simm.s32 @!p0 $0x0  }
0x1ce: {  	s22 =	sand.u32 $0x200, s10;
	v57 =	vld [tilespmem:s7+$0xFFFFFF70];
	s21 =	sshll.u32 s13, $0x9;
	s13 =	sadd.s32 $0x9F00, s15  }
0x1cf: {  	v60 =	vld [tilespmem:s8+$0xFFFFFF70];
	s15 =	sadd.s32 s22, s13  }
0x1d0: {  	v2 =	vld [tilespmem:s15+$0x0]  }
0x1d1: {  	v6 =	vld [tilespmem:s15+$0x10]  }
0x1d2: {  	v10 =	vld [tilespmem:s15+$0x20]  }
0x1d3: {  	v14 =	vld [tilespmem:s15+$0x30]  }
0x1d4: {  	v18 =	vld [tilespmem:s15+$0x40]  }
0x1d5: {  	v22 =	vld [tilespmem:s15+$0x50]  }
0x1d6: {  	s21 =	sadd.s32 s21, s11;
	v26 =	vld [tilespmem:s15+$0x60]  }
0x1d7: {  	s30 =	sor.u32 $0x400, s21;
	v63 =	vld [tilespmem:s15+$0x70]  }
0x1d8: {  	s31 =	sor.u32 $0x410, s21;
	v3 =	vld [tilespmem:s30+$0x9F00]  }
0x1d9: {  	s23 =	sor.u32 $0x420, s21;
	v7 =	vld [tilespmem:s31+$0x9F00]  }
0x1da: {  	s29 =	sor.u32 $0x430, s21;
	v11 =	vld [tilespmem:s23+$0x9F00]  }
0x1db: {  	v15 =	vld [tilespmem:s29+$0x9F00];
	s30 =	sor.u32 $0x440, s21  }
0x1dc: {  	s31 =	sor.u32 $0x450, s21;
	v19 =	vld [tilespmem:s30+$0x9F00];
	v0 =	vmul.f32 v2, v0;
	v55 =	vmul.f32 v6, v4  }
0x1dd: {  	s23 =	sor.u32 $0x460, s21;
	v23 =	vld [tilespmem:s31+$0x9F00];
	v58 =	vmul.f32 v10, v8;
	v61 =	vmul.f32 v14, v12  }
0x1de: {  	s29 =	sor.u32 $0x470, s21;
	v54 =	vld [tilespmem:s23+$0x9F00];
	v28 =	vmul.f32 v18, v16;
	v30 =	vmul.f32 v22, v20  }
0x1df: {  	v27 =	vld [tilespmem:s29+$0x9F00];
	v32 =	vmul.f32 v26, v24;
	v1 =	vmul.f32 v3, v1  }
0x1e0: {  	v56 =	vmul.f32 v7, v5;
	v59 =	vmul.f32 v11, v9  }
0x1e1: {  	v62 =	vmul.f32 v15, v13;
	v5 =	vmul.f32 v63, v57  }
0x1e2: {  	v29 =	vmul.f32 v19, v17;
	v31 =	vmul.f32 v23, v21;
	v0 =	vsub.f32 v0, v1  }
0x1e3: {  	v2 =	vmul.f32 v54, v25;
	v3 =	vsub.f32 v55, v56;
	v1 =	vsub.f32 v58, v59  }
0x1e4: {  	v6 =	vmul.f32 v27, v60;
	v4 =	vsub.f32 v61, v62;
	v8 =	vsub.f32 v28, v29  }
0x1e5: {  	v11 =	vsub.f32 v30, v31;
	v2 =	vsub.f32 v32, v2;
	v0 =	vand.u32 $0x7FFFFFFF, v0  }
0x1e6: {  	v3 =	vand.u32 $0x7FFFFFFF, v3;
	v1 =	vand.u32 $0x7FFFFFFF, v1;
	v4 =	vand.u32 $0x7FFFFFFF, v4  }
0x1e7: {  	v0 =	vadd.f32 v1, v0;
	v33 =	vadd.f32 v4, v3  }
0x1e8: {  	v5 =	vsub.f32 v5, v6;
	v34 =	vand.u32 $0x7FFFFFFF, v8;
	v35 =	vand.u32 $0x7FFFFFFF, v11  }
0x1e9: {  	v0 =	vadd.f32 v34, v0;
	v1 =	vadd.f32 v35, v33  }
0x1ea: {  	v2 =	vand.u32 $0x7FFFFFFF, v2;
	v36 =	vand.u32 $0x7FFFFFFF, v5  }
0x1eb: {  	v0 =	vadd.f32 v2, v0;
	v1 =	vadd.f32 v36, v1;
	_ =	sdelay $0x1  }
0x1ec: {  	v0 =	vadd.f32 v1, v0  }
0x1ed: {  	s30 =	sand.u32 $0x7, s9  }
0x1ee: {  	s31 =	sadd.s32 $0x80, s10;
	s15 =	sshll.u32 s30, $0x7;
	[tilespmem:s1+$0xFFFFFFE0] =	vst v0  }
0x1ef: {  	s23 =	sand.u32 $0x280, s31;
	s21 =	sadd.s32 s11, s15;
	v0 =	vld [tilespmem:s7+$0xFFFFFF80]  }
0x1f0: {  	s15 =	sadd.s32 s23, s13;
	s22 =	sadd.s32 $0x80, s21;
	v37 =	vld [tilespmem:s8+$0xFFFFFF80]  }
0x1f1: {  	s23 =	sor.u32 $0x400, s22;
	v38 =	vld [tilespmem:s15+$0x0]  }
0x1f2: {  	v39 =	vld [tilespmem:s23+$0x9F00]  }
0x1f3: {  	v40 =	vld [tilespmem:s7+$0xFFFFFF90]  }
0x1f4: {  	v41 =	vld [tilespmem:s8+$0xFFFFFF90]  }
0x1f5: {  	s29 =	sor.u32 $0x410, s22;
	v42 =	vld [tilespmem:s15+$0x10]  }
0x1f6: {  	v43 =	vld [tilespmem:s29+$0x9F00]  }
0x1f7: {  	v44 =	vld [tilespmem:s7+$0xFFFFFFA0]  }
0x1f8: {  	v45 =	vld [tilespmem:s8+$0xFFFFFFA0]  }
0x1f9: {  	s30 =	sor.u32 $0x420, s22;
	v46 =	vld [tilespmem:s15+$0x20]  }
0x1fa: {  	v47 =	vld [tilespmem:s30+$0x9F00]  }
0x1fb: {  	v48 =	vld [tilespmem:s7+$0xFFFFFFB0]  }
0x1fc: {  	v49 =	vld [tilespmem:s8+$0xFFFFFFB0]  }
0x1fd: {  	s31 =	sor.u32 $0x430, s22;
	v50 =	vld [tilespmem:s15+$0x30]  }
0x1fe: {  	v51 =	vld [tilespmem:s31+$0x9F00]  }
0x1ff: {  	v52 =	vld [tilespmem:s7+$0xFFFFFFC0]  }
0x200: {  	v53 =	vld [tilespmem:s8+$0xFFFFFFC0]  }
0x201: {  	v54 =	vld [tilespmem:s15+$0x40]  }
0x202: {  	v56 =	vld [tilespmem:s7+$0xFFFFFFD0]  }
0x203: {  	v57 =	vld [tilespmem:s8+$0xFFFFFFD0]  }
0x204: {  	v58 =	vld [tilespmem:s15+$0x50]  }
0x205: {  	v60 =	vld [tilespmem:s7+$0xFFFFFFE0]  }
0x206: {  	v61 =	vld [tilespmem:s8+$0xFFFFFFE0]  }
0x207: {  	v62 =	vld [tilespmem:s15+$0x60]  }
0x208: {  	v29 =	vld [tilespmem:s7+$0xFFFFFFF0]  }
0x209: {  	v32 =	vld [tilespmem:s8+$0xFFFFFFF0]  }
0x20a: {  	s29 =	sor.u32 $0x440, s22;
	v35 =	vld [tilespmem:s15+$0x70]  }
0x20b: {  	s30 =	sor.u32 $0x450, s22;
	v55 =	vld [tilespmem:s29+$0x9F00];
	v0 =	vmul.f32 v38, v0;
	v1 =	vmul.f32 v39, v37  }
0x20c: {  	s31 =	sor.u32 $0x460, s22;
	v59 =	vld [tilespmem:s30+$0x9F00];
	v27 =	vmul.f32 v42, v40;
	v28 =	vmul.f32 v43, v41  }
0x20d: {  	s23 =	sor.u32 $0x470, s22;
	v63 =	vld [tilespmem:s31+$0x9F00];
	v30 =	vmul.f32 v46, v44;
	v31 =	vmul.f32 v47, v45  }
0x20e: {  	v36 =	vld [tilespmem:s23+$0x9F00];
	v33 =	vmul.f32 v50, v48;
	v34 =	vmul.f32 v51, v49  }
0x20f: {  	v37 =	vmul.f32 v54, v52;
	v39 =	vmul.f32 v58, v56  }
0x210: {  	v41 =	vmul.f32 v62, v60;
	v5 =	vmul.f32 v35, v29  }
0x211: {  	v38 =	vmul.f32 v55, v53;
	v40 =	vmul.f32 v59, v57;
	v0 =	vsub.f32 v0, v1  }
0x212: {  	v2 =	vmul.f32 v63, v61;
	v3 =	vsub.f32 v27, v28;
	v1 =	vsub.f32 v30, v31  }
0x213: {  	v6 =	vmul.f32 v36, v32;
	v4 =	vsub.f32 v33, v34;
	v8 =	vsub.f32 v37, v38  }
0x214: {  	v11 =	vsub.f32 v39, v40;
	v2 =	vsub.f32 v41, v2;
	v0 =	vand.u32 $0x7FFFFFFF, v0  }
0x215: {  	v3 =	vand.u32 $0x7FFFFFFF, v3;
	v1 =	vand.u32 $0x7FFFFFFF, v1;
	v4 =	vand.u32 $0x7FFFFFFF, v4  }
0x216: {  	v0 =	vadd.f32 v1, v0;
	v42 =	vadd.f32 v4, v3  }
0x217: {  	v5 =	vsub.f32 v5, v6;
	v43 =	vand.u32 $0x7FFFFFFF, v8;
	v44 =	vand.u32 $0x7FFFFFFF, v11  }
0x218: {  	v0 =	vadd.f32 v43, v0;
	v1 =	vadd.f32 v44, v42  }
0x219: {  	v2 =	vand.u32 $0x7FFFFFFF, v2;
	v45 =	vand.u32 $0x7FFFFFFF, v5  }
0x21a: {  	v0 =	vadd.f32 v2, v0;
	v1 =	vadd.f32 v45, v1;
	_ =	sdelay $0x1  }
0x21b: {  	v0 =	vadd.f32 v1, v0  }
0x21c: {  	s29 =	sand.u32 $0x3, s0  }
0x21d: {  	s30 =	sadd.s32 $0x100, s10;
	s15 =	sshll.u32 s29, $0x8;
	[tilespmem:s1+$0xFFFFFFF0] =	vst v0  }
0x21e: {  	s22 =	sand.u32 $0x300, s30;
	s15 =	sadd.s32 s11, s15;
	v0 =	vld [tilespmem:s7+$0x0]  }
0x21f: {  	s22 =	sadd.s32 s22, s13;
	s15 =	sadd.s32 $0x100, s15;
	v46 =	vld [tilespmem:s8+$0x0]  }
0x220: {  	s31 =	sor.u32 $0x400, s15;
	v47 =	vld [tilespmem:s22+$0x0]  }
0x221: {  	v48 =	vld [tilespmem:s31+$0x9F00]  }
0x222: {  	v49 =	vld [tilespmem:s7+$0x10]  }
0x223: {  	v50 =	vld [tilespmem:s8+$0x10]  }
0x224: {  	s29 =	sor.u32 $0x410, s15;
	v51 =	vld [tilespmem:s22+$0x10]  }
0x225: {  	v52 =	vld [tilespmem:s29+$0x9F00]  }
0x226: {  	v53 =	vld [tilespmem:s7+$0x20]  }
0x227: {  	v54 =	vld [tilespmem:s8+$0x20]  }
0x228: {  	s30 =	sor.u32 $0x420, s15;
	v55 =	vld [tilespmem:s22+$0x20]  }
0x229: {  	v56 =	vld [tilespmem:s30+$0x9F00]  }
0x22a: {  	v57 =	vld [tilespmem:s7+$0x30]  }
0x22b: {  	v58 =	vld [tilespmem:s8+$0x30]  }
0x22c: {  	v59 =	vld [tilespmem:s22+$0x30]  }
0x22d: {  	v61 =	vld [tilespmem:s7+$0x40]  }
0x22e: {  	v62 =	vld [tilespmem:s8+$0x40]  }
0x22f: {  	v63 =	vld [tilespmem:s22+$0x40]  }
0x230: {  	v29 =	vld [tilespmem:s7+$0x50]  }
0x231: {  	v30 =	vld [tilespmem:s8+$0x50]  }
0x232: {  	v31 =	vld [tilespmem:s22+$0x50]  }
0x233: {  	v33 =	vld [tilespmem:s7+$0x60]  }
0x234: {  	v34 =	vld [tilespmem:s8+$0x60]  }
0x235: {  	v35 =	vld [tilespmem:s22+$0x60]  }
0x236: {  	s31 =	sor.u32 $0x430, s15;
	v39 =	vld [tilespmem:s7+$0x70]  }
0x237: {  	s29 =	sor.u32 $0x440, s15;
	v60 =	vld [tilespmem:s31+$0x9F00]  }
0x238: {  	s30 =	sor.u32 $0x450, s15;
	v28 =	vld [tilespmem:s29+$0x9F00];
	v0 =	vmul.f32 v47, v0;
	v1 =	vmul.f32 v48, v46  }
0x239: {  	v32 =	vld [tilespmem:s30+$0x9F00];
	v37 =	vmul.f32 v51, v49;
	v38 =	vmul.f32 v52, v50  }
0x23a: {  	v45 =	vld [tilespmem:s22+$0x70];
	s31 =	sor.u32 $0x460, s15;
	v40 =	vmul.f32 v55, v53;
	v41 =	vmul.f32 v56, v54  }
0x23b: {  	v36 =	vld [tilespmem:s31+$0x9F00];
	v43 =	vmul.f32 v59, v57;
	v47 =	vmul.f32 v63, v61  }
0x23c: {  	v42 =	vld [tilespmem:s8+$0x70];
	s15 =	sor.u32 $0x470, s15;
	v49 =	vmul.f32 v31, v29;
	v51 =	vmul.f32 v35, v33  }
0x23d: {  	v46 =	vld [tilespmem:s15+$0x9F00];
	v44 =	vmul.f32 v60, v58;
	v48 =	vmul.f32 v28, v62  }
0x23e: {  	v50 =	vmul.f32 v32, v30;
	v0 =	vsub.f32 v0, v1;
	v3 =	vsub.f32 v37, v38  }
0x23f: {  	v5 =	vmul.f32 v45, v39;
	v1 =	vsub.f32 v40, v41;
	v4 =	vsub.f32 v43, v44  }
0x240: {  	v2 =	vmul.f32 v36, v34;
	v8 =	vsub.f32 v47, v48;
	v11 =	vsub.f32 v49, v50  }
0x241: {  	v0 =	vand.u32 $0x7FFFFFFF, v0;
	v3 =	vand.u32 $0x7FFFFFFF, v3;
	v1 =	vand.u32 $0x7FFFFFFF, v1  }
0x242: {  	v2 =	vsub.f32 v51, v2;
	v4 =	vand.u32 $0x7FFFFFFF, v4;
	v6 =	vmul.f32 v46, v42  }
0x243: {  	v0 =	vadd.f32 v1, v0;
	v52 =	vadd.f32 v4, v3  }
0x244: {  	v53 =	vand.u32 $0x7FFFFFFF, v8;
	v54 =	vand.u32 $0x7FFFFFFF, v11;
	v5 =	vsub.f32 v5, v6  }
0x245: {  	v0 =	vadd.f32 v53, v0;
	v1 =	vadd.f32 v54, v52  }
0x246: {  	v2 =	vand.u32 $0x7FFFFFFF, v2;
	v55 =	vand.u32 $0x7FFFFFFF, v5  }
0x247: {  	v0 =	vadd.f32 v2, v0;
	v1 =	vadd.f32 v55, v1;
	_ =	sdelay $0x1  }
0x248: {  	v0 =	vadd.f32 v1, v0;
	_ =	sdelay $0x1  }
0x249: {  	s29 =	sadd.s32 $0x180, s10;
	[tilespmem:s1+$0x0] =	vst v0  }
0x24a: {  	s15 =	sand.u32 $0x380, s29;
	v0 =	vld [tilespmem:s7+$0x80]  }
0x24b: {  	s13 =	sadd.s32 s15, s13;
	s15 =	sadd.s32 $0x180, s21;
	v56 =	vld [tilespmem:s8+$0x80]  }
0x24c: {  	s21 =	sor.u32 $0x400, s15;
	v57 =	vld [tilespmem:s13+$0x0]  }
0x24d: {  	v58 =	vld [tilespmem:s21+$0x9F00]  }
0x24e: {  	v59 =	vld [tilespmem:s7+$0x90]  }
0x24f: {  	v60 =	vld [tilespmem:s8+$0x90]  }
0x250: {  	s30 =	sor.u32 $0x410, s15;
	v61 =	vld [tilespmem:s13+$0x10]  }
0x251: {  	v62 =	vld [tilespmem:s30+$0x9F00]  }
0x252: {  	v63 =	vld [tilespmem:s7+$0xA0]  }
0x253: {  	v28 =	vld [tilespmem:s8+$0xA0]  }
0x254: {  	s31 =	sor.u32 $0x420, s15;
	v29 =	vld [tilespmem:s13+$0x20]  }
0x255: {  	v30 =	vld [tilespmem:s31+$0x9F00]  }
0x256: {  	v31 =	vld [tilespmem:s7+$0xB0]  }
0x257: {  	v32 =	vld [tilespmem:s8+$0xB0]  }
0x258: {  	s22 =	sor.u32 $0x430, s15;
	v33 =	vld [tilespmem:s13+$0x30]  }
0x259: {  	v34 =	vld [tilespmem:s22+$0x9F00]  }
0x25a: {  	v35 =	vld [tilespmem:s7+$0xC0]  }
0x25b: {  	v36 =	vld [tilespmem:s8+$0xC0]  }
0x25c: {  	s23 =	sor.u32 $0x440, s15;
	v37 =	vld [tilespmem:s13+$0x40]  }
0x25d: {  	v38 =	vld [tilespmem:s23+$0x9F00]  }
0x25e: {  	v39 =	vld [tilespmem:s7+$0xD0]  }
0x25f: {  	v40 =	vld [tilespmem:s8+$0xD0]  }
0x260: {  	s29 =	sor.u32 $0x450, s15;
	v41 =	vld [tilespmem:s13+$0x50]  }
0x261: {  	v42 =	vld [tilespmem:s29+$0x9F00]  }
0x262: {  	v43 =	vld [tilespmem:s7+$0xE0]  }
0x263: {  	v44 =	vld [tilespmem:s8+$0xE0]  }
0x264: {  	v45 =	vld [tilespmem:s13+$0x60];
	v0 =	vmul.f32 v57, v0;
	v1 =	vmul.f32 v58, v56  }
0x265: {  	v49 =	vld [tilespmem:s7+$0xF0];
	v47 =	vmul.f32 v29, v63;
	v48 =	vmul.f32 v30, v28  }
0x266: {  	s30 =	sor.u32 $0x460, s15;
	v53 =	vld [tilespmem:s13+$0x70];
	v4 =	vmul.f32 v61, v59;
	v5 =	vmul.f32 v62, v60  }
0x267: {  	v46 =	vld [tilespmem:s30+$0x9F00];
	v52 =	vmul.f32 v33, v31;
	v54 =	vmul.f32 v34, v32  }
0x268: {  	v50 =	vld [tilespmem:s8+$0xF0];
	s31 =	sor.u32 $0x470, s15;
	v55 =	vmul.f32 v37, v35;
	v57 =	vmul.f32 v38, v36  }
0x269: {  	v56 =	vld [tilespmem:s31+$0x9F00];
	v58 =	vmul.f32 v41, v39;
	v59 =	vmul.f32 v42, v40  }
0x26a: {  	v61 =	vmul.f32 v45, v43;
	v0 =	vsub.f32 v0, v1;
	v51 =	vsub.f32 v47, v48  }
0x26b: {  	v7 =	vmul.f32 v53, v49;
	v4 =	vsub.f32 v4, v5;
	v3 =	vsub.f32 v52, v54  }
0x26c: {  	v2 =	vmul.f32 v46, v44;
	v60 =	vsub.f32 v55, v57;
	v0 =	vand.u32 $0x7FFFFFFF, v0  }
0x26d: {  	v1 =	vand.u32 $0x7FFFFFFF, v51;
	v4 =	vand.u32 $0x7FFFFFFF, v4;
	v3 =	vand.u32 $0x7FFFFFFF, v3  }
0x26e: {  	v0 =	vadd.f32 v1, v0;
	v1 =	vsub.f32 v58, v59;
	v6 =	vmul.f32 v56, v50  }
0x26f: {  	v2 =	vsub.f32 v61, v2;
	v3 =	vadd.f32 v3, v4  }
0x270: {  	v5 =	vand.u32 $0x7FFFFFFF, v60;
	v62 =	vsub.f32 v7, v6;
	v1 =	vand.u32 $0x7FFFFFFF, v1  }
0x271: {  	v0 =	vadd.f32 v5, v0;
	v1 =	vadd.f32 v1, v3  }
0x272: {  	p1 =	sne.s32 s11, $0x4C00;
	v2 =	vand.u32 $0x7FFFFFFF, v2;
	v63 =	vand.u32 $0x7FFFFFFF, v62  }
.Ltmp3:
0x273: {  	v0 =	vadd.f32 v2, v0;
	v1 =	vadd.f32 v63, v1;
	(pc) =	sbr.rel @p1 .LBB2_8-.Ltmp3, $4  }
0x274: {  	_ = 	snop  }
0x275: {  	p0 =	por !p0, !p0;
	s9 =	sadd.s32 $0x4, s9;
	v0 =	vadd.f32 v1, v0  }
0x276: {  	s0 =	sadd.s32 $0x2, s0;
	s11 =	sadd.s32 $0x400, s11;
	s10 =	sadd.s32 $0x200, s10  }
0x277: {  	s7 =	sadd.s32 $0x200, s7;
	s8 =	sadd.s32 $0x200, s8;
	[tilespmem:s1+$0x10] =	vst v0;
	s1 =	sadd.s32 $0x40, s1  }
0x278: {  	s0 =	rddreg [dreg:$0x6]  }
0x279: {  	[hbm4b:s0+s3] =	stream.linear.scatter [tilespmem:s24], [sflag:$0x7], $0x500, $0x38;
	[tilespmem:$0x19900] =	vst v63  }
0x27a: {  	_ =	swait.ge [sflag:s12], $0x500  }
0x27b: {  	s1 =	rddreg [dreg:$0x8]  }
0x27c: {  	s31 =	rddreg [dreg:$0x7];
	s1 =	sadd.s32 $0x1, s1  }
0x27d: {  	p0 =	sne.s32 s1, s31  }
.Ltmp4:
0x27e: {  	_ = 	snop;
	(pc) =	sbr.rel @p0 .LBB2_1-.Ltmp4, $3  }
0x27f: {  	_ =	sdelay $0x1  }
0x280: {  	[sflag:s12] =	ssyncset.done $0x0  }
0x281: {  	[sflag:s12] =	ssyncadd.s32 $0xFFFFFB00  }
0x282: {  	_ =	sfence.sel $0x180000  }
0x283: {  	[bflag:$0x0] =	sbarrier.arrive $0xFFFF  }
0x284: {  	_ =	strace $0x90000047  }
0x285: {  	s0 =	stileid.u32;
	[bflag:$0x2] =	sbarrier.arrive $0xFFFF  }
0x286: {  	p0 =	sne.s32 s0, $0x0;
	s0 =	rddreg [dreg:$0x2]  }
0x287: {  	s0 =	sadd.s32 @!p0 $0x100000, s0  }
0x288: {  	[sflag:s0] =	ssyncadd.tile.s32 @!p0 $0x1;
	_ =	shalt  }
.Lfunc_end2:
_tile_overlayer_lowered:
.L_overlay_start_2:
0x289: {  	(tag) =	ssettag $0x2  }
0x28a: {  	s0 =	rddreg [dreg:$0x0];
	s2 =	stileid.u32  }
0x28b: {  	s1 =	rddreg [dreg:$0x1];
	p0 =	sne.s32 s2, $0x0  }
0x28c: {  	s3 =	rddreg [dreg:$0x2];
	[bflag:$0x3] =	sbarrier.arrive $0xFFFF;
	s2 =	simm.s32 @!p0 $0x1C07  }
0x28d: {  	[timem:s3], [sflag:s2] =	dma.local @!p0 [hbm:s0], s1  }
0x28e: {  	s0 =	simm.s32 @!p0 $0x7  }
0x28f: {  	_ =	swait.ge @!p0 [sflag:s0], s1  }
0x290: {  	s1 =	ssub.s32 @!p0 $0x0, s1;
	[sflag:s0] =	ssyncset.done @!p0 $0x0  }
0x291: {  	[sflag:s0] =	ssyncadd.s32 @!p0 s1  }
0x292: {  	[bflag:$0x3] =	sbarrier.arrive $0xFFFF  }
0x293: {  	_ =	shalt  }

</sc_bundles>
